<compile_context>
chip_gen: v7x
topology: tpu7x:2x2x1
jax: 0.10.2.dev20260603
libtpu: 0.0.44.dev20260713+nightly
codegen_flags: <defaults>
</compile_context>

<pallas_src>
import functools

import jax
import jax.numpy as jnp
from jax import lax
from jax.experimental import pallas as pl
from jax.experimental.pallas import tpu as pltpu
from jax.experimental.pallas import tpu_sc as plsc

N_UNITS = 64
CHUNK = 128
B_TOTAL = 4096 * 200
NC = 2
NS = 16
NW = NC * NS
IDX_PER_W = B_TOTAL // NW
N_CHUNKS = IDX_PER_W // CHUNK
NBUF = 8
LOOKAHEAD = 4
SCALE = 8.0

_mesh = plsc.VectorSubcoreMesh(core_axis_name="c", subcore_axis_name="s")


@functools.partial(
    pl.kernel,
    mesh=_mesh,
    out_type=jax.ShapeDtypeStruct((B_TOTAL, N_UNITS), jnp.float32),
    scratch_types=[
        pltpu.VMEM((N_CHUNKS, CHUNK), jnp.int32),
        pltpu.VMEM((NBUF, CHUNK, N_UNITS), jnp.float32),
        pltpu.SemaphoreType.DMA((NBUF,)),
        pltpu.SemaphoreType.DMA((NBUF,)),
    ],
    compiler_params=pltpu.CompilerParams(use_tc_tiling_on_sc=False),
)
def _emb_lookup(x_hbm, table_hbm, out_hbm, idx_v, bufs, gsem, osem):
    wid = lax.axis_index("s") * NC + lax.axis_index("c")
    idx_base = wid * IDX_PER_W

    pltpu.sync_copy(x_hbm.at[pl.ds(wid * N_CHUNKS, N_CHUNKS)], idx_v)

    def fire_gather(chunk_i, b):
        pltpu.async_copy(table_hbm.at[idx_v.at[chunk_i]], bufs.at[b],
                         gsem.at[b])

    def out_slice(chunk_i):
        return out_hbm.at[pl.ds((idx_base + chunk_i * CHUNK), CHUNK)]

    for b in range(LOOKAHEAD):
        fire_gather(b, b)

    def group(h, carry):
        for b in range(NBUF):
            i = h * NBUF + b
            pltpu.make_async_copy(bufs.at[b], out_slice(i), gsem.at[b]).wait()

            def scale(r, c2, _b=b):
                for rr in range(2):
                    for o in range(0, N_UNITS, 16):
                        bufs[_b, r * 2 + rr, pl.ds(o, 16)] = (
                            bufs[_b, r * 2 + rr, pl.ds(o, 16)] * SCALE)
                return c2

            lax.fori_loop(0, CHUNK // 2, scale, 0)

            pltpu.async_copy(bufs.at[b], out_slice(i), osem.at[b])

            bq = (b + LOOKAHEAD) % NBUF

            @pl.when(i >= LOOKAHEAD)
            def _drain():
                pltpu.make_async_copy(bufs.at[bq], out_slice(0),
                                      osem.at[bq]).wait()

            @pl.when(i + LOOKAHEAD < N_CHUNKS)
            def _refill():
                fire_gather(i + LOOKAHEAD, bq)

        return carry

    lax.fori_loop(0, N_CHUNKS // NBUF, group, 0)

    for b in range(LOOKAHEAD, NBUF):
        pltpu.make_async_copy(bufs.at[b], out_slice(0), osem.at[b]).wait()


def kernel(x, table):
    xf = x.reshape(B_TOTAL // CHUNK, CHUNK)
    out = _emb_lookup(xf, table)
    return out.reshape(x.shape + (N_UNITS,))

# --- scband reference (transcript-rebuilt; emitter-appended) ---
"""Pipeline reference for scband-word-embedding-37228776521969 (READ-ONLY COPY).

The authoritative reference and input builder live on the scoring server;
editing this copy changes nothing except your own understanding.
"""

import jax, jax.numpy as jnp
import numpy as np
import math

VOCAB = 1000000
N_UNITS = 64

def setup_inputs(seed: int = 0) -> dict:
    key = jax.random.key(seed)
    k1, k2 = jax.random.split(key)
    x = jax.random.randint(k1, (4096, 200), 0, VOCAB, dtype=jnp.int64) if jax.config.read('jax_enable_x64') else jax.random.randint(k1, (4096, 200), 0, VOCAB, dtype=jnp.int32).astype(jnp.int32)
    table = jax.random.normal(k2, (VOCAB, N_UNITS), dtype=jnp.float32)
    return {"x": x, "table": table}

def reference(x, table):
    # WordEmbedding.forward: self.lut(x) * sqrt(n_units)
    emb = jnp.take(table, x, axis=0)
    return emb * math.sqrt(N_UNITS)

if __name__ == "__main__":
    import jax
    _d = setup_inputs()
    print(jax.jit(kernel)(*tuple(_d.values())))

</pallas_src>

<mosaic_0001>
#map = affine_map<(d0, d1) -> (0, 0)>
module attributes {stable_mosaic.version = 14 : i64} {
  func.func @_emb_lookup(%arg0: i32, %arg1: i32, %arg2: memref<6400x128xi32, #tpu.memory_space<hbm>>, %arg3: memref<1000000x64xf32, #tpu.memory_space<hbm>>, %arg4: memref<819200x64xf32, #tpu.memory_space<hbm>>, %arg5: memref<200x128xi32, #tpu.memory_space<vmem>>, %arg6: memref<8x128x64xf32, #tpu.memory_space<vmem>>, %arg7: memref<8x!tpu.dma_semaphore, #tpu.memory_space<semaphore_mem>>, %arg8: memref<8x!tpu.dma_semaphore, #tpu.memory_space<semaphore_mem>>) attributes {dimension_semantics = [#tpu.dimension_semantics<core_parallel>, #tpu.dimension_semantics<subcore_parallel>], iteration_bounds = array<i64: 2, 16>, scalar_prefetch = 0 : i64, scratch_operands = 4 : i64, tpu.core_type = #tpu.core_type<sc_vector_subcore>, window_params = [{transform_indices = #map}, {transform_indices = #map}, {transform_indices = #map}]} {
    %mul3A = arith.constant 2 : i32
    %mul3A_0 = arith.muli %arg1, %mul3A : i32
    %add3A = arith.addi %mul3A_0, %arg0 : i32
    %mul3A_1 = arith.constant 25600 : i32
    %mul3A_2 = arith.muli %add3A, %mul3A_1 : i32
    %mul3A_3 = arith.constant 200 : i32
    %mul3A_4 = arith.muli %add3A, %mul3A_3 : i32
    "tpu.region"() ({
      %run_scoped3A = tpu.sem_alloc : memref<!tpu.dma_semaphore, #tpu.memory_space<semaphore_mem>>
      %dma_start3A_140 = arith.constant 0 : i32
      %dma_start3A_141 = tpu.memref_slice %arg2[%mul3A_4, %dma_start3A_140] : memref<6400x128xi32, #tpu.memory_space<hbm>> -> memref<200x128xi32, #tpu.memory_space<hbm>>
      %dma_start3A_142 = arith.constant 0 : i32
      %dma_start3A_143 = tpu.memref_slice %arg2[%mul3A_4, %dma_start3A_142] : memref<6400x128xi32, #tpu.memory_space<hbm>> -> memref<200x128xi32, #tpu.memory_space<hbm>>
      tpu.enqueue_dma source(%dma_start3A_143 : memref<200x128xi32, #tpu.memory_space<hbm>>) target(%arg5 : memref<200x128xi32, #tpu.memory_space<vmem>>) target_semaphore(%run_scoped3A : memref<!tpu.dma_semaphore, #tpu.memory_space<semaphore_mem>>)
      %dma_wait3A_144 = arith.constant 0 : i32
      %dma_wait3A_145 = tpu.memref_slice %arg2[%mul3A_4, %dma_wait3A_144] : memref<6400x128xi32, #tpu.memory_space<hbm>> -> memref<200x128xi32, #tpu.memory_space<hbm>>
      %dma_wait3A_146 = arith.constant 0 : i32
      %dma_wait3A_147 = tpu.memref_slice %arg2[%mul3A_4, %dma_wait3A_146] : memref<6400x128xi32, #tpu.memory_space<hbm>> -> memref<200x128xi32, #tpu.memory_space<hbm>>
      tpu.wait_dma2 semaphore(%run_scoped3A : memref<!tpu.dma_semaphore, #tpu.memory_space<semaphore_mem>>) src(%dma_wait3A_147 : memref<200x128xi32, #tpu.memory_space<hbm>>) dst(%arg5 : memref<200x128xi32, #tpu.memory_space<vmem>>)
      tpu.yield
    }) : () -> ()
    %dma_start3A = arith.constant 0 : i32
    %dma_start3A_5 = arith.constant 0 : i32
    %dma_start3A_6 = arith.constant 0 : i32
    %dma_start3A_7 = arith.constant 0 : i32
    %dma_start3A_8 = arith.constant 0 : i32
    %dma_start3A_9 = tpu.memref_slice %arg6[%dma_start3A_5, %dma_start3A_7, %dma_start3A_8] : memref<8x128x64xf32, #tpu.memory_space<vmem>> -> memref<1x128x64xf32, #tpu.memory_space<vmem>>
    %dma_start3A_10 = tpu.memref_squeeze %dma_start3A_9 : memref<1x128x64xf32, #tpu.memory_space<vmem>> -> memref<128x64xf32, #tpu.memory_space<vmem>>
    %dma_start3A_11 = arith.constant 0 : i32
    %dma_start3A_12 = tpu.memref_slice %arg5[%dma_start3A, %dma_start3A_11] : memref<200x128xi32, #tpu.memory_space<vmem>> -> memref<1x128xi32, #tpu.memory_space<vmem>>
    %dma_start3A_13 = tpu.memref_squeeze %dma_start3A_12 : memref<1x128xi32, #tpu.memory_space<vmem>> -> memref<128xi32, #tpu.memory_space<vmem>>
    %dma_start3A_14 = arith.constant 0 : i32
    %dma_start3A_15 = arith.constant 0 : i32
    %dma_start3A_16 = tpu.memref_slice %arg3[%dma_start3A_14, %dma_start3A_15] : memref<1000000x64xf32, #tpu.memory_space<hbm>> -> memref<1000000x64xf32, #tpu.memory_space<hbm>>
    %dma_start3A_17 = tpu.memref_slice %arg7[%dma_start3A_6] : memref<8x!tpu.dma_semaphore, #tpu.memory_space<semaphore_mem>> -> memref<1x!tpu.dma_semaphore, #tpu.memory_space<semaphore_mem>>
    %dma_start3A_18 = tpu.memref_squeeze %dma_start3A_17 : memref<1x!tpu.dma_semaphore, #tpu.memory_space<semaphore_mem>> -> memref<!tpu.dma_semaphore, #tpu.memory_space<semaphore_mem>>
    tpu.enqueue_indirect_dma source(%dma_start3A_16 : memref<1000000x64xf32, #tpu.memory_space<hbm>>) target(%dma_start3A_10 : memref<128x64xf32, #tpu.memory_space<vmem>>) offsets(%dma_start3A_13 : memref<128xi32, #tpu.memory_space<vmem>>) semaphore(%dma_start3A_18 : memref<!tpu.dma_semaphore, #tpu.memory_space<semaphore_mem>>)
    %dma_start3A_19 = arith.constant 1 : i32
    %dma_start3A_20 = arith.constant 1 : i32
    %dma_start3A_21 = arith.constant 1 : i32
    %dma_start3A_22 = arith.constant 0 : i32
    %dma_start3A_23 = arith.constant 0 : i32
    %dma_start3A_24 = tpu.memref_slice %arg6[%dma_start3A_20, %dma_start3A_22, %dma_start3A_23] : memref<8x128x64xf32, #tpu.memory_space<vmem>> -> memref<1x128x64xf32, #tpu.memory_space<vmem>>
    %dma_start3A_25 = tpu.memref_squeeze %dma_start3A_24 : memref<1x128x64xf32, #tpu.memory_space<vmem>> -> memref<128x64xf32, #tpu.memory_space<vmem>>
    %dma_start3A_26 = arith.constant 0 : i32
    %dma_start3A_27 = tpu.memref_slice %arg5[%dma_start3A_19, %dma_start3A_26] : memref<200x128xi32, #tpu.memory_space<vmem>> -> memref<1x128xi32, #tpu.memory_space<vmem>>
    %dma_start3A_28 = tpu.memref_squeeze %dma_start3A_27 : memref<1x128xi32, #tpu.memory_space<vmem>> -> memref<128xi32, #tpu.memory_space<vmem>>
    %dma_start3A_29 = arith.constant 0 : i32
    %dma_start3A_30 = arith.constant 0 : i32
    %dma_start3A_31 = tpu.memref_slice %arg3[%dma_start3A_29, %dma_start3A_30] : memref<1000000x64xf32, #tpu.memory_space<hbm>> -> memref<1000000x64xf32, #tpu.memory_space<hbm>>
    %dma_start3A_32 = tpu.memref_slice %arg7[%dma_start3A_21] : memref<8x!tpu.dma_semaphore, #tpu.memory_space<semaphore_mem>> -> memref<1x!tpu.dma_semaphore, #tpu.memory_space<semaphore_mem>>
    %dma_start3A_33 = tpu.memref_squeeze %dma_start3A_32 : memref<1x!tpu.dma_semaphore, #tpu.memory_space<semaphore_mem>> -> memref<!tpu.dma_semaphore, #tpu.memory_space<semaphore_mem>>
    tpu.enqueue_indirect_dma source(%dma_start3A_31 : memref<1000000x64xf32, #tpu.memory_space<hbm>>) target(%dma_start3A_25 : memref<128x64xf32, #tpu.memory_space<vmem>>) offsets(%dma_start3A_28 : memref<128xi32, #tpu.memory_space<vmem>>) semaphore(%dma_start3A_33 : memref<!tpu.dma_semaphore, #tpu.memory_space<semaphore_mem>>)
    %dma_start3A_34 = arith.constant 2 : i32
    %dma_start3A_35 = arith.constant 2 : i32
    %dma_start3A_36 = arith.constant 2 : i32
    %dma_start3A_37 = arith.constant 0 : i32
    %dma_start3A_38 = arith.constant 0 : i32
    %dma_start3A_39 = tpu.memref_slice %arg6[%dma_start3A_35, %dma_start3A_37, %dma_start3A_38] : memref<8x128x64xf32, #tpu.memory_space<vmem>> -> memref<1x128x64xf32, #tpu.memory_space<vmem>>
    %dma_start3A_40 = tpu.memref_squeeze %dma_start3A_39 : memref<1x128x64xf32, #tpu.memory_space<vmem>> -> memref<128x64xf32, #tpu.memory_space<vmem>>
    %dma_start3A_41 = arith.constant 0 : i32
    %dma_start3A_42 = tpu.memref_slice %arg5[%dma_start3A_34, %dma_start3A_41] : memref<200x128xi32, #tpu.memory_space<vmem>> -> memref<1x128xi32, #tpu.memory_space<vmem>>
    %dma_start3A_43 = tpu.memref_squeeze %dma_start3A_42 : memref<1x128xi32, #tpu.memory_space<vmem>> -> memref<128xi32, #tpu.memory_space<vmem>>
    %dma_start3A_44 = arith.constant 0 : i32
    %dma_start3A_45 = arith.constant 0 : i32
    %dma_start3A_46 = tpu.memref_slice %arg3[%dma_start3A_44, %dma_start3A_45] : memref<1000000x64xf32, #tpu.memory_space<hbm>> -> memref<1000000x64xf32, #tpu.memory_space<hbm>>
    %dma_start3A_47 = tpu.memref_slice %arg7[%dma_start3A_36] : memref<8x!tpu.dma_semaphore, #tpu.memory_space<semaphore_mem>> -> memref<1x!tpu.dma_semaphore, #tpu.memory_space<semaphore_mem>>
    %dma_start3A_48 = tpu.memref_squeeze %dma_start3A_47 : memref<1x!tpu.dma_semaphore, #tpu.memory_space<semaphore_mem>> -> memref<!tpu.dma_semaphore, #tpu.memory_space<semaphore_mem>>
    tpu.enqueue_indirect_dma source(%dma_start3A_46 : memref<1000000x64xf32, #tpu.memory_space<hbm>>) target(%dma_start3A_40 : memref<128x64xf32, #tpu.memory_space<vmem>>) offsets(%dma_start3A_43 : memref<128xi32, #tpu.memory_space<vmem>>) semaphore(%dma_start3A_48 : memref<!tpu.dma_semaphore, #tpu.memory_space<semaphore_mem>>)
    %dma_start3A_49 = arith.constant 3 : i32
    %dma_start3A_50 = arith.constant 3 : i32
    %dma_start3A_51 = arith.constant 3 : i32
    %dma_start3A_52 = arith.constant 0 : i32
    %dma_start3A_53 = arith.constant 0 : i32
    %dma_start3A_54 = tpu.memref_slice %arg6[%dma_start3A_50, %dma_start3A_52, %dma_start3A_53] : memref<8x128x64xf32, #tpu.memory_space<vmem>> -> memref<1x128x64xf32, #tpu.memory_space<vmem>>
    %dma_start3A_55 = tpu.memref_squeeze %dma_start3A_54 : memref<1x128x64xf32, #tpu.memory_space<vmem>> -> memref<128x64xf32, #tpu.memory_space<vmem>>
    %dma_start3A_56 = arith.constant 0 : i32
    %dma_start3A_57 = tpu.memref_slice %arg5[%dma_start3A_49, %dma_start3A_56] : memref<200x128xi32, #tpu.memory_space<vmem>> -> memref<1x128xi32, #tpu.memory_space<vmem>>
    %dma_start3A_58 = tpu.memref_squeeze %dma_start3A_57 : memref<1x128xi32, #tpu.memory_space<vmem>> -> memref<128xi32, #tpu.memory_space<vmem>>
    %dma_start3A_59 = arith.constant 0 : i32
    %dma_start3A_60 = arith.constant 0 : i32
    %dma_start3A_61 = tpu.memref_slice %arg3[%dma_start3A_59, %dma_start3A_60] : memref<1000000x64xf32, #tpu.memory_space<hbm>> -> memref<1000000x64xf32, #tpu.memory_space<hbm>>
    %dma_start3A_62 = tpu.memref_slice %arg7[%dma_start3A_51] : memref<8x!tpu.dma_semaphore, #tpu.memory_space<semaphore_mem>> -> memref<1x!tpu.dma_semaphore, #tpu.memory_space<semaphore_mem>>
    %dma_start3A_63 = tpu.memref_squeeze %dma_start3A_62 : memref<1x!tpu.dma_semaphore, #tpu.memory_space<semaphore_mem>> -> memref<!tpu.dma_semaphore, #tpu.memory_space<semaphore_mem>>
    tpu.enqueue_indirect_dma source(%dma_start3A_61 : memref<1000000x64xf32, #tpu.memory_space<hbm>>) target(%dma_start3A_55 : memref<128x64xf32, #tpu.memory_space<vmem>>) offsets(%dma_start3A_58 : memref<128xi32, #tpu.memory_space<vmem>>) semaphore(%dma_start3A_63 : memref<!tpu.dma_semaphore, #tpu.memory_space<semaphore_mem>>)
    %scan3A = arith.constant 0 : i32
    %scan3A_64 = arith.constant 0 : i32
    %scan3A_65 = arith.constant 25 : i32
    %scan3A_66 = arith.addi %scan3A_64, %scan3A_65 : i32
    %scan3A_67 = arith.constant 1 : i32
    scf.for %scan3A_140 = %scan3A_64 to %scan3A_66 step %scan3A_67  : i32 {
      %mul3A_141 = arith.constant 8 : i32
      %mul3A_142 = arith.muli %scan3A_140, %mul3A_141 : i32
      %add3A_143 = arith.constant 0 : i32
      %add3A_144 = arith.addi %mul3A_142, %add3A_143 : i32
      %mul3A_145 = arith.constant 128 : i32
      %mul3A_146 = arith.muli %add3A_144, %mul3A_145 : i32
      %add3A_147 = arith.addi %mul3A_2, %mul3A_146 : i32
      %dma_wait3A_148 = arith.constant 0 : i32
      %dma_wait3A_149 = arith.constant 0 : i32
      %dma_wait3A_150 = arith.constant 0 : i32
      %dma_wait3A_151 = arith.constant 0 : i32
      %dma_wait3A_152 = tpu.memref_slice %arg6[%dma_wait3A_148, %dma_wait3A_150, %dma_wait3A_151] : memref<8x128x64xf32, #tpu.memory_space<vmem>> -> memref<1x128x64xf32, #tpu.memory_space<vmem>>
      %dma_wait3A_153 = tpu.memref_squeeze %dma_wait3A_152 : memref<1x128x64xf32, #tpu.memory_space<vmem>> -> memref<128x64xf32, #tpu.memory_space<vmem>>
      %dma_wait3A_154 = arith.constant 0 : i32
      %dma_wait3A_155 = tpu.memref_slice %arg4[%add3A_147, %dma_wait3A_154] : memref<819200x64xf32, #tpu.memory_space<hbm>> -> memref<128x64xf32, #tpu.memory_space<hbm>>
      %dma_wait3A_156 = tpu.memref_slice %arg7[%dma_wait3A_149] : memref<8x!tpu.dma_semaphore, #tpu.memory_space<semaphore_mem>> -> memref<1x!tpu.dma_semaphore, #tpu.memory_space<semaphore_mem>>
      %dma_wait3A_157 = tpu.memref_squeeze %dma_wait3A_156 : memref<1x!tpu.dma_semaphore, #tpu.memory_space<semaphore_mem>> -> memref<!tpu.dma_semaphore, #tpu.memory_space<semaphore_mem>>
      %dma_wait3A_158 = arith.constant 0 : i32
      %dma_wait3A_159 = tpu.memref_slice %arg4[%add3A_147, %dma_wait3A_158] : memref<819200x64xf32, #tpu.memory_space<hbm>> -> memref<128x64xf32, #tpu.memory_space<hbm>>
      %dma_wait3A_160 = arith.constant 0 : i32
      %dma_wait3A_161 = arith.constant 0 : i32
      %dma_wait3A_162 = tpu.memref_slice %arg6[%dma_wait3A_148, %dma_wait3A_160, %dma_wait3A_161] : memref<8x128x64xf32, #tpu.memory_space<vmem>> -> memref<1x128x64xf32, #tpu.memory_space<vmem>>
      %dma_wait3A_163 = tpu.memref_squeeze %dma_wait3A_162 : memref<1x128x64xf32, #tpu.memory_space<vmem>> -> memref<128x64xf32, #tpu.memory_space<vmem>>
      tpu.wait_dma2 semaphore(%dma_wait3A_157 : memref<!tpu.dma_semaphore, #tpu.memory_space<semaphore_mem>>) src(%dma_wait3A_163 : memref<128x64xf32, #tpu.memory_space<vmem>>) dst(%dma_wait3A_159 : memref<128x64xf32, #tpu.memory_space<hbm>>)
      %scan3A_164 = arith.constant 0 : i32
      %scan3A_165 = arith.constant 0 : i32
      %scan3A_166 = arith.constant 64 : i32
      %scan3A_167 = arith.addi %scan3A_165, %scan3A_166 : i32
      %scan3A_168 = arith.constant 1 : i32
      scf.for %scan3A_617 = %scan3A_165 to %scan3A_167 step %scan3A_168  : i32 {
        %mul3A_618 = arith.constant 2 : i32
        %mul3A_619 = arith.muli %scan3A_617, %mul3A_618 : i32
        %add3A_620 = arith.constant 0 : i32
        %add3A_621 = arith.addi %mul3A_619, %add3A_620 : i32
        %get3A = arith.constant 0 : i32
        %get3A_622 = arith.index_cast %get3A : i32 to index
        %get3A_623 = arith.index_cast %add3A_621 : i32 to index
        %get3A_624 = arith.constant 0 : index
        %get3A_625 = tpu.vector_load %arg6[%get3A_622, %get3A_623, %get3A_624] {strides = array<i32>} : memref<8x128x64xf32, #tpu.memory_space<vmem>>, vector<1x1x16xf32>,
        %get3A_626 = vector.shape_cast %get3A_625 : vector<1x1x16xf32> to vector<16xf32>
        %mul3A_627 = arith.constant 8.000000e+00 : f32
        %mul3A_628 = vector.broadcast %mul3A_627 : f32 to vector<16xf32>
        %mul3A_629 = arith.mulf %get3A_626, %mul3A_628 : vector<16xf32>
        %mul3A_630 = arith.constant 2 : i32
        %mul3A_631 = arith.muli %scan3A_617, %mul3A_630 : i32
        %add3A_632 = arith.constant 0 : i32
        %add3A_633 = arith.addi %mul3A_631, %add3A_632 : i32
        %swap3A = arith.constant 0 : i32
        %swap3A_634 = arith.index_cast %swap3A : i32 to index
        %swap3A_635 = arith.index_cast %add3A_633 : i32 to index
        %swap3A_636 = arith.constant 0 : index
        %swap3A_637 = tpu.vector_load %arg6[%swap3A_634, %swap3A_635, %swap3A_636] {strides = array<i32>} : memref<8x128x64xf32, #tpu.memory_space<vmem>>, vector<1x1x16xf32>,
        %swap3A_638 = vector.shape_cast %swap3A_637 : vector<1x1x16xf32> to vector<16xf32>
        %swap3A_639 = vector.shape_cast %mul3A_629 : vector<16xf32> to vector<1x1x16xf32>
        tpu.vector_store %arg6[%swap3A_634, %swap3A_635, %swap3A_636], %swap3A_639 {strides = array<i32>} : memref<8x128x64xf32, #tpu.memory_space<vmem>>, vector<1x1x16xf32>,
        %mul3A_640 = arith.constant 2 : i32
        %mul3A_641 = arith.muli %scan3A_617, %mul3A_640 : i32
        %add3A_642 = arith.constant 0 : i32
        %add3A_643 = arith.addi %mul3A_641, %add3A_642 : i32
        %get3A_644 = arith.constant 0 : i32
        %get3A_645 = arith.index_cast %get3A_644 : i32 to index
        %get3A_646 = arith.index_cast %add3A_643 : i32 to index
        %get3A_647 = arith.constant 16 : index
        %get3A_648 = tpu.vector_load %arg6[%get3A_645, %get3A_646, %get3A_647] {strides = array<i32>} : memref<8x128x64xf32, #tpu.memory_space<vmem>>, vector<1x1x16xf32>,
        %get3A_649 = vector.shape_cast %get3A_648 : vector<1x1x16xf32> to vector<16xf32>
        %mul3A_650 = arith.constant 8.000000e+00 : f32
        %mul3A_651 = vector.broadcast %mul3A_650 : f32 to vector<16xf32>
        %mul3A_652 = arith.mulf %get3A_649, %mul3A_651 : vector<16xf32>
        %mul3A_653 = arith.constant 2 : i32
        %mul3A_654 = arith.muli %scan3A_617, %mul3A_653 : i32
        %add3A_655 = arith.constant 0 : i32
        %add3A_656 = arith.addi %mul3A_654, %add3A_655 : i32
        %swap3A_657 = arith.constant 0 : i32
        %swap3A_658 = arith.index_cast %swap3A_657 : i32 to index
        %swap3A_659 = arith.index_cast %add3A_656 : i32 to index
        %swap3A_660 = arith.constant 16 : index
        %swap3A_661 = tpu.vector_load %arg6[%swap3A_658, %swap3A_659, %swap3A_660] {strides = array<i32>} : memref<8x128x64xf32, #tpu.memory_space<vmem>>, vector<1x1x16xf32>,
        %swap3A_662 = vector.shape_cast %swap3A_661 : vector<1x1x16xf32> to vector<16xf32>
        %swap3A_663 = vector.shape_cast %mul3A_652 : vector<16xf32> to vector<1x1x16xf32>
        tpu.vector_store %arg6[%swap3A_658, %swap3A_659, %swap3A_660], %swap3A_663 {strides = array<i32>} : memref<8x128x64xf32, #tpu.memory_space<vmem>>, vector<1x1x16xf32>,
        %mul3A_664 = arith.constant 2 : i32
        %mul3A_665 = arith.muli %scan3A_617, %mul3A_664 : i32
        %add3A_666 = arith.constant 0 : i32
        %add3A_667 = arith.addi %mul3A_665, %add3A_666 : i32
        %get3A_668 = arith.constant 0 : i32
        %get3A_669 = arith.index_cast %get3A_668 : i32 to index
        %get3A_670 = arith.index_cast %add3A_667 : i32 to index
        %get3A_671 = arith.constant 32 : index
        %get3A_672 = tpu.vector_load %arg6[%get3A_669, %get3A_670, %get3A_671] {strides = array<i32>} : memref<8x128x64xf32, #tpu.memory_space<vmem>>, vector<1x1x16xf32>,
        %get3A_673 = vector.shape_cast %get3A_672 : vector<1x1x16xf32> to vector<16xf32>
        %mul3A_674 = arith.constant 8.000000e+00 : f32
        %mul3A_675 = vector.broadcast %mul3A_674 : f32 to vector<16xf32>
        %mul3A_676 = arith.mulf %get3A_673, %mul3A_675 : vector<16xf32>
        %mul3A_677 = arith.constant 2 : i32
        %mul3A_678 = arith.muli %scan3A_617, %mul3A_677 : i32
        %add3A_679 = arith.constant 0 : i32
        %add3A_680 = arith.addi %mul3A_678, %add3A_679 : i32
        %swap3A_681 = arith.constant 0 : i32
        %swap3A_682 = arith.index_cast %swap3A_681 : i32 to index
        %swap3A_683 = arith.index_cast %add3A_680 : i32 to index
        %swap3A_684 = arith.constant 32 : index
        %swap3A_685 = tpu.vector_load %arg6[%swap3A_682, %swap3A_683, %swap3A_684] {strides = array<i32>} : memref<8x128x64xf32, #tpu.memory_space<vmem>>, vector<1x1x16xf32>,
        %swap3A_686 = vector.shape_cast %swap3A_685 : vector<1x1x16xf32> to vector<16xf32>
        %swap3A_687 = vector.shape_cast %mul3A_676 : vector<16xf32> to vector<1x1x16xf32>
        tpu.vector_store %arg6[%swap3A_682, %swap3A_683, %swap3A_684], %swap3A_687 {strides = array<i32>} : memref<8x128x64xf32, #tpu.memory_space<vmem>>, vector<1x1x16xf32>,
        %mul3A_688 = arith.constant 2 : i32
        %mul3A_689 = arith.muli %scan3A_617, %mul3A_688 : i32
        %add3A_690 = arith.constant 0 : i32
        %add3A_691 = arith.addi %mul3A_689, %add3A_690 : i32
        %get3A_692 = arith.constant 0 : i32
        %get3A_693 = arith.index_cast %get3A_692 : i32 to index
        %get3A_694 = arith.index_cast %add3A_691 : i32 to index
        %get3A_695 = arith.constant 48 : index
        %get3A_696 = tpu.vector_load %arg6[%get3A_693, %get3A_694, %get3A_695] {strides = array<i32>} : memref<8x128x64xf32, #tpu.memory_space<vmem>>, vector<1x1x16xf32>,
        %get3A_697 = vector.shape_cast %get3A_696 : vector<1x1x16xf32> to vector<16xf32>
        %mul3A_698 = arith.constant 8.000000e+00 : f32
        %mul3A_699 = vector.broadcast %mul3A_698 : f32 to vector<16xf32>
        %mul3A_700 = arith.mulf %get3A_697, %mul3A_699 : vector<16xf32>
        %mul3A_701 = arith.constant 2 : i32
        %mul3A_702 = arith.muli %scan3A_617, %mul3A_701 : i32
        %add3A_703 = arith.constant 0 : i32
        %add3A_704 = arith.addi %mul3A_702, %add3A_703 : i32
        %swap3A_705 = arith.constant 0 : i32
        %swap3A_706 = arith.index_cast %swap3A_705 : i32 to index
        %swap3A_707 = arith.index_cast %add3A_704 : i32 to index
        %swap3A_708 = arith.constant 48 : index
        %swap3A_709 = tpu.vector_load %arg6[%swap3A_706, %swap3A_707, %swap3A_708] {strides = array<i32>} : memref<8x128x64xf32, #tpu.memory_space<vmem>>, vector<1x1x16xf32>,
        %swap3A_710 = vector.shape_cast %swap3A_709 : vector<1x1x16xf32> to vector<16xf32>
        %swap3A_711 = vector.shape_cast %mul3A_700 : vector<16xf32> to vector<1x1x16xf32>
        tpu.vector_store %arg6[%swap3A_706, %swap3A_707, %swap3A_708], %swap3A_711 {strides = array<i32>} : memref<8x128x64xf32, #tpu.memory_space<vmem>>, vector<1x1x16xf32>,
        %mul3A_712 = arith.constant 2 : i32
        %mul3A_713 = arith.muli %scan3A_617, %mul3A_712 : i32
        %add3A_714 = arith.constant 1 : i32
        %add3A_715 = arith.addi %mul3A_713, %add3A_714 : i32
        %get3A_716 = arith.constant 0 : i32
        %get3A_717 = arith.index_cast %get3A_716 : i32 to index
        %get3A_718 = arith.index_cast %add3A_715 : i32 to index
        %get3A_719 = arith.constant 0 : index
        %get3A_720 = tpu.vector_load %arg6[%get3A_717, %get3A_718, %get3A_719] {strides = array<i32>} : memref<8x128x64xf32, #tpu.memory_space<vmem>>, vector<1x1x16xf32>,
        %get3A_721 = vector.shape_cast %get3A_720 : vector<1x1x16xf32> to vector<16xf32>
        %mul3A_722 = arith.constant 8.000000e+00 : f32
        %mul3A_723 = vector.broadcast %mul3A_722 : f32 to vector<16xf32>
        %mul3A_724 = arith.mulf %get3A_721, %mul3A_723 : vector<16xf32>
        %mul3A_725 = arith.constant 2 : i32
        %mul3A_726 = arith.muli %scan3A_617, %mul3A_725 : i32
        %add3A_727 = arith.constant 1 : i32
        %add3A_728 = arith.addi %mul3A_726, %add3A_727 : i32
        %swap3A_729 = arith.constant 0 : i32
        %swap3A_730 = arith.index_cast %swap3A_729 : i32 to index
        %swap3A_731 = arith.index_cast %add3A_728 : i32 to index
        %swap3A_732 = arith.constant 0 : index
        %swap3A_733 = tpu.vector_load %arg6[%swap3A_730, %swap3A_731, %swap3A_732] {strides = array<i32>} : memref<8x128x64xf32, #tpu.memory_space<vmem>>, vector<1x1x16xf32>,
        %swap3A_734 = vector.shape_cast %swap3A_733 : vector<1x1x16xf32> to vector<16xf32>
        %swap3A_735 = vector.shape_cast %mul3A_724 : vector<16xf32> to vector<1x1x16xf32>
        tpu.vector_store %arg6[%swap3A_730, %swap3A_731, %swap3A_732], %swap3A_735 {strides = array<i32>} : memref<8x128x64xf32, #tpu.memory_space<vmem>>, vector<1x1x16xf32>,
        %mul3A_736 = arith.constant 2 : i32
        %mul3A_737 = arith.muli %scan3A_617, %mul3A_736 : i32
        %add3A_738 = arith.constant 1 : i32
        %add3A_739 = arith.addi %mul3A_737, %add3A_738 : i32
        %get3A_740 = arith.constant 0 : i32
        %get3A_741 = arith.index_cast %get3A_740 : i32 to index
        %get3A_742 = arith.index_cast %add3A_739 : i32 to index
        %get3A_743 = arith.constant 16 : index
        %get3A_744 = tpu.vector_load %arg6[%get3A_741, %get3A_742, %get3A_743] {strides = array<i32>} : memref<8x128x64xf32, #tpu.memory_space<vmem>>, vector<1x1x16xf32>,
        %get3A_745 = vector.shape_cast %get3A_744 : vector<1x1x16xf32> to vector<16xf32>
        %mul3A_746 = arith.constant 8.000000e+00 : f32
        %mul3A_747 = vector.broadcast %mul3A_746 : f32 to vector<16xf32>
        %mul3A_748 = arith.mulf %get3A_745, %mul3A_747 : vector<16xf32>
        %mul3A_749 = arith.constant 2 : i32
        %mul3A_750 = arith.muli %scan3A_617, %mul3A_749 : i32
        %add3A_751 = arith.constant 1 : i32
        %add3A_752 = arith.addi %mul3A_750, %add3A_751 : i32
        %swap3A_753 = arith.constant 0 : i32
        %swap3A_754 = arith.index_cast %swap3A_753 : i32 to index
        %swap3A_755 = arith.index_cast %add3A_752 : i32 to index
        %swap3A_756 = arith.constant 16 : index
        %swap3A_757 = tpu.vector_load %arg6[%swap3A_754, %swap3A_755, %swap3A_756] {strides = array<i32>} : memref<8x128x64xf32, #tpu.memory_space<vmem>>, vector<1x1x16xf32>,
        %swap3A_758 = vector.shape_cast %swap3A_757 : vector<1x1x16xf32> to vector<16xf32>
        %swap3A_759 = vector.shape_cast %mul3A_748 : vector<16xf32> to vector<1x1x16xf32>
        tpu.vector_store %arg6[%swap3A_754, %swap3A_755, %swap3A_756], %swap3A_759 {strides = array<i32>} : memref<8x128x64xf32, #tpu.memory_space<vmem>>, vector<1x1x16xf32>,
        %mul3A_760 = arith.constant 2 : i32
        %mul3A_761 = arith.muli %scan3A_617, %mul3A_760 : i32
        %add3A_762 = arith.constant 1 : i32
        %add3A_763 = arith.addi %mul3A_761, %add3A_762 : i32
        %get3A_764 = arith.constant 0 : i32
        %get3A_765 = arith.index_cast %get3A_764 : i32 to index
        %get3A_766 = arith.index_cast %add3A_763 : i32 to index
        %get3A_767 = arith.constant 32 : index
        %get3A_768 = tpu.vector_load %arg6[%get3A_765, %get3A_766, %get3A_767] {strides = array<i32>} : memref<8x128x64xf32, #tpu.memory_space<vmem>>, vector<1x1x16xf32>,
        %get3A_769 = vector.shape_cast %get3A_768 : vector<1x1x16xf32> to vector<16xf32>
        %mul3A_770 = arith.constant 8.000000e+00 : f32
        %mul3A_771 = vector.broadcast %mul3A_770 : f32 to vector<16xf32>
        %mul3A_772 = arith.mulf %get3A_769, %mul3A_771 : vector<16xf32>
        %mul3A_773 = arith.constant 2 : i32
        %mul3A_774 = arith.muli %scan3A_617, %mul3A_773 : i32
        %add3A_775 = arith.constant 1 : i32
        %add3A_776 = arith.addi %mul3A_774, %add3A_775 : i32
        %swap3A_777 = arith.constant 0 : i32
        %swap3A_778 = arith.index_cast %swap3A_777 : i32 to index
        %swap3A_779 = arith.index_cast %add3A_776 : i32 to index
        %swap3A_780 = arith.constant 32 : index
        %swap3A_781 = tpu.vector_load %arg6[%swap3A_778, %swap3A_779, %swap3A_780] {strides = array<i32>} : memref<8x128x64xf32, #tpu.memory_space<vmem>>, vector<1x1x16xf32>,
        %swap3A_782 = vector.shape_cast %swap3A_781 : vector<1x1x16xf32> to vector<16xf32>
        %swap3A_783 = vector.shape_cast %mul3A_772 : vector<16xf32> to vector<1x1x16xf32>
        tpu.vector_store %arg6[%swap3A_778, %swap3A_779, %swap3A_780], %swap3A_783 {strides = array<i32>} : memref<8x128x64xf32, #tpu.memory_space<vmem>>, vector<1x1x16xf32>,
        %mul3A_784 = arith.constant 2 : i32
        %mul3A_785 = arith.muli %scan3A_617, %mul3A_784 : i32
        %add3A_786 = arith.constant 1 : i32
        %add3A_787 = arith.addi %mul3A_785, %add3A_786 : i32
        %get3A_788 = arith.constant 0 : i32
        %get3A_789 = arith.index_cast %get3A_788 : i32 to index
        %get3A_790 = arith.index_cast %add3A_787 : i32 to index
        %get3A_791 = arith.constant 48 : index
        %get3A_792 = tpu.vector_load %arg6[%get3A_789, %get3A_790, %get3A_791] {strides = array<i32>} : memref<8x128x64xf32, #tpu.memory_space<vmem>>, vector<1x1x16xf32>,
        %get3A_793 = vector.shape_cast %get3A_792 : vector<1x1x16xf32> to vector<16xf32>
        %mul3A_794 = arith.constant 8.000000e+00 : f32
        %mul3A_795 = vector.broadcast %mul3A_794 : f32 to vector<16xf32>
        %mul3A_796 = arith.mulf %get3A_793, %mul3A_795 : vector<16xf32>
        %mul3A_797 = arith.constant 2 : i32
        %mul3A_798 = arith.muli %scan3A_617, %mul3A_797 : i32
        %add3A_799 = arith.constant 1 : i32
        %add3A_800 = arith.addi %mul3A_798, %add3A_799 : i32
        %swap3A_801 = arith.constant 0 : i32
        %swap3A_802 = arith.index_cast %swap3A_801 : i32 to index
        %swap3A_803 = arith.index_cast %add3A_800 : i32 to index
        %swap3A_804 = arith.constant 48 : index
        %swap3A_805 = tpu.vector_load %arg6[%swap3A_802, %swap3A_803, %swap3A_804] {strides = array<i32>} : memref<8x128x64xf32, #tpu.memory_space<vmem>>, vector<1x1x16xf32>,
        %swap3A_806 = vector.shape_cast %swap3A_805 : vector<1x1x16xf32> to vector<16xf32>
        %swap3A_807 = vector.shape_cast %mul3A_796 : vector<16xf32> to vector<1x1x16xf32>
        tpu.vector_store %arg6[%swap3A_802, %swap3A_803, %swap3A_804], %swap3A_807 {strides = array<i32>} : memref<8x128x64xf32, #tpu.memory_space<vmem>>, vector<1x1x16xf32>,
      }
      %scan3A_169 = arith.constant 64 : i32
      %mul3A_170 = arith.constant 128 : i32
      %mul3A_171 = arith.muli %add3A_144, %mul3A_170 : i32
      %add3A_172 = arith.addi %mul3A_2, %mul3A_171 : i32
      %dma_start3A_173 = arith.constant 0 : i32
      %dma_start3A_174 = arith.constant 0 : i32
      %dma_start3A_175 = arith.constant 0 : i32
      %dma_start3A_176 = arith.constant 0 : i32
      %dma_start3A_177 = tpu.memref_slice %arg6[%dma_start3A_173, %dma_start3A_175, %dma_start3A_176] : memref<8x128x64xf32, #tpu.memory_space<vmem>> -> memref<1x128x64xf32, #tpu.memory_space<vmem>>
      %dma_start3A_178 = tpu.memref_squeeze %dma_start3A_177 : memref<1x128x64xf32, #tpu.memory_space<vmem>> -> memref<128x64xf32, #tpu.memory_space<vmem>>
      %dma_start3A_179 = arith.constant 0 : i32
      %dma_start3A_180 = tpu.memref_slice %arg4[%add3A_172, %dma_start3A_179] : memref<819200x64xf32, #tpu.memory_space<hbm>> -> memref<128x64xf32, #tpu.memory_space<hbm>>
      %dma_start3A_181 = tpu.memref_slice %arg8[%dma_start3A_174] : memref<8x!tpu.dma_semaphore, #tpu.memory_space<semaphore_mem>> -> memref<1x!tpu.dma_semaphore, #tpu.memory_space<semaphore_mem>>
      %dma_start3A_182 = tpu.memref_squeeze %dma_start3A_181 : memref<1x!tpu.dma_semaphore, #tpu.memory_space<semaphore_mem>> -> memref<!tpu.dma_semaphore, #tpu.memory_space<semaphore_mem>>
      %dma_start3A_183 = arith.constant 0 : i32
      %dma_start3A_184 = tpu.memref_slice %arg4[%add3A_172, %dma_start3A_183] : memref<819200x64xf32, #tpu.memory_space<hbm>> -> memref<128x64xf32, #tpu.memory_space<hbm>>
      %dma_start3A_185 = arith.constant 0 : i32
      %dma_start3A_186 = arith.constant 0 : i32
      %dma_start3A_187 = tpu.memref_slice %arg6[%dma_start3A_173, %dma_start3A_185, %dma_start3A_186] : memref<8x128x64xf32, #tpu.memory_space<vmem>> -> memref<1x128x64xf32, #tpu.memory_space<vmem>>
      %dma_start3A_188 = tpu.memref_squeeze %dma_start3A_187 : memref<1x128x64xf32, #tpu.memory_space<vmem>> -> memref<128x64xf32, #tpu.memory_space<vmem>>
      tpu.enqueue_dma source(%dma_start3A_188 : memref<128x64xf32, #tpu.memory_space<vmem>>) target(%dma_start3A_184 : memref<128x64xf32, #tpu.memory_space<hbm>>) target_semaphore(%dma_start3A_182 : memref<!tpu.dma_semaphore, #tpu.memory_space<semaphore_mem>>)
      %ge3A = arith.constant 4 : i32
      %ge3A_189 = arith.cmpi sge, %add3A_144, %ge3A : i32
      %convert_element_type3A = arith.extui %ge3A_189 : i1 to i32
      %cond3A = arith.constant 0 : i32
      %cond3A_190 = arith.cmpi ne, %convert_element_type3A, %cond3A : i32
      scf.if %cond3A_190 {
        %add3A_617 = arith.constant 0 : i32
        %add3A_618 = arith.addi %mul3A_2, %add3A_617 : i32
        %dma_wait3A_619 = arith.constant 4 : i32
        %dma_wait3A_620 = arith.constant 4 : i32
        %dma_wait3A_621 = arith.constant 0 : i32
        %dma_wait3A_622 = arith.constant 0 : i32
        %dma_wait3A_623 = tpu.memref_slice %arg6[%dma_wait3A_619, %dma_wait3A_621, %dma_wait3A_622] : memref<8x128x64xf32, #tpu.memory_space<vmem>> -> memref<1x128x64xf32, #tpu.memory_space<vmem>>
        %dma_wait3A_624 = tpu.memref_squeeze %dma_wait3A_623 : memref<1x128x64xf32, #tpu.memory_space<vmem>> -> memref<128x64xf32, #tpu.memory_space<vmem>>
        %dma_wait3A_625 = arith.constant 0 : i32
        %dma_wait3A_626 = tpu.memref_slice %arg4[%add3A_618, %dma_wait3A_625] : memref<819200x64xf32, #tpu.memory_space<hbm>> -> memref<128x64xf32, #tpu.memory_space<hbm>>
        %dma_wait3A_627 = tpu.memref_slice %arg8[%dma_wait3A_620] : memref<8x!tpu.dma_semaphore, #tpu.memory_space<semaphore_mem>> -> memref<1x!tpu.dma_semaphore, #tpu.memory_space<semaphore_mem>>
        %dma_wait3A_628 = tpu.memref_squeeze %dma_wait3A_627 : memref<1x!tpu.dma_semaphore, #tpu.memory_space<semaphore_mem>> -> memref<!tpu.dma_semaphore, #tpu.memory_space<semaphore_mem>>
        %dma_wait3A_629 = arith.constant 0 : i32
        %dma_wait3A_630 = tpu.memref_slice %arg4[%add3A_618, %dma_wait3A_629] : memref<819200x64xf32, #tpu.memory_space<hbm>> -> memref<128x64xf32, #tpu.memory_space<hbm>>
        %dma_wait3A_631 = arith.constant 0 : i32
        %dma_wait3A_632 = arith.constant 0 : i32
        %dma_wait3A_633 = tpu.memref_slice %arg6[%dma_wait3A_619, %dma_wait3A_631, %dma_wait3A_632] : memref<8x128x64xf32, #tpu.memory_space<vmem>> -> memref<1x128x64xf32, #tpu.memory_space<vmem>>
        %dma_wait3A_634 = tpu.memref_squeeze %dma_wait3A_633 : memref<1x128x64xf32, #tpu.memory_space<vmem>> -> memref<128x64xf32, #tpu.memory_space<vmem>>
        tpu.wait_dma2 semaphore(%dma_wait3A_628 : memref<!tpu.dma_semaphore, #tpu.memory_space<semaphore_mem>>) src(%dma_wait3A_634 : memref<128x64xf32, #tpu.memory_space<vmem>>) dst(%dma_wait3A_630 : memref<128x64xf32, #tpu.memory_space<hbm>>)
      } else {
      }
      %add3A_191 = arith.constant 4 : i32
      %add3A_192 = arith.addi %add3A_144, %add3A_191 : i32
      %lt3A = arith.constant 200 : i32
      %lt3A_193 = arith.cmpi slt, %add3A_192, %lt3A : i32
      %convert_element_type3A_194 = arith.extui %lt3A_193 : i1 to i32
      %cond3A_195 = arith.constant 0 : i32
      %cond3A_196 = arith.cmpi ne, %convert_element_type3A_194, %cond3A_195 : i32
      scf.if %cond3A_196 {
        %add3A_617 = arith.constant 4 : i32
        %add3A_618 = arith.addi %add3A_144, %add3A_617 : i32
        %dma_start3A_619 = arith.constant 4 : i32
        %dma_start3A_620 = arith.constant 4 : i32
        %dma_start3A_621 = arith.constant 0 : i32
        %dma_start3A_622 = arith.constant 0 : i32
        %dma_start3A_623 = tpu.memref_slice %arg6[%dma_start3A_619, %dma_start3A_621, %dma_start3A_622] : memref<8x128x64xf32, #tpu.memory_space<vmem>> -> memref<1x128x64xf32, #tpu.memory_space<vmem>>
        %dma_start3A_624 = tpu.memref_squeeze %dma_start3A_623 : memref<1x128x64xf32, #tpu.memory_space<vmem>> -> memref<128x64xf32, #tpu.memory_space<vmem>>
        %dma_start3A_625 = arith.constant 0 : i32
        %dma_start3A_626 = tpu.memref_slice %arg5[%add3A_618, %dma_start3A_625] : memref<200x128xi32, #tpu.memory_space<vmem>> -> memref<1x128xi32, #tpu.memory_space<vmem>>
        %dma_start3A_627 = tpu.memref_squeeze %dma_start3A_626 : memref<1x128xi32, #tpu.memory_space<vmem>> -> memref<128xi32, #tpu.memory_space<vmem>>
        %dma_start3A_628 = arith.constant 0 : i32
        %dma_start3A_629 = arith.constant 0 : i32
        %dma_start3A_630 = tpu.memref_slice %arg3[%dma_start3A_628, %dma_start3A_629] : memref<1000000x64xf32, #tpu.memory_space<hbm>> -> memref<1000000x64xf32, #tpu.memory_space<hbm>>
        %dma_start3A_631 = tpu.memref_slice %arg7[%dma_start3A_620] : memref<8x!tpu.dma_semaphore, #tpu.memory_space<semaphore_mem>> -> memref<1x!tpu.dma_semaphore, #tpu.memory_space<semaphore_mem>>
        %dma_start3A_632 = tpu.memref_squeeze %dma_start3A_631 : memref<1x!tpu.dma_semaphore, #tpu.memory_space<semaphore_mem>> -> memref<!tpu.dma_semaphore, #tpu.memory_space<semaphore_mem>>
        tpu.enqueue_indirect_dma source(%dma_start3A_630 : memref<1000000x64xf32, #tpu.memory_space<hbm>>) target(%dma_start3A_624 : memref<128x64xf32, #tpu.memory_space<vmem>>) offsets(%dma_start3A_627 : memref<128xi32, #tpu.memory_space<vmem>>) semaphore(%dma_start3A_632 : memref<!tpu.dma_semaphore, #tpu.memory_space<semaphore_mem>>)
      } else {
      }
      %mul3A_197 = arith.constant 8 : i32
      %mul3A_198 = arith.muli %scan3A_140, %mul3A_197 : i32
      %add3A_199 = arith.constant 1 : i32
      %add3A_200 = arith.addi %mul3A_198, %add3A_199 : i32
      %mul3A_201 = arith.constant 128 : i32
      %mul3A_202 = arith.muli %add3A_200, %mul3A_201 : i32
      %add3A_203 = arith.addi %mul3A_2, %mul3A_202 : i32
      %dma_wait3A_204 = arith.constant 1 : i32
      %dma_wait3A_205 = arith.constant 1 : i32
      %dma_wait3A_206 = arith.constant 0 : i32
      %dma_wait3A_207 = arith.constant 0 : i32
      %dma_wait3A_208 = tpu.memref_slice %arg6[%dma_wait3A_204, %dma_wait3A_206, %dma_wait3A_207] : memref<8x128x64xf32, #tpu.memory_space<vmem>> -> memref<1x128x64xf32, #tpu.memory_space<vmem>>
      %dma_wait3A_209 = tpu.memref_squeeze %dma_wait3A_208 : memref<1x128x64xf32, #tpu.memory_space<vmem>> -> memref<128x64xf32, #tpu.memory_space<vmem>>
      %dma_wait3A_210 = arith.constant 0 : i32
      %dma_wait3A_211 = tpu.memref_slice %arg4[%add3A_203, %dma_wait3A_210] : memref<819200x64xf32, #tpu.memory_space<hbm>> -> memref<128x64xf32, #tpu.memory_space<hbm>>
      %dma_wait3A_212 = tpu.memref_slice %arg7[%dma_wait3A_205] : memref<8x!tpu.dma_semaphore, #tpu.memory_space<semaphore_mem>> -> memref<1x!tpu.dma_semaphore, #tpu.memory_space<semaphore_mem>>
      %dma_wait3A_213 = tpu.memref_squeeze %dma_wait3A_212 : memref<1x!tpu.dma_semaphore, #tpu.memory_space<semaphore_mem>> -> memref<!tpu.dma_semaphore, #tpu.memory_space<semaphore_mem>>
      %dma_wait3A_214 = arith.constant 0 : i32
      %dma_wait3A_215 = tpu.memref_slice %arg4[%add3A_203, %dma_wait3A_214] : memref<819200x64xf32, #tpu.memory_space<hbm>> -> memref<128x64xf32, #tpu.memory_space<hbm>>
      %dma_wait3A_216 = arith.constant 0 : i32
      %dma_wait3A_217 = arith.constant 0 : i32
      %dma_wait3A_218 = tpu.memref_slice %arg6[%dma_wait3A_204, %dma_wait3A_216, %dma_wait3A_217] : memref<8x128x64xf32, #tpu.memory_space<vmem>> -> memref<1x128x64xf32, #tpu.memory_space<vmem>>
      %dma_wait3A_219 = tpu.memref_squeeze %dma_wait3A_218 : memref<1x128x64xf32, #tpu.memory_space<vmem>> -> memref<128x64xf32, #tpu.memory_space<vmem>>
      tpu.wait_dma2 semaphore(%dma_wait3A_213 : memref<!tpu.dma_semaphore, #tpu.memory_space<semaphore_mem>>) src(%dma_wait3A_219 : memref<128x64xf32, #tpu.memory_space<vmem>>) dst(%dma_wait3A_215 : memref<128x64xf32, #tpu.memory_space<hbm>>)
      %scan3A_220 = arith.constant 0 : i32
      %scan3A_221 = arith.constant 0 : i32
      %scan3A_222 = arith.constant 64 : i32
      %scan3A_223 = arith.addi %scan3A_221, %scan3A_222 : i32
      %scan3A_224 = arith.constant 1 : i32
      scf.for %scan3A_617 = %scan3A_221 to %scan3A_223 step %scan3A_224  : i32 {
        %mul3A_618 = arith.constant 2 : i32
        %mul3A_619 = arith.muli %scan3A_617, %mul3A_618 : i32
        %add3A_620 = arith.constant 0 : i32
        %add3A_621 = arith.addi %mul3A_619, %add3A_620 : i32
        %get3A = arith.constant 1 : i32
        %get3A_622 = arith.index_cast %get3A : i32 to index
        %get3A_623 = arith.index_cast %add3A_621 : i32 to index
        %get3A_624 = arith.constant 0 : index
        %get3A_625 = tpu.vector_load %arg6[%get3A_622, %get3A_623, %get3A_624] {strides = array<i32>} : memref<8x128x64xf32, #tpu.memory_space<vmem>>, vector<1x1x16xf32>,
        %get3A_626 = vector.shape_cast %get3A_625 : vector<1x1x16xf32> to vector<16xf32>
        %mul3A_627 = arith.constant 8.000000e+00 : f32
        %mul3A_628 = vector.broadcast %mul3A_627 : f32 to vector<16xf32>
        %mul3A_629 = arith.mulf %get3A_626, %mul3A_628 : vector<16xf32>
        %mul3A_630 = arith.constant 2 : i32
        %mul3A_631 = arith.muli %scan3A_617, %mul3A_630 : i32
        %add3A_632 = arith.constant 0 : i32
        %add3A_633 = arith.addi %mul3A_631, %add3A_632 : i32
        %swap3A = arith.constant 1 : i32
        %swap3A_634 = arith.index_cast %swap3A : i32 to index
        %swap3A_635 = arith.index_cast %add3A_633 : i32 to index
        %swap3A_636 = arith.constant 0 : index
        %swap3A_637 = tpu.vector_load %arg6[%swap3A_634, %swap3A_635, %swap3A_636] {strides = array<i32>} : memref<8x128x64xf32, #tpu.memory_space<vmem>>, vector<1x1x16xf32>,
        %swap3A_638 = vector.shape_cast %swap3A_637 : vector<1x1x16xf32> to vector<16xf32>
        %swap3A_639 = vector.shape_cast %mul3A_629 : vector<16xf32> to vector<1x1x16xf32>
        tpu.vector_store %arg6[%swap3A_634, %swap3A_635, %swap3A_636], %swap3A_639 {strides = array<i32>} : memref<8x128x64xf32, #tpu.memory_space<vmem>>, vector<1x1x16xf32>,
        %mul3A_640 = arith.constant 2 : i32
        %mul3A_641 = arith.muli %scan3A_617, %mul3A_640 : i32
        %add3A_642 = arith.constant 0 : i32
        %add3A_643 = arith.addi %mul3A_641, %add3A_642 : i32
        %get3A_644 = arith.constant 1 : i32
        %get3A_645 = arith.index_cast %get3A_644 : i32 to index
        %get3A_646 = arith.index_cast %add3A_643 : i32 to index
        %get3A_647 = arith.constant 16 : index
        %get3A_648 = tpu.vector_load %arg6[%get3A_645, %get3A_646, %get3A_647] {strides = array<i32>} : memref<8x128x64xf32, #tpu.memory_space<vmem>>, vector<1x1x16xf32>,
        %get3A_649 = vector.shape_cast %get3A_648 : vector<1x1x16xf32> to vector<16xf32>
        %mul3A_650 = arith.constant 8.000000e+00 : f32
        %mul3A_651 = vector.broadcast %mul3A_650 : f32 to vector<16xf32>
        %mul3A_652 = arith.mulf %get3A_649, %mul3A_651 : vector<16xf32>
        %mul3A_653 = arith.constant 2 : i32
        %mul3A_654 = arith.muli %scan3A_617, %mul3A_653 : i32
        %add3A_655 = arith.constant 0 : i32
        %add3A_656 = arith.addi %mul3A_654, %add3A_655 : i32
        %swap3A_657 = arith.constant 1 : i32
        %swap3A_658 = arith.index_cast %swap3A_657 : i32 to index
        %swap3A_659 = arith.index_cast %add3A_656 : i32 to index
        %swap3A_660 = arith.constant 16 : index
        %swap3A_661 = tpu.vector_load %arg6[%swap3A_658, %swap3A_659, %swap3A_660] {strides = array<i32>} : memref<8x128x64xf32, #tpu.memory_space<vmem>>, vector<1x1x16xf32>,
        %swap3A_662 = vector.shape_cast %swap3A_661 : vector<1x1x16xf32> to vector<16xf32>
        %swap3A_663 = vector.shape_cast %mul3A_652 : vector<16xf32> to vector<1x1x16xf32>
        tpu.vector_store %arg6[%swap3A_658, %swap3A_659, %swap3A_660], %swap3A_663 {strides = array<i32>} : memref<8x128x64xf32, #tpu.memory_space<vmem>>, vector<1x1x16xf32>,
        %mul3A_664 = arith.constant 2 : i32
        %mul3A_665 = arith.muli %scan3A_617, %mul3A_664 : i32
        %add3A_666 = arith.constant 0 : i32
        %add3A_667 = arith.addi %mul3A_665, %add3A_666 : i32
        %get3A_668 = arith.constant 1 : i32
        %get3A_669 = arith.index_cast %get3A_668 : i32 to index
        %get3A_670 = arith.index_cast %add3A_667 : i32 to index
        %get3A_671 = arith.constant 32 : index
        %get3A_672 = tpu.vector_load %arg6[%get3A_669, %get3A_670, %get3A_671] {strides = array<i32>} : memref<8x128x64xf32, #tpu.memory_space<vmem>>, vector<1x1x16xf32>,
        %get3A_673 = vector.shape_cast %get3A_672 : vector<1x1x16xf32> to vector<16xf32>
        %mul3A_674 = arith.constant 8.000000e+00 : f32
        %mul3A_675 = vector.broadcast %mul3A_674 : f32 to vector<16xf32>
        %mul3A_676 = arith.mulf %get3A_673, %mul3A_675 : vector<16xf32>
        %mul3A_677 = arith.constant 2 : i32
        %mul3A_678 = arith.muli %scan3A_617, %mul3A_677 : i32
        %add3A_679 = arith.constant 0 : i32
        %add3A_680 = arith.addi %mul3A_678, %add3A_679 : i32
        %swap3A_681 = arith.constant 1 : i32
        %swap3A_682 = arith.index_cast %swap3A_681 : i32 to index
        %swap3A_683 = arith.index_cast %add3A_680 : i32 to index
        %swap3A_684 = arith.constant 32 : index
        %swap3A_685 = tpu.vector_load %arg6[%swap3A_682, %swap3A_683, %swap3A_684] {strides = array<i32>} : memref<8x128x64xf32, #tpu.memory_space<vmem>>, vector<1x1x16xf32>,
        %swap3A_686 = vector.shape_cast %swap3A_685 : vector<1x1x16xf32> to vector<16xf32>
        %swap3A_687 = vector.shape_cast %mul3A_676 : vector<16xf32> to vector<1x1x16xf32>
        tpu.vector_store %arg6[%swap3A_682, %swap3A_683, %swap3A_684], %swap3A_687 {strides = array<i32>} : memref<8x128x64xf32, #tpu.memory_space<vmem>>, vector<1x1x16xf32>,
        %mul3A_688 = arith.constant 2 : i32
        %mul3A_689 = arith.muli %scan3A_617, %mul3A_688 : i32
        %add3A_690 = arith.constant 0 : i32
        %add3A_691 = arith.addi %mul3A_689, %add3A_690 : i32
        %get3A_692 = arith.constant 1 : i32
        %get3A_693 = arith.index_cast %get3A_692 : i32 to index
        %get3A_694 = arith.index_cast %add3A_691 : i32 to index
        %get3A_695 = arith.constant 48 : index
        %get3A_696 = tpu.vector_load %arg6[%get3A_693, %get3A_694, %get3A_695] {strides = array<i32>} : memref<8x128x64xf32, #tpu.memory_space<vmem>>, vector<1x1x16xf32>,
        %get3A_697 = vector.shape_cast %get3A_696 : vector<1x1x16xf32> to vector<16xf32>
        %mul3A_698 = arith.constant 8.000000e+00 : f32
        %mul3A_699 = vector.broadcast %mul3A_698 : f32 to vector<16xf32>
        %mul3A_700 = arith.mulf %get3A_697, %mul3A_699 : vector<16xf32>
        %mul3A_701 = arith.constant 2 : i32
        %mul3A_702 = arith.muli %scan3A_617, %mul3A_701 : i32
        %add3A_703 = arith.constant 0 : i32
        %add3A_704 = arith.addi %mul3A_702, %add3A_703 : i32
        %swap3A_705 = arith.constant 1 : i32
        %swap3A_706 = arith.index_cast %swap3A_705 : i32 to index
        %swap3A_707 = arith.index_cast %add3A_704 : i32 to index
        %swap3A_708 = arith.constant 48 : index
        %swap3A_709 = tpu.vector_load %arg6[%swap3A_706, %swap3A_707, %swap3A_708] {strides = array<i32>} : memref<8x128x64xf32, #tpu.memory_space<vmem>>, vector<1x1x16xf32>,
        %swap3A_710 = vector.shape_cast %swap3A_709 : vector<1x1x16xf32> to vector<16xf32>
        %swap3A_711 = vector.shape_cast %mul3A_700 : vector<16xf32> to vector<1x1x16xf32>
        tpu.vector_store %arg6[%swap3A_706, %swap3A_707, %swap3A_708], %swap3A_711 {strides = array<i32>} : memref<8x128x64xf32, #tpu.memory_space<vmem>>, vector<1x1x16xf32>,
        %mul3A_712 = arith.constant 2 : i32
        %mul3A_713 = arith.muli %scan3A_617, %mul3A_712 : i32
        %add3A_714 = arith.constant 1 : i32
        %add3A_715 = arith.addi %mul3A_713, %add3A_714 : i32
        %get3A_716 = arith.constant 1 : i32
        %get3A_717 = arith.index_cast %get3A_716 : i32 to index
        %get3A_718 = arith.index_cast %add3A_715 : i32 to index
        %get3A_719 = arith.constant 0 : index
        %get3A_720 = tpu.vector_load %arg6[%get3A_717, %get3A_718, %get3A_719] {strides = array<i32>} : memref<8x128x64xf32, #tpu.memory_space<vmem>>, vector<1x1x16xf32>,
        %get3A_721 = vector.shape_cast %get3A_720 : vector<1x1x16xf32> to vector<16xf32>
        %mul3A_722 = arith.constant 8.000000e+00 : f32
        %mul3A_723 = vector.broadcast %mul3A_722 : f32 to vector<16xf32>
        %mul3A_724 = arith.mulf %get3A_721, %mul3A_723 : vector<16xf32>
        %mul3A_725 = arith.constant 2 : i32
        %mul3A_726 = arith.muli %scan3A_617, %mul3A_725 : i32
        %add3A_727 = arith.constant 1 : i32
        %add3A_728 = arith.addi %mul3A_726, %add3A_727 : i32
        %swap3A_729 = arith.constant 1 : i32
        %swap3A_730 = arith.index_cast %swap3A_729 : i32 to index
        %swap3A_731 = arith.index_cast %add3A_728 : i32 to index
        %swap3A_732 = arith.constant 0 : index
        %swap3A_733 = tpu.vector_load %arg6[%swap3A_730, %swap3A_731, %swap3A_732] {strides = array<i32>} : memref<8x128x64xf32, #tpu.memory_space<vmem>>, vector<1x1x16xf32>,
        %swap3A_734 = vector.shape_cast %swap3A_733 : vector<1x1x16xf32> to vector<16xf32>
        %swap3A_735 = vector.shape_cast %mul3A_724 : vector<16xf32> to vector<1x1x16xf32>
        tpu.vector_store %arg6[%swap3A_730, %swap3A_731, %swap3A_732], %swap3A_735 {strides = array<i32>} : memref<8x128x64xf32, #tpu.memory_space<vmem>>, vector<1x1x16xf32>,
        %mul3A_736 = arith.constant 2 : i32
        %mul3A_737 = arith.muli %scan3A_617, %mul3A_736 : i32
        %add3A_738 = arith.constant 1 : i32
        %add3A_739 = arith.addi %mul3A_737, %add3A_738 : i32
        %get3A_740 = arith.constant 1 : i32
        %get3A_741 = arith.index_cast %get3A_740 : i32 to index
        %get3A_742 = arith.index_cast %add3A_739 : i32 to index
        %get3A_743 = arith.constant 16 : index
        %get3A_744 = tpu.vector_load %arg6[%get3A_741, %get3A_742, %get3A_743] {strides = array<i32>} : memref<8x128x64xf32, #tpu.memory_space<vmem>>, vector<1x1x16xf32>,
        %get3A_745 = vector.shape_cast %get3A_744 : vector<1x1x16xf32> to vector<16xf32>
        %mul3A_746 = arith.constant 8.000000e+00 : f32
        %mul3A_747 = vector.broadcast %mul3A_746 : f32 to vector<16xf32>
        %mul3A_748 = arith.mulf %get3A_745, %mul3A_747 : vector<16xf32>
        %mul3A_749 = arith.constant 2 : i32
        %mul3A_750 = arith.muli %scan3A_617, %mul3A_749 : i32
        %add3A_751 = arith.constant 1 : i32
        %add3A_752 = arith.addi %mul3A_750, %add3A_751 : i32
        %swap3A_753 = arith.constant 1 : i32
        %swap3A_754 = arith.index_cast %swap3A_753 : i32 to index
        %swap3A_755 = arith.index_cast %add3A_752 : i32 to index
        %swap3A_756 = arith.constant 16 : index
        %swap3A_757 = tpu.vector_load %arg6[%swap3A_754, %swap3A_755, %swap3A_756] {strides = array<i32>} : memref<8x128x64xf32, #tpu.memory_space<vmem>>, vector<1x1x16xf32>,
        %swap3A_758 = vector.shape_cast %swap3A_757 : vector<1x1x16xf32> to vector<16xf32>
        %swap3A_759 = vector.shape_cast %mul3A_748 : vector<16xf32> to vector<1x1x16xf32>
        tpu.vector_store %arg6[%swap3A_754, %swap3A_755, %swap3A_756], %swap3A_759 {strides = array<i32>} : memref<8x128x64xf32, #tpu.memory_space<vmem>>, vector<1x1x16xf32>,
        %mul3A_760 = arith.constant 2 : i32
        %mul3A_761 = arith.muli %scan3A_617, %mul3A_760 : i32
        %add3A_762 = arith.constant 1 : i32
        %add3A_763 = arith.addi %mul3A_761, %add3A_762 : i32
        %get3A_764 = arith.constant 1 : i32
        %get3A_765 = arith.index_cast %get3A_764 : i32 to index
        %get3A_766 = arith.index_cast %add3A_763 : i32 to index
        %get3A_767 = arith.constant 32 : index
        %get3A_768 = tpu.vector_load %arg6[%get3A_765, %get3A_766, %get3A_767] {strides = array<i32>} : memref<8x128x64xf32, #tpu.memory_space<vmem>>, vector<1x1x16xf32>,
        %get3A_769 = vector.shape_cast %get3A_768 : vector<1x1x16xf32> to vector<16xf32>
        %mul3A_770 = arith.constant 8.000000e+00 : f32
        %mul3A_771 = vector.broadcast %mul3A_770 : f32 to vector<16xf32>
        %mul3A_772 = arith.mulf %get3A_769, %mul3A_771 : vector<16xf32>
        %mul3A_773 = arith.constant 2 : i32
        %mul3A_774 = arith.muli %scan3A_617, %mul3A_773 : i32
        %add3A_775 = arith.constant 1 : i32
        %add3A_776 = arith.addi %mul3A_774, %add3A_775 : i32
        %swap3A_777 = arith.constant 1 : i32
        %swap3A_778 = arith.index_cast %swap3A_777 : i32 to index
        %swap3A_779 = arith.index_cast %add3A_776 : i32 to index
        %swap3A_780 = arith.constant 32 : index
        %swap3A_781 = tpu.vector_load %arg6[%swap3A_778, %swap3A_779, %swap3A_780] {strides = array<i32>} : memref<8x128x64xf32, #tpu.memory_space<vmem>>, vector<1x1x16xf32>,
        %swap3A_782 = vector.shape_cast %swap3A_781 : vector<1x1x16xf32> to vector<16xf32>
        %swap3A_783 = vector.shape_cast %mul3A_772 : vector<16xf32> to vector<1x1x16xf32>
        tpu.vector_store %arg6[%swap3A_778, %swap3A_779, %swap3A_780], %swap3A_783 {strides = array<i32>} : memref<8x128x64xf32, #tpu.memory_space<vmem>>, vector<1x1x16xf32>,
        %mul3A_784 = arith.constant 2 : i32
        %mul3A_785 = arith.muli %scan3A_617, %mul3A_784 : i32
        %add3A_786 = arith.constant 1 : i32
        %add3A_787 = arith.addi %mul3A_785, %add3A_786 : i32
        %get3A_788 = arith.constant 1 : i32
        %get3A_789 = arith.index_cast %get3A_788 : i32 to index
        %get3A_790 = arith.index_cast %add3A_787 : i32 to index
        %get3A_791 = arith.constant 48 : index
        %get3A_792 = tpu.vector_load %arg6[%get3A_789, %get3A_790, %get3A_791] {strides = array<i32>} : memref<8x128x64xf32, #tpu.memory_space<vmem>>, vector<1x1x16xf32>,
        %get3A_793 = vector.shape_cast %get3A_792 : vector<1x1x16xf32> to vector<16xf32>
        %mul3A_794 = arith.constant 8.000000e+00 : f32
        %mul3A_795 = vector.broadcast %mul3A_794 : f32 to vector<16xf32>
        %mul3A_796 = arith.mulf %get3A_793, %mul3A_795 : vector<16xf32>
        %mul3A_797 = arith.constant 2 : i32
        %mul3A_798 = arith.muli %scan3A_617, %mul3A_797 : i32
        %add3A_799 = arith.constant 1 : i32
        %add3A_800 = arith.addi %mul3A_798, %add3A_799 : i32
        %swap3A_801 = arith.constant 1 : i32
        %swap3A_802 = arith.index_cast %swap3A_801 : i32 to index
        %swap3A_803 = arith.index_cast %add3A_800 : i32 to index
        %swap3A_804 = arith.constant 48 : index
        %swap3A_805 = tpu.vector_load %arg6[%swap3A_802, %swap3A_803, %swap3A_804] {strides = array<i32>} : memref<8x128x64xf32, #tpu.memory_space<vmem>>, vector<1x1x16xf32>,
        %swap3A_806 = vector.shape_cast %swap3A_805 : vector<1x1x16xf32> to vector<16xf32>
        %swap3A_807 = vector.shape_cast %mul3A_796 : vector<16xf32> to vector<1x1x16xf32>
        tpu.vector_store %arg6[%swap3A_802, %swap3A_803, %swap3A_804], %swap3A_807 {strides = array<i32>} : memref<8x128x64xf32, #tpu.memory_space<vmem>>, vector<1x1x16xf32>,
      }
      %scan3A_225 = arith.constant 64 : i32
      %mul3A_226 = arith.constant 128 : i32
      %mul3A_227 = arith.muli %add3A_200, %mul3A_226 : i32
      %add3A_228 = arith.addi %mul3A_2, %mul3A_227 : i32
      %dma_start3A_229 = arith.constant 1 : i32
      %dma_start3A_230 = arith.constant 1 : i32
      %dma_start3A_231 = arith.constant 0 : i32
      %dma_start3A_232 = arith.constant 0 : i32
      %dma_start3A_233 = tpu.memref_slice %arg6[%dma_start3A_229, %dma_start3A_231, %dma_start3A_232] : memref<8x128x64xf32, #tpu.memory_space<vmem>> -> memref<1x128x64xf32, #tpu.memory_space<vmem>>
      %dma_start3A_234 = tpu.memref_squeeze %dma_start3A_233 : memref<1x128x64xf32, #tpu.memory_space<vmem>> -> memref<128x64xf32, #tpu.memory_space<vmem>>
      %dma_start3A_235 = arith.constant 0 : i32
      %dma_start3A_236 = tpu.memref_slice %arg4[%add3A_228, %dma_start3A_235] : memref<819200x64xf32, #tpu.memory_space<hbm>> -> memref<128x64xf32, #tpu.memory_space<hbm>>
      %dma_start3A_237 = tpu.memref_slice %arg8[%dma_start3A_230] : memref<8x!tpu.dma_semaphore, #tpu.memory_space<semaphore_mem>> -> memref<1x!tpu.dma_semaphore, #tpu.memory_space<semaphore_mem>>
      %dma_start3A_238 = tpu.memref_squeeze %dma_start3A_237 : memref<1x!tpu.dma_semaphore, #tpu.memory_space<semaphore_mem>> -> memref<!tpu.dma_semaphore, #tpu.memory_space<semaphore_mem>>
      %dma_start3A_239 = arith.constant 0 : i32
      %dma_start3A_240 = tpu.memref_slice %arg4[%add3A_228, %dma_start3A_239] : memref<819200x64xf32, #tpu.memory_space<hbm>> -> memref<128x64xf32, #tpu.memory_space<hbm>>
      %dma_start3A_241 = arith.constant 0 : i32
      %dma_start3A_242 = arith.constant 0 : i32
      %dma_start3A_243 = tpu.memref_slice %arg6[%dma_start3A_229, %dma_start3A_241, %dma_start3A_242] : memref<8x128x64xf32, #tpu.memory_space<vmem>> -> memref<1x128x64xf32, #tpu.memory_space<vmem>>
      %dma_start3A_244 = tpu.memref_squeeze %dma_start3A_243 : memref<1x128x64xf32, #tpu.memory_space<vmem>> -> memref<128x64xf32, #tpu.memory_space<vmem>>
      tpu.enqueue_dma source(%dma_start3A_244 : memref<128x64xf32, #tpu.memory_space<vmem>>) target(%dma_start3A_240 : memref<128x64xf32, #tpu.memory_space<hbm>>) target_semaphore(%dma_start3A_238 : memref<!tpu.dma_semaphore, #tpu.memory_space<semaphore_mem>>)
      %ge3A_245 = arith.constant 4 : i32
      %ge3A_246 = arith.cmpi sge, %add3A_200, %ge3A_245 : i32
      %convert_element_type3A_247 = arith.extui %ge3A_246 : i1 to i32
      %cond3A_248 = arith.constant 0 : i32
      %cond3A_249 = arith.cmpi ne, %convert_element_type3A_247, %cond3A_248 : i32
      scf.if %cond3A_249 {
        %add3A_617 = arith.constant 0 : i32
        %add3A_618 = arith.addi %mul3A_2, %add3A_617 : i32
        %dma_wait3A_619 = arith.constant 5 : i32
        %dma_wait3A_620 = arith.constant 5 : i32
        %dma_wait3A_621 = arith.constant 0 : i32
        %dma_wait3A_622 = arith.constant 0 : i32
        %dma_wait3A_623 = tpu.memref_slice %arg6[%dma_wait3A_619, %dma_wait3A_621, %dma_wait3A_622] : memref<8x128x64xf32, #tpu.memory_space<vmem>> -> memref<1x128x64xf32, #tpu.memory_space<vmem>>
        %dma_wait3A_624 = tpu.memref_squeeze %dma_wait3A_623 : memref<1x128x64xf32, #tpu.memory_space<vmem>> -> memref<128x64xf32, #tpu.memory_space<vmem>>
        %dma_wait3A_625 = arith.constant 0 : i32
        %dma_wait3A_626 = tpu.memref_slice %arg4[%add3A_618, %dma_wait3A_625] : memref<819200x64xf32, #tpu.memory_space<hbm>> -> memref<128x64xf32, #tpu.memory_space<hbm>>
        %dma_wait3A_627 = tpu.memref_slice %arg8[%dma_wait3A_620] : memref<8x!tpu.dma_semaphore, #tpu.memory_space<semaphore_mem>> -> memref<1x!tpu.dma_semaphore, #tpu.memory_space<semaphore_mem>>
        %dma_wait3A_628 = tpu.memref_squeeze %dma_wait3A_627 : memref<1x!tpu.dma_semaphore, #tpu.memory_space<semaphore_mem>> -> memref<!tpu.dma_semaphore, #tpu.memory_space<semaphore_mem>>
        %dma_wait3A_629 = arith.constant 0 : i32
        %dma_wait3A_630 = tpu.memref_slice %arg4[%add3A_618, %dma_wait3A_629] : memref<819200x64xf32, #tpu.memory_space<hbm>> -> memref<128x64xf32, #tpu.memory_space<hbm>>
        %dma_wait3A_631 = arith.constant 0 : i32
        %dma_wait3A_632 = arith.constant 0 : i32
        %dma_wait3A_633 = tpu.memref_slice %arg6[%dma_wait3A_619, %dma_wait3A_631, %dma_wait3A_632] : memref<8x128x64xf32, #tpu.memory_space<vmem>> -> memref<1x128x64xf32, #tpu.memory_space<vmem>>
        %dma_wait3A_634 = tpu.memref_squeeze %dma_wait3A_633 : memref<1x128x64xf32, #tpu.memory_space<vmem>> -> memref<128x64xf32, #tpu.memory_space<vmem>>
        tpu.wait_dma2 semaphore(%dma_wait3A_628 : memref<!tpu.dma_semaphore, #tpu.memory_space<semaphore_mem>>) src(%dma_wait3A_634 : memref<128x64xf32, #tpu.memory_space<vmem>>) dst(%dma_wait3A_630 : memref<128x64xf32, #tpu.memory_space<hbm>>)
      } else {
      }
      %add3A_250 = arith.constant 4 : i32
      %add3A_251 = arith.addi %add3A_200, %add3A_250 : i32
      %lt3A_252 = arith.constant 200 : i32
      %lt3A_253 = arith.cmpi slt, %add3A_251, %lt3A_252 : i32
      %convert_element_type3A_254 = arith.extui %lt3A_253 : i1 to i32
      %cond3A_255 = arith.constant 0 : i32
      %cond3A_256 = arith.cmpi ne, %convert_element_type3A_254, %cond3A_255 : i32
      scf.if %cond3A_256 {
        %add3A_617 = arith.constant 4 : i32
        %add3A_618 = arith.addi %add3A_200, %add3A_617 : i32
        %dma_start3A_619 = arith.constant 5 : i32
        %dma_start3A_620 = arith.constant 5 : i32
        %dma_start3A_621 = arith.constant 0 : i32
        %dma_start3A_622 = arith.constant 0 : i32
        %dma_start3A_623 = tpu.memref_slice %arg6[%dma_start3A_619, %dma_start3A_621, %dma_start3A_622] : memref<8x128x64xf32, #tpu.memory_space<vmem>> -> memref<1x128x64xf32, #tpu.memory_space<vmem>>
        %dma_start3A_624 = tpu.memref_squeeze %dma_start3A_623 : memref<1x128x64xf32, #tpu.memory_space<vmem>> -> memref<128x64xf32, #tpu.memory_space<vmem>>
        %dma_start3A_625 = arith.constant 0 : i32
        %dma_start3A_626 = tpu.memref_slice %arg5[%add3A_618, %dma_start3A_625] : memref<200x128xi32, #tpu.memory_space<vmem>> -> memref<1x128xi32, #tpu.memory_space<vmem>>
        %dma_start3A_627 = tpu.memref_squeeze %dma_start3A_626 : memref<1x128xi32, #tpu.memory_space<vmem>> -> memref<128xi32, #tpu.memory_space<vmem>>
        %dma_start3A_628 = arith.constant 0 : i32
        %dma_start3A_629 = arith.constant 0 : i32
        %dma_start3A_630 = tpu.memref_slice %arg3[%dma_start3A_628, %dma_start3A_629] : memref<1000000x64xf32, #tpu.memory_space<hbm>> -> memref<1000000x64xf32, #tpu.memory_space<hbm>>
        %dma_start3A_631 = tpu.memref_slice %arg7[%dma_start3A_620] : memref<8x!tpu.dma_semaphore, #tpu.memory_space<semaphore_mem>> -> memref<1x!tpu.dma_semaphore, #tpu.memory_space<semaphore_mem>>
        %dma_start3A_632 = tpu.memref_squeeze %dma_start3A_631 : memref<1x!tpu.dma_semaphore, #tpu.memory_space<semaphore_mem>> -> memref<!tpu.dma_semaphore, #tpu.memory_space<semaphore_mem>>
        tpu.enqueue_indirect_dma source(%dma_start3A_630 : memref<1000000x64xf32, #tpu.memory_space<hbm>>) target(%dma_start3A_624 : memref<128x64xf32, #tpu.memory_space<vmem>>) offsets(%dma_start3A_627 : memref<128xi32, #tpu.memory_space<vmem>>) semaphore(%dma_start3A_632 : memref<!tpu.dma_semaphore, #tpu.memory_space<semaphore_mem>>)
      } else {
      }
      %mul3A_257 = arith.constant 8 : i32
      %mul3A_258 = arith.muli %scan3A_140, %mul3A_257 : i32
      %add3A_259 = arith.constant 2 : i32
      %add3A_260 = arith.addi %mul3A_258, %add3A_259 : i32
      %mul3A_261 = arith.constant 128 : i32
      %mul3A_262 = arith.muli %add3A_260, %mul3A_261 : i32
      %add3A_263 = arith.addi %mul3A_2, %mul3A_262 : i32
      %dma_wait3A_264 = arith.constant 2 : i32
      %dma_wait3A_265 = arith.constant 2 : i32
      %dma_wait3A_266 = arith.constant 0 : i32
      %dma_wait3A_267 = arith.constant 0 : i32
      %dma_wait3A_268 = tpu.memref_slice %arg6[%dma_wait3A_264, %dma_wait3A_266, %dma_wait3A_267] : memref<8x128x64xf32, #tpu.memory_space<vmem>> -> memref<1x128x64xf32, #tpu.memory_space<vmem>>
      %dma_wait3A_269 = tpu.memref_squeeze %dma_wait3A_268 : memref<1x128x64xf32, #tpu.memory_space<vmem>> -> memref<128x64xf32, #tpu.memory_space<vmem>>
      %dma_wait3A_270 = arith.constant 0 : i32
      %dma_wait3A_271 = tpu.memref_slice %arg4[%add3A_263, %dma_wait3A_270] : memref<819200x64xf32, #tpu.memory_space<hbm>> -> memref<128x64xf32, #tpu.memory_space<hbm>>
      %dma_wait3A_272 = tpu.memref_slice %arg7[%dma_wait3A_265] : memref<8x!tpu.dma_semaphore, #tpu.memory_space<semaphore_mem>> -> memref<1x!tpu.dma_semaphore, #tpu.memory_space<semaphore_mem>>
      %dma_wait3A_273 = tpu.memref_squeeze %dma_wait3A_272 : memref<1x!tpu.dma_semaphore, #tpu.memory_space<semaphore_mem>> -> memref<!tpu.dma_semaphore, #tpu.memory_space<semaphore_mem>>
      %dma_wait3A_274 = arith.constant 0 : i32
      %dma_wait3A_275 = tpu.memref_slice %arg4[%add3A_263, %dma_wait3A_274] : memref<819200x64xf32, #tpu.memory_space<hbm>> -> memref<128x64xf32, #tpu.memory_space<hbm>>
      %dma_wait3A_276 = arith.constant 0 : i32
      %dma_wait3A_277 = arith.constant 0 : i32
      %dma_wait3A_278 = tpu.memref_slice %arg6[%dma_wait3A_264, %dma_wait3A_276, %dma_wait3A_277] : memref<8x128x64xf32, #tpu.memory_space<vmem>> -> memref<1x128x64xf32, #tpu.memory_space<vmem>>
      %dma_wait3A_279 = tpu.memref_squeeze %dma_wait3A_278 : memref<1x128x64xf32, #tpu.memory_space<vmem>> -> memref<128x64xf32, #tpu.memory_space<vmem>>
      tpu.wait_dma2 semaphore(%dma_wait3A_273 : memref<!tpu.dma_semaphore, #tpu.memory_space<semaphore_mem>>) src(%dma_wait3A_279 : memref<128x64xf32, #tpu.memory_space<vmem>>) dst(%dma_wait3A_275 : memref<128x64xf32, #tpu.memory_space<hbm>>)
      %scan3A_280 = arith.constant 0 : i32
      %scan3A_281 = arith.constant 0 : i32
      %scan3A_282 = arith.constant 64 : i32
      %scan3A_283 = arith.addi %scan3A_281, %scan3A_282 : i32
      %scan3A_284 = arith.constant 1 : i32
      scf.for %scan3A_617 = %scan3A_281 to %scan3A_283 step %scan3A_284  : i32 {
        %mul3A_618 = arith.constant 2 : i32
        %mul3A_619 = arith.muli %scan3A_617, %mul3A_618 : i32
        %add3A_620 = arith.constant 0 : i32
        %add3A_621 = arith.addi %mul3A_619, %add3A_620 : i32
        %get3A = arith.constant 2 : i32
        %get3A_622 = arith.index_cast %get3A : i32 to index
        %get3A_623 = arith.index_cast %add3A_621 : i32 to index
        %get3A_624 = arith.constant 0 : index
        %get3A_625 = tpu.vector_load %arg6[%get3A_622, %get3A_623, %get3A_624] {strides = array<i32>} : memref<8x128x64xf32, #tpu.memory_space<vmem>>, vector<1x1x16xf32>,
        %get3A_626 = vector.shape_cast %get3A_625 : vector<1x1x16xf32> to vector<16xf32>
        %mul3A_627 = arith.constant 8.000000e+00 : f32
        %mul3A_628 = vector.broadcast %mul3A_627 : f32 to vector<16xf32>
        %mul3A_629 = arith.mulf %get3A_626, %mul3A_628 : vector<16xf32>
        %mul3A_630 = arith.constant 2 : i32
        %mul3A_631 = arith.muli %scan3A_617, %mul3A_630 : i32
        %add3A_632 = arith.constant 0 : i32
        %add3A_633 = arith.addi %mul3A_631, %add3A_632 : i32
        %swap3A = arith.constant 2 : i32
        %swap3A_634 = arith.index_cast %swap3A : i32 to index
        %swap3A_635 = arith.index_cast %add3A_633 : i32 to index
        %swap3A_636 = arith.constant 0 : index
        %swap3A_637 = tpu.vector_load %arg6[%swap3A_634, %swap3A_635, %swap3A_636] {strides = array<i32>} : memref<8x128x64xf32, #tpu.memory_space<vmem>>, vector<1x1x16xf32>,
        %swap3A_638 = vector.shape_cast %swap3A_637 : vector<1x1x16xf32> to vector<16xf32>
        %swap3A_639 = vector.shape_cast %mul3A_629 : vector<16xf32> to vector<1x1x16xf32>
        tpu.vector_store %arg6[%swap3A_634, %swap3A_635, %swap3A_636], %swap3A_639 {strides = array<i32>} : memref<8x128x64xf32, #tpu.memory_space<vmem>>, vector<1x1x16xf32>,
        %mul3A_640 = arith.constant 2 : i32
        %mul3A_641 = arith.muli %scan3A_617, %mul3A_640 : i32
        %add3A_642 = arith.constant 0 : i32
        %add3A_643 = arith.addi %mul3A_641, %add3A_642 : i32
        %get3A_644 = arith.constant 2 : i32
        %get3A_645 = arith.index_cast %get3A_644 : i32 to index
        %get3A_646 = arith.index_cast %add3A_643 : i32 to index
        %get3A_647 = arith.constant 16 : index
        %get3A_648 = tpu.vector_load %arg6[%get3A_645, %get3A_646, %get3A_647] {strides = array<i32>} : memref<8x128x64xf32, #tpu.memory_space<vmem>>, vector<1x1x16xf32>,
        %get3A_649 = vector.shape_cast %get3A_648 : vector<1x1x16xf32> to vector<16xf32>
        %mul3A_650 = arith.constant 8.000000e+00 : f32
        %mul3A_651 = vector.broadcast %mul3A_650 : f32 to vector<16xf32>
        %mul3A_652 = arith.mulf %get3A_649, %mul3A_651 : vector<16xf32>
        %mul3A_653 = arith.constant 2 : i32
        %mul3A_654 = arith.muli %scan3A_617, %mul3A_653 : i32
        %add3A_655 = arith.constant 0 : i32
        %add3A_656 = arith.addi %mul3A_654, %add3A_655 : i32
        %swap3A_657 = arith.constant 2 : i32
        %swap3A_658 = arith.index_cast %swap3A_657 : i32 to index
        %swap3A_659 = arith.index_cast %add3A_656 : i32 to index
        %swap3A_660 = arith.constant 16 : index
        %swap3A_661 = tpu.vector_load %arg6[%swap3A_658, %swap3A_659, %swap3A_660] {strides = array<i32>} : memref<8x128x64xf32, #tpu.memory_space<vmem>>, vector<1x1x16xf32>,
        %swap3A_662 = vector.shape_cast %swap3A_661 : vector<1x1x16xf32> to vector<16xf32>
        %swap3A_663 = vector.shape_cast %mul3A_652 : vector<16xf32> to vector<1x1x16xf32>
        tpu.vector_store %arg6[%swap3A_658, %swap3A_659, %swap3A_660], %swap3A_663 {strides = array<i32>} : memref<8x128x64xf32, #tpu.memory_space<vmem>>, vector<1x1x16xf32>,
        %mul3A_664 = arith.constant 2 : i32
        %mul3A_665 = arith.muli %scan3A_617, %mul3A_664 : i32
        %add3A_666 = arith.constant 0 : i32
        %add3A_667 = arith.addi %mul3A_665, %add3A_666 : i32
        %get3A_668 = arith.constant 2 : i32
        %get3A_669 = arith.index_cast %get3A_668 : i32 to index
        %get3A_670 = arith.index_cast %add3A_667 : i32 to index
        %get3A_671 = arith.constant 32 : index
        %get3A_672 = tpu.vector_load %arg6[%get3A_669, %get3A_670, %get3A_671] {strides = array<i32>} : memref<8x128x64xf32, #tpu.memory_space<vmem>>, vector<1x1x16xf32>,
        %get3A_673 = vector.shape_cast %get3A_672 : vector<1x1x16xf32> to vector<16xf32>
        %mul3A_674 = arith.constant 8.000000e+00 : f32
        %mul3A_675 = vector.broadcast %mul3A_674 : f32 to vector<16xf32>
        %mul3A_676 = arith.mulf %get3A_673, %mul3A_675 : vector<16xf32>
        %mul3A_677 = arith.constant 2 : i32
        %mul3A_678 = arith.muli %scan3A_617, %mul3A_677 : i32
        %add3A_679 = arith.constant 0 : i32
        %add3A_680 = arith.addi %mul3A_678, %add3A_679 : i32
        %swap3A_681 = arith.constant 2 : i32
        %swap3A_682 = arith.index_cast %swap3A_681 : i32 to index
        %swap3A_683 = arith.index_cast %add3A_680 : i32 to index
        %swap3A_684 = arith.constant 32 : index
        %swap3A_685 = tpu.vector_load %arg6[%swap3A_682, %swap3A_683, %swap3A_684] {strides = array<i32>} : memref<8x128x64xf32, #tpu.memory_space<vmem>>, vector<1x1x16xf32>,
        %swap3A_686 = vector.shape_cast %swap3A_685 : vector<1x1x16xf32> to vector<16xf32>
        %swap3A_687 = vector.shape_cast %mul3A_676 : vector<16xf32> to vector<1x1x16xf32>
        tpu.vector_store %arg6[%swap3A_682, %swap3A_683, %swap3A_684], %swap3A_687 {strides = array<i32>} : memref<8x128x64xf32, #tpu.memory_space<vmem>>, vector<1x1x16xf32>,
        %mul3A_688 = arith.constant 2 : i32
        %mul3A_689 = arith.muli %scan3A_617, %mul3A_688 : i32
        %add3A_690 = arith.constant 0 : i32
        %add3A_691 = arith.addi %mul3A_689, %add3A_690 : i32
        %get3A_692 = arith.constant 2 : i32
        %get3A_693 = arith.index_cast %get3A_692 : i32 to index
        %get3A_694 = arith.index_cast %add3A_691 : i32 to index
        %get3A_695 = arith.constant 48 : index
        %get3A_696 = tpu.vector_load %arg6[%get3A_693, %get3A_694, %get3A_695] {strides = array<i32>} : memref<8x128x64xf32, #tpu.memory_space<vmem>>, vector<1x1x16xf32>,
        %get3A_697 = vector.shape_cast %get3A_696 : vector<1x1x16xf32> to vector<16xf32>
        %mul3A_698 = arith.constant 8.000000e+00 : f32
        %mul3A_699 = vector.broadcast %mul3A_698 : f32 to vector<16xf32>
        %mul3A_700 = arith.mulf %get3A_697, %mul3A_699 : vector<16xf32>
        %mul3A_701 = arith.constant 2 : i32
        %mul3A_702 = arith.muli %scan3A_617, %mul3A_701 : i32
        %add3A_703 = arith.constant 0 : i32
        %add3A_704 = arith.addi %mul3A_702, %add3A_703 : i32
        %swap3A_705 = arith.constant 2 : i32
        %swap3A_706 = arith.index_cast %swap3A_705 : i32 to index
        %swap3A_707 = arith.index_cast %add3A_704 : i32 to index
        %swap3A_708 = arith.constant 48 : index
        %swap3A_709 = tpu.vector_load %arg6[%swap3A_706, %swap3A_707, %swap3A_708] {strides = array<i32>} : memref<8x128x64xf32, #tpu.memory_space<vmem>>, vector<1x1x16xf32>,
        %swap3A_710 = vector.shape_cast %swap3A_709 : vector<1x1x16xf32> to vector<16xf32>
        %swap3A_711 = vector.shape_cast %mul3A_700 : vector<16xf32> to vector<1x1x16xf32>
        tpu.vector_store %arg6[%swap3A_706, %swap3A_707, %swap3A_708], %swap3A_711 {strides = array<i32>} : memref<8x128x64xf32, #tpu.memory_space<vmem>>, vector<1x1x16xf32>,
        %mul3A_712 = arith.constant 2 : i32
        %mul3A_713 = arith.muli %scan3A_617, %mul3A_712 : i32
        %add3A_714 = arith.constant 1 : i32
        %add3A_715 = arith.addi %mul3A_713, %add3A_714 : i32
        %get3A_716 = arith.constant 2 : i32
        %get3A_717 = arith.index_cast %get3A_716 : i32 to index
        %get3A_718 = arith.index_cast %add3A_715 : i32 to index
        %get3A_719 = arith.constant 0 : index
        %get3A_720 = tpu.vector_load %arg6[%get3A_717, %get3A_718, %get3A_719] {strides = array<i32>} : memref<8x128x64xf32, #tpu.memory_space<vmem>>, vector<1x1x16xf32>,
        %get3A_721 = vector.shape_cast %get3A_720 : vector<1x1x16xf32> to vector<16xf32>
        %mul3A_722 = arith.constant 8.000000e+00 : f32
        %mul3A_723 = vector.broadcast %mul3A_722 : f32 to vector<16xf32>
        %mul3A_724 = arith.mulf %get3A_721, %mul3A_723 : vector<16xf32>
        %mul3A_725 = arith.constant 2 : i32
        %mul3A_726 = arith.muli %scan3A_617, %mul3A_725 : i32
        %add3A_727 = arith.constant 1 : i32
        %add3A_728 = arith.addi %mul3A_726, %add3A_727 : i32
        %swap3A_729 = arith.constant 2 : i32
        %swap3A_730 = arith.index_cast %swap3A_729 : i32 to index
        %swap3A_731 = arith.index_cast %add3A_728 : i32 to index
        %swap3A_732 = arith.constant 0 : index
        %swap3A_733 = tpu.vector_load %arg6[%swap3A_730, %swap3A_731, %swap3A_732] {strides = array<i32>} : memref<8x128x64xf32, #tpu.memory_space<vmem>>, vector<1x1x16xf32>,
        %swap3A_734 = vector.shape_cast %swap3A_733 : vector<1x1x16xf32> to vector<16xf32>
        %swap3A_735 = vector.shape_cast %mul3A_724 : vector<16xf32> to vector<1x1x16xf32>
        tpu.vector_store %arg6[%swap3A_730, %swap3A_731, %swap3A_732], %swap3A_735 {strides = array<i32>} : memref<8x128x64xf32, #tpu.memory_space<vmem>>, vector<1x1x16xf32>,
        %mul3A_736 = arith.constant 2 : i32
        %mul3A_737 = arith.muli %scan3A_617, %mul3A_736 : i32
        %add3A_738 = arith.constant 1 : i32
        %add3A_739 = arith.addi %mul3A_737, %add3A_738 : i32
        %get3A_740 = arith.constant 2 : i32
        %get3A_741 = arith.index_cast %get3A_740 : i32 to index
        %get3A_742 = arith.index_cast %add3A_739 : i32 to index
        %get3A_743 = arith.constant 16 : index
        %get3A_744 = tpu.vector_load %arg6[%get3A_741, %get3A_742, %get3A_743] {strides = array<i32>} : memref<8x128x64xf32, #tpu.memory_space<vmem>>, vector<1x1x16xf32>,
        %get3A_745 = vector.shape_cast %get3A_744 : vector<1x1x16xf32> to vector<16xf32>
        %mul3A_746 = arith.constant 8.000000e+00 : f32
        %mul3A_747 = vector.broadcast %mul3A_746 : f32 to vector<16xf32>
        %mul3A_748 = arith.mulf %get3A_745, %mul3A_747 : vector<16xf32>
        %mul3A_749 = arith.constant 2 : i32
        %mul3A_750 = arith.muli %scan3A_617, %mul3A_749 : i32
        %add3A_751 = arith.constant 1 : i32
        %add3A_752 = arith.addi %mul3A_750, %add3A_751 : i32
        %swap3A_753 = arith.constant 2 : i32
        %swap3A_754 = arith.index_cast %swap3A_753 : i32 to index
        %swap3A_755 = arith.index_cast %add3A_752 : i32 to index
        %swap3A_756 = arith.constant 16 : index
        %swap3A_757 = tpu.vector_load %arg6[%swap3A_754, %swap3A_755, %swap3A_756] {strides = array<i32>} : memref<8x128x64xf32, #tpu.memory_space<vmem>>, vector<1x1x16xf32>,
        %swap3A_758 = vector.shape_cast %swap3A_757 : vector<1x1x16xf32> to vector<16xf32>
        %swap3A_759 = vector.shape_cast %mul3A_748 : vector<16xf32> to vector<1x1x16xf32>
        tpu.vector_store %arg6[%swap3A_754, %swap3A_755, %swap3A_756], %swap3A_759 {strides = array<i32>} : memref<8x128x64xf32, #tpu.memory_space<vmem>>, vector<1x1x16xf32>,
        %mul3A_760 = arith.constant 2 : i32
        %mul3A_761 = arith.muli %scan3A_617, %mul3A_760 : i32
        %add3A_762 = arith.constant 1 : i32
        %add3A_763 = arith.addi %mul3A_761, %add3A_762 : i32
        %get3A_764 = arith.constant 2 : i32
        %get3A_765 = arith.index_cast %get3A_764 : i32 to index
        %get3A_766 = arith.index_cast %add3A_763 : i32 to index
        %get3A_767 = arith.constant 32 : index
        %get3A_768 = tpu.vector_load %arg6[%get3A_765, %get3A_766, %get3A_767] {strides = array<i32>} : memref<8x128x64xf32, #tpu.memory_space<vmem>>, vector<1x1x16xf32>,
        %get3A_769 = vector.shape_cast %get3A_768 : vector<1x1x16xf32> to vector<16xf32>
        %mul3A_770 = arith.constant 8.000000e+00 : f32
        %mul3A_771 = vector.broadcast %mul3A_770 : f32 to vector<16xf32>
        %mul3A_772 = arith.mulf %get3A_769, %mul3A_771 : vector<16xf32>
        %mul3A_773 = arith.constant 2 : i32
        %mul3A_774 = arith.muli %scan3A_617, %mul3A_773 : i32
        %add3A_775 = arith.constant 1 : i32
        %add3A_776 = arith.addi %mul3A_774, %add3A_775 : i32
        %swap3A_777 = arith.constant 2 : i32
        %swap3A_778 = arith.index_cast %swap3A_777 : i32 to index
        %swap3A_779 = arith.index_cast %add3A_776 : i32 to index
        %swap3A_780 = arith.constant 32 : index
        %swap3A_781 = tpu.vector_load %arg6[%swap3A_778, %swap3A_779, %swap3A_780] {strides = array<i32>} : memref<8x128x64xf32, #tpu.memory_space<vmem>>, vector<1x1x16xf32>,
        %swap3A_782 = vector.shape_cast %swap3A_781 : vector<1x1x16xf32> to vector<16xf32>
        %swap3A_783 = vector.shape_cast %mul3A_772 : vector<16xf32> to vector<1x1x16xf32>
        tpu.vector_store %arg6[%swap3A_778, %swap3A_779, %swap3A_780], %swap3A_783 {strides = array<i32>} : memref<8x128x64xf32, #tpu.memory_space<vmem>>, vector<1x1x16xf32>,
        %mul3A_784 = arith.constant 2 : i32
        %mul3A_785 = arith.muli %scan3A_617, %mul3A_784 : i32
        %add3A_786 = arith.constant 1 : i32
        %add3A_787 = arith.addi %mul3A_785, %add3A_786 : i32
        %get3A_788 = arith.constant 2 : i32
        %get3A_789 = arith.index_cast %get3A_788 : i32 to index
        %get3A_790 = arith.index_cast %add3A_787 : i32 to index
        %get3A_791 = arith.constant 48 : index
        %get3A_792 = tpu.vector_load %arg6[%get3A_789, %get3A_790, %get3A_791] {strides = array<i32>} : memref<8x128x64xf32, #tpu.memory_space<vmem>>, vector<1x1x16xf32>,
        %get3A_793 = vector.shape_cast %get3A_792 : vector<1x1x16xf32> to vector<16xf32>
        %mul3A_794 = arith.constant 8.000000e+00 : f32
        %mul3A_795 = vector.broadcast %mul3A_794 : f32 to vector<16xf32>
        %mul3A_796 = arith.mulf %get3A_793, %mul3A_795 : vector<16xf32>
        %mul3A_797 = arith.constant 2 : i32
        %mul3A_798 = arith.muli %scan3A_617, %mul3A_797 : i32
        %add3A_799 = arith.constant 1 : i32
        %add3A_800 = arith.addi %mul3A_798, %add3A_799 : i32
        %swap3A_801 = arith.constant 2 : i32
        %swap3A_802 = arith.index_cast %swap3A_801 : i32 to index
        %swap3A_803 = arith.index_cast %add3A_800 : i32 to index
        %swap3A_804 = arith.constant 48 : index
        %swap3A_805 = tpu.vector_load %arg6[%swap3A_802, %swap3A_803, %swap3A_804] {strides = array<i32>} : memref<8x128x64xf32, #tpu.memory_space<vmem>>, vector<1x1x16xf32>,
        %swap3A_806 = vector.shape_cast %swap3A_805 : vector<1x1x16xf32> to vector<16xf32>
        %swap3A_807 = vector.shape_cast %mul3A_796 : vector<16xf32> to vector<1x1x16xf32>
        tpu.vector_store %arg6[%swap3A_802, %swap3A_803, %swap3A_804], %swap3A_807 {strides = array<i32>} : memref<8x128x64xf32, #tpu.memory_space<vmem>>, vector<1x1x16xf32>,
      }
      %scan3A_285 = arith.constant 64 : i32
      %mul3A_286 = arith.constant 128 : i32
      %mul3A_287 = arith.muli %add3A_260, %mul3A_286 : i32
      %add3A_288 = arith.addi %mul3A_2, %mul3A_287 : i32
      %dma_start3A_289 = arith.constant 2 : i32
      %dma_start3A_290 = arith.constant 2 : i32
      %dma_start3A_291 = arith.constant 0 : i32
      %dma_start3A_292 = arith.constant 0 : i32
      %dma_start3A_293 = tpu.memref_slice %arg6[%dma_start3A_289, %dma_start3A_291, %dma_start3A_292] : memref<8x128x64xf32, #tpu.memory_space<vmem>> -> memref<1x128x64xf32, #tpu.memory_space<vmem>>
      %dma_start3A_294 = tpu.memref_squeeze %dma_start3A_293 : memref<1x128x64xf32, #tpu.memory_space<vmem>> -> memref<128x64xf32, #tpu.memory_space<vmem>>
      %dma_start3A_295 = arith.constant 0 : i32
      %dma_start3A_296 = tpu.memref_slice %arg4[%add3A_288, %dma_start3A_295] : memref<819200x64xf32, #tpu.memory_space<hbm>> -> memref<128x64xf32, #tpu.memory_space<hbm>>
      %dma_start3A_297 = tpu.memref_slice %arg8[%dma_start3A_290] : memref<8x!tpu.dma_semaphore, #tpu.memory_space<semaphore_mem>> -> memref<1x!tpu.dma_semaphore, #tpu.memory_space<semaphore_mem>>
      %dma_start3A_298 = tpu.memref_squeeze %dma_start3A_297 : memref<1x!tpu.dma_semaphore, #tpu.memory_space<semaphore_mem>> -> memref<!tpu.dma_semaphore, #tpu.memory_space<semaphore_mem>>
      %dma_start3A_299 = arith.constant 0 : i32
      %dma_start3A_300 = tpu.memref_slice %arg4[%add3A_288, %dma_start3A_299] : memref<819200x64xf32, #tpu.memory_space<hbm>> -> memref<128x64xf32, #tpu.memory_space<hbm>>
      %dma_start3A_301 = arith.constant 0 : i32
      %dma_start3A_302 = arith.constant 0 : i32
      %dma_start3A_303 = tpu.memref_slice %arg6[%dma_start3A_289, %dma_start3A_301, %dma_start3A_302] : memref<8x128x64xf32, #tpu.memory_space<vmem>> -> memref<1x128x64xf32, #tpu.memory_space<vmem>>
      %dma_start3A_304 = tpu.memref_squeeze %dma_start3A_303 : memref<1x128x64xf32, #tpu.memory_space<vmem>> -> memref<128x64xf32, #tpu.memory_space<vmem>>
      tpu.enqueue_dma source(%dma_start3A_304 : memref<128x64xf32, #tpu.memory_space<vmem>>) target(%dma_start3A_300 : memref<128x64xf32, #tpu.memory_space<hbm>>) target_semaphore(%dma_start3A_298 : memref<!tpu.dma_semaphore, #tpu.memory_space<semaphore_mem>>)
      %ge3A_305 = arith.constant 4 : i32
      %ge3A_306 = arith.cmpi sge, %add3A_260, %ge3A_305 : i32
      %convert_element_type3A_307 = arith.extui %ge3A_306 : i1 to i32
      %cond3A_308 = arith.constant 0 : i32
      %cond3A_309 = arith.cmpi ne, %convert_element_type3A_307, %cond3A_308 : i32
      scf.if %cond3A_309 {
        %add3A_617 = arith.constant 0 : i32
        %add3A_618 = arith.addi %mul3A_2, %add3A_617 : i32
        %dma_wait3A_619 = arith.constant 6 : i32
        %dma_wait3A_620 = arith.constant 6 : i32
        %dma_wait3A_621 = arith.constant 0 : i32
        %dma_wait3A_622 = arith.constant 0 : i32
        %dma_wait3A_623 = tpu.memref_slice %arg6[%dma_wait3A_619, %dma_wait3A_621, %dma_wait3A_622] : memref<8x128x64xf32, #tpu.memory_space<vmem>> -> memref<1x128x64xf32, #tpu.memory_space<vmem>>
        %dma_wait3A_624 = tpu.memref_squeeze %dma_wait3A_623 : memref<1x128x64xf32, #tpu.memory_space<vmem>> -> memref<128x64xf32, #tpu.memory_space<vmem>>
        %dma_wait3A_625 = arith.constant 0 : i32
        %dma_wait3A_626 = tpu.memref_slice %arg4[%add3A_618, %dma_wait3A_625] : memref<819200x64xf32, #tpu.memory_space<hbm>> -> memref<128x64xf32, #tpu.memory_space<hbm>>
        %dma_wait3A_627 = tpu.memref_slice %arg8[%dma_wait3A_620] : memref<8x!tpu.dma_semaphore, #tpu.memory_space<semaphore_mem>> -> memref<1x!tpu.dma_semaphore, #tpu.memory_space<semaphore_mem>>
        %dma_wait3A_628 = tpu.memref_squeeze %dma_wait3A_627 : memref<1x!tpu.dma_semaphore, #tpu.memory_space<semaphore_mem>> -> memref<!tpu.dma_semaphore, #tpu.memory_space<semaphore_mem>>
        %dma_wait3A_629 = arith.constant 0 : i32
        %dma_wait3A_630 = tpu.memref_slice %arg4[%add3A_618, %dma_wait3A_629] : memref<819200x64xf32, #tpu.memory_space<hbm>> -> memref<128x64xf32, #tpu.memory_space<hbm>>
        %dma_wait3A_631 = arith.constant 0 : i32
        %dma_wait3A_632 = arith.constant 0 : i32
        %dma_wait3A_633 = tpu.memref_slice %arg6[%dma_wait3A_619, %dma_wait3A_631, %dma_wait3A_632] : memref<8x128x64xf32, #tpu.memory_space<vmem>> -> memref<1x128x64xf32, #tpu.memory_space<vmem>>
        %dma_wait3A_634 = tpu.memref_squeeze %dma_wait3A_633 : memref<1x128x64xf32, #tpu.memory_space<vmem>> -> memref<128x64xf32, #tpu.memory_space<vmem>>
        tpu.wait_dma2 semaphore(%dma_wait3A_628 : memref<!tpu.dma_semaphore, #tpu.memory_space<semaphore_mem>>) src(%dma_wait3A_634 : memref<128x64xf32, #tpu.memory_space<vmem>>) dst(%dma_wait3A_630 : memref<128x64xf32, #tpu.memory_space<hbm>>)
      } else {
      }
      %add3A_310 = arith.constant 4 : i32
      %add3A_311 = arith.addi %add3A_260, %add3A_310 : i32
      %lt3A_312 = arith.constant 200 : i32
      %lt3A_313 = arith.cmpi slt, %add3A_311, %lt3A_312 : i32
      %convert_element_type3A_314 = arith.extui %lt3A_313 : i1 to i32
      %cond3A_315 = arith.constant 0 : i32
      %cond3A_316 = arith.cmpi ne, %convert_element_type3A_314, %cond3A_315 : i32
      scf.if %cond3A_316 {
        %add3A_617 = arith.constant 4 : i32
        %add3A_618 = arith.addi %add3A_260, %add3A_617 : i32
        %dma_start3A_619 = arith.constant 6 : i32
        %dma_start3A_620 = arith.constant 6 : i32
        %dma_start3A_621 = arith.constant 0 : i32
        %dma_start3A_622 = arith.constant 0 : i32
        %dma_start3A_623 = tpu.memref_slice %arg6[%dma_start3A_619, %dma_start3A_621, %dma_start3A_622] : memref<8x128x64xf32, #tpu.memory_space<vmem>> -> memref<1x128x64xf32, #tpu.memory_space<vmem>>
        %dma_start3A_624 = tpu.memref_squeeze %dma_start3A_623 : memref<1x128x64xf32, #tpu.memory_space<vmem>> -> memref<128x64xf32, #tpu.memory_space<vmem>>
        %dma_start3A_625 = arith.constant 0 : i32
        %dma_start3A_626 = tpu.memref_slice %arg5[%add3A_618, %dma_start3A_625] : memref<200x128xi32, #tpu.memory_space<vmem>> -> memref<1x128xi32, #tpu.memory_space<vmem>>
        %dma_start3A_627 = tpu.memref_squeeze %dma_start3A_626 : memref<1x128xi32, #tpu.memory_space<vmem>> -> memref<128xi32, #tpu.memory_space<vmem>>
        %dma_start3A_628 = arith.constant 0 : i32
        %dma_start3A_629 = arith.constant 0 : i32
        %dma_start3A_630 = tpu.memref_slice %arg3[%dma_start3A_628, %dma_start3A_629] : memref<1000000x64xf32, #tpu.memory_space<hbm>> -> memref<1000000x64xf32, #tpu.memory_space<hbm>>
        %dma_start3A_631 = tpu.memref_slice %arg7[%dma_start3A_620] : memref<8x!tpu.dma_semaphore, #tpu.memory_space<semaphore_mem>> -> memref<1x!tpu.dma_semaphore, #tpu.memory_space<semaphore_mem>>
        %dma_start3A_632 = tpu.memref_squeeze %dma_start3A_631 : memref<1x!tpu.dma_semaphore, #tpu.memory_space<semaphore_mem>> -> memref<!tpu.dma_semaphore, #tpu.memory_space<semaphore_mem>>
        tpu.enqueue_indirect_dma source(%dma_start3A_630 : memref<1000000x64xf32, #tpu.memory_space<hbm>>) target(%dma_start3A_624 : memref<128x64xf32, #tpu.memory_space<vmem>>) offsets(%dma_start3A_627 : memref<128xi32, #tpu.memory_space<vmem>>) semaphore(%dma_start3A_632 : memref<!tpu.dma_semaphore, #tpu.memory_space<semaphore_mem>>)
      } else {
      }
      %mul3A_317 = arith.constant 8 : i32
      %mul3A_318 = arith.muli %scan3A_140, %mul3A_317 : i32
      %add3A_319 = arith.constant 3 : i32
      %add3A_320 = arith.addi %mul3A_318, %add3A_319 : i32
      %mul3A_321 = arith.constant 128 : i32
      %mul3A_322 = arith.muli %add3A_320, %mul3A_321 : i32
      %add3A_323 = arith.addi %mul3A_2, %mul3A_322 : i32
      %dma_wait3A_324 = arith.constant 3 : i32
      %dma_wait3A_325 = arith.constant 3 : i32
      %dma_wait3A_326 = arith.constant 0 : i32
      %dma_wait3A_327 = arith.constant 0 : i32
      %dma_wait3A_328 = tpu.memref_slice %arg6[%dma_wait3A_324, %dma_wait3A_326, %dma_wait3A_327] : memref<8x128x64xf32, #tpu.memory_space<vmem>> -> memref<1x128x64xf32, #tpu.memory_space<vmem>>
      %dma_wait3A_329 = tpu.memref_squeeze %dma_wait3A_328 : memref<1x128x64xf32, #tpu.memory_space<vmem>> -> memref<128x64xf32, #tpu.memory_space<vmem>>
      %dma_wait3A_330 = arith.constant 0 : i32
      %dma_wait3A_331 = tpu.memref_slice %arg4[%add3A_323, %dma_wait3A_330] : memref<819200x64xf32, #tpu.memory_space<hbm>> -> memref<128x64xf32, #tpu.memory_space<hbm>>
      %dma_wait3A_332 = tpu.memref_slice %arg7[%dma_wait3A_325] : memref<8x!tpu.dma_semaphore, #tpu.memory_space<semaphore_mem>> -> memref<1x!tpu.dma_semaphore, #tpu.memory_space<semaphore_mem>>
      %dma_wait3A_333 = tpu.memref_squeeze %dma_wait3A_332 : memref<1x!tpu.dma_semaphore, #tpu.memory_space<semaphore_mem>> -> memref<!tpu.dma_semaphore, #tpu.memory_space<semaphore_mem>>
      %dma_wait3A_334 = arith.constant 0 : i32
      %dma_wait3A_335 = tpu.memref_slice %arg4[%add3A_323, %dma_wait3A_334] : memref<819200x64xf32, #tpu.memory_space<hbm>> -> memref<128x64xf32, #tpu.memory_space<hbm>>
      %dma_wait3A_336 = arith.constant 0 : i32
      %dma_wait3A_337 = arith.constant 0 : i32
      %dma_wait3A_338 = tpu.memref_slice %arg6[%dma_wait3A_324, %dma_wait3A_336, %dma_wait3A_337] : memref<8x128x64xf32, #tpu.memory_space<vmem>> -> memref<1x128x64xf32, #tpu.memory_space<vmem>>
      %dma_wait3A_339 = tpu.memref_squeeze %dma_wait3A_338 : memref<1x128x64xf32, #tpu.memory_space<vmem>> -> memref<128x64xf32, #tpu.memory_space<vmem>>
      tpu.wait_dma2 semaphore(%dma_wait3A_333 : memref<!tpu.dma_semaphore, #tpu.memory_space<semaphore_mem>>) src(%dma_wait3A_339 : memref<128x64xf32, #tpu.memory_space<vmem>>) dst(%dma_wait3A_335 : memref<128x64xf32, #tpu.memory_space<hbm>>)
      %scan3A_340 = arith.constant 0 : i32
      %scan3A_341 = arith.constant 0 : i32
      %scan3A_342 = arith.constant 64 : i32
      %scan3A_343 = arith.addi %scan3A_341, %scan3A_342 : i32
      %scan3A_344 = arith.constant 1 : i32
      scf.for %scan3A_617 = %scan3A_341 to %scan3A_343 step %scan3A_344  : i32 {
        %mul3A_618 = arith.constant 2 : i32
        %mul3A_619 = arith.muli %scan3A_617, %mul3A_618 : i32
        %add3A_620 = arith.constant 0 : i32
        %add3A_621 = arith.addi %mul3A_619, %add3A_620 : i32
        %get3A = arith.constant 3 : i32
        %get3A_622 = arith.index_cast %get3A : i32 to index
        %get3A_623 = arith.index_cast %add3A_621 : i32 to index
        %get3A_624 = arith.constant 0 : index
        %get3A_625 = tpu.vector_load %arg6[%get3A_622, %get3A_623, %get3A_624] {strides = array<i32>} : memref<8x128x64xf32, #tpu.memory_space<vmem>>, vector<1x1x16xf32>,
        %get3A_626 = vector.shape_cast %get3A_625 : vector<1x1x16xf32> to vector<16xf32>
        %mul3A_627 = arith.constant 8.000000e+00 : f32
        %mul3A_628 = vector.broadcast %mul3A_627 : f32 to vector<16xf32>
        %mul3A_629 = arith.mulf %get3A_626, %mul3A_628 : vector<16xf32>
        %mul3A_630 = arith.constant 2 : i32
        %mul3A_631 = arith.muli %scan3A_617, %mul3A_630 : i32
        %add3A_632 = arith.constant 0 : i32
        %add3A_633 = arith.addi %mul3A_631, %add3A_632 : i32
        %swap3A = arith.constant 3 : i32
        %swap3A_634 = arith.index_cast %swap3A : i32 to index
        %swap3A_635 = arith.index_cast %add3A_633 : i32 to index
        %swap3A_636 = arith.constant 0 : index
        %swap3A_637 = tpu.vector_load %arg6[%swap3A_634, %swap3A_635, %swap3A_636] {strides = array<i32>} : memref<8x128x64xf32, #tpu.memory_space<vmem>>, vector<1x1x16xf32>,
        %swap3A_638 = vector.shape_cast %swap3A_637 : vector<1x1x16xf32> to vector<16xf32>
        %swap3A_639 = vector.shape_cast %mul3A_629 : vector<16xf32> to vector<1x1x16xf32>
        tpu.vector_store %arg6[%swap3A_634, %swap3A_635, %swap3A_636], %swap3A_639 {strides = array<i32>} : memref<8x128x64xf32, #tpu.memory_space<vmem>>, vector<1x1x16xf32>,
        %mul3A_640 = arith.constant 2 : i32
        %mul3A_641 = arith.muli %scan3A_617, %mul3A_640 : i32
        %add3A_642 = arith.constant 0 : i32
        %add3A_643 = arith.addi %mul3A_641, %add3A_642 : i32
        %get3A_644 = arith.constant 3 : i32
        %get3A_645 = arith.index_cast %get3A_644 : i32 to index
        %get3A_646 = arith.index_cast %add3A_643 : i32 to index
        %get3A_647 = arith.constant 16 : index
        %get3A_648 = tpu.vector_load %arg6[%get3A_645, %get3A_646, %get3A_647] {strides = array<i32>} : memref<8x128x64xf32, #tpu.memory_space<vmem>>, vector<1x1x16xf32>,
        %get3A_649 = vector.shape_cast %get3A_648 : vector<1x1x16xf32> to vector<16xf32>
        %mul3A_650 = arith.constant 8.000000e+00 : f32
        %mul3A_651 = vector.broadcast %mul3A_650 : f32 to vector<16xf32>
        %mul3A_652 = arith.mulf %get3A_649, %mul3A_651 : vector<16xf32>
        %mul3A_653 = arith.constant 2 : i32
        %mul3A_654 = arith.muli %scan3A_617, %mul3A_653 : i32
        %add3A_655 = arith.constant 0 : i32
        %add3A_656 = arith.addi %mul3A_654, %add3A_655 : i32
        %swap3A_657 = arith.constant 3 : i32
        %swap3A_658 = arith.index_cast %swap3A_657 : i32 to index
        %swap3A_659 = arith.index_cast %add3A_656 : i32 to index
        %swap3A_660 = arith.constant 16 : index
        %swap3A_661 = tpu.vector_load %arg6[%swap3A_658, %swap3A_659, %swap3A_660] {strides = array<i32>} : memref<8x128x64xf32, #tpu.memory_space<vmem>>, vector<1x1x16xf32>,
        %swap3A_662 = vector.shape_cast %swap3A_661 : vector<1x1x16xf32> to vector<16xf32>
        %swap3A_663 = vector.shape_cast %mul3A_652 : vector<16xf32> to vector<1x1x16xf32>
        tpu.vector_store %arg6[%swap3A_658, %swap3A_659, %swap3A_660], %swap3A_663 {strides = array<i32>} : memref<8x128x64xf32, #tpu.memory_space<vmem>>, vector<1x1x16xf32>,
        %mul3A_664 = arith.constant 2 : i32
        %mul3A_665 = arith.muli %scan3A_617, %mul3A_664 : i32
        %add3A_666 = arith.constant 0 : i32
        %add3A_667 = arith.addi %mul3A_665, %add3A_666 : i32
        %get3A_668 = arith.constant 3 : i32
        %get3A_669 = arith.index_cast %get3A_668 : i32 to index
        %get3A_670 = arith.index_cast %add3A_667 : i32 to index
        %get3A_671 = arith.constant 32 : index
        %get3A_672 = tpu.vector_load %arg6[%get3A_669, %get3A_670, %get3A_671] {strides = array<i32>} : memref<8x128x64xf32, #tpu.memory_space<vmem>>, vector<1x1x16xf32>,
        %get3A_673 = vector.shape_cast %get3A_672 : vector<1x1x16xf32> to vector<16xf32>
        %mul3A_674 = arith.constant 8.000000e+00 : f32
        %mul3A_675 = vector.broadcast %mul3A_674 : f32 to vector<16xf32>
        %mul3A_676 = arith.mulf %get3A_673, %mul3A_675 : vector<16xf32>
        %mul3A_677 = arith.constant 2 : i32
        %mul3A_678 = arith.muli %scan3A_617, %mul3A_677 : i32
        %add3A_679 = arith.constant 0 : i32
        %add3A_680 = arith.addi %mul3A_678, %add3A_679 : i32
        %swap3A_681 = arith.constant 3 : i32
        %swap3A_682 = arith.index_cast %swap3A_681 : i32 to index
        %swap3A_683 = arith.index_cast %add3A_680 : i32 to index
        %swap3A_684 = arith.constant 32 : index
        %swap3A_685 = tpu.vector_load %arg6[%swap3A_682, %swap3A_683, %swap3A_684] {strides = array<i32>} : memref<8x128x64xf32, #tpu.memory_space<vmem>>, vector<1x1x16xf32>,
        %swap3A_686 = vector.shape_cast %swap3A_685 : vector<1x1x16xf32> to vector<16xf32>
        %swap3A_687 = vector.shape_cast %mul3A_676 : vector<16xf32> to vector<1x1x16xf32>
        tpu.vector_store %arg6[%swap3A_682, %swap3A_683, %swap3A_684], %swap3A_687 {strides = array<i32>} : memref<8x128x64xf32, #tpu.memory_space<vmem>>, vector<1x1x16xf32>,
        %mul3A_688 = arith.constant 2 : i32
        %mul3A_689 = arith.muli %scan3A_617, %mul3A_688 : i32
        %add3A_690 = arith.constant 0 : i32
        %add3A_691 = arith.addi %mul3A_689, %add3A_690 : i32
        %get3A_692 = arith.constant 3 : i32
        %get3A_693 = arith.index_cast %get3A_692 : i32 to index
        %get3A_694 = arith.index_cast %add3A_691 : i32 to index
        %get3A_695 = arith.constant 48 : index
        %get3A_696 = tpu.vector_load %arg6[%get3A_693, %get3A_694, %get3A_695] {strides = array<i32>} : memref<8x128x64xf32, #tpu.memory_space<vmem>>, vector<1x1x16xf32>,
        %get3A_697 = vector.shape_cast %get3A_696 : vector<1x1x16xf32> to vector<16xf32>
        %mul3A_698 = arith.constant 8.000000e+00 : f32
        %mul3A_699 = vector.broadcast %mul3A_698 : f32 to vector<16xf32>
        %mul3A_700 = arith.mulf %get3A_697, %mul3A_699 : vector<16xf32>
        %mul3A_701 = arith.constant 2 : i32
        %mul3A_702 = arith.muli %scan3A_617, %mul3A_701 : i32
        %add3A_703 = arith.constant 0 : i32
        %add3A_704 = arith.addi %mul3A_702, %add3A_703 : i32
        %swap3A_705 = arith.constant 3 : i32
        %swap3A_706 = arith.index_cast %swap3A_705 : i32 to index
        %swap3A_707 = arith.index_cast %add3A_704 : i32 to index
        %swap3A_708 = arith.constant 48 : index
        %swap3A_709 = tpu.vector_load %arg6[%swap3A_706, %swap3A_707, %swap3A_708] {strides = array<i32>} : memref<8x128x64xf32, #tpu.memory_space<vmem>>, vector<1x1x16xf32>,
        %swap3A_710 = vector.shape_cast %swap3A_709 : vector<1x1x16xf32> to vector<16xf32>
        %swap3A_711 = vector.shape_cast %mul3A_700 : vector<16xf32> to vector<1x1x16xf32>
        tpu.vector_store %arg6[%swap3A_706, %swap3A_707, %swap3A_708], %swap3A_711 {strides = array<i32>} : memref<8x128x64xf32, #tpu.memory_space<vmem>>, vector<1x1x16xf32>,
        %mul3A_712 = arith.constant 2 : i32
        %mul3A_713 = arith.muli %scan3A_617, %mul3A_712 : i32
        %add3A_714 = arith.constant 1 : i32
        %add3A_715 = arith.addi %mul3A_713, %add3A_714 : i32
        %get3A_716 = arith.constant 3 : i32
        %get3A_717 = arith.index_cast %get3A_716 : i32 to index
        %get3A_718 = arith.index_cast %add3A_715 : i32 to index
        %get3A_719 = arith.constant 0 : index
        %get3A_720 = tpu.vector_load %arg6[%get3A_717, %get3A_718, %get3A_719] {strides = array<i32>} : memref<8x128x64xf32, #tpu.memory_space<vmem>>, vector<1x1x16xf32>,
        %get3A_721 = vector.shape_cast %get3A_720 : vector<1x1x16xf32> to vector<16xf32>
        %mul3A_722 = arith.constant 8.000000e+00 : f32
        %mul3A_723 = vector.broadcast %mul3A_722 : f32 to vector<16xf32>
        %mul3A_724 = arith.mulf %get3A_721, %mul3A_723 : vector<16xf32>
        %mul3A_725 = arith.constant 2 : i32
        %mul3A_726 = arith.muli %scan3A_617, %mul3A_725 : i32
        %add3A_727 = arith.constant 1 : i32
        %add3A_728 = arith.addi %mul3A_726, %add3A_727 : i32
        %swap3A_729 = arith.constant 3 : i32
        %swap3A_730 = arith.index_cast %swap3A_729 : i32 to index
        %swap3A_731 = arith.index_cast %add3A_728 : i32 to index
        %swap3A_732 = arith.constant 0 : index
        %swap3A_733 = tpu.vector_load %arg6[%swap3A_730, %swap3A_731, %swap3A_732] {strides = array<i32>} : memref<8x128x64xf32, #tpu.memory_space<vmem>>, vector<1x1x16xf32>,
        %swap3A_734 = vector.shape_cast %swap3A_733 : vector<1x1x16xf32> to vector<16xf32>
        %swap3A_735 = vector.shape_cast %mul3A_724 : vector<16xf32> to vector<1x1x16xf32>
        tpu.vector_store %arg6[%swap3A_730, %swap3A_731, %swap3A_732], %swap3A_735 {strides = array<i32>} : memref<8x128x64xf32, #tpu.memory_space<vmem>>, vector<1x1x16xf32>,
        %mul3A_736 = arith.constant 2 : i32
        %mul3A_737 = arith.muli %scan3A_617, %mul3A_736 : i32
        %add3A_738 = arith.constant 1 : i32
        %add3A_739 = arith.addi %mul3A_737, %add3A_738 : i32
        %get3A_740 = arith.constant 3 : i32
        %get3A_741 = arith.index_cast %get3A_740 : i32 to index
        %get3A_742 = arith.index_cast %add3A_739 : i32 to index
        %get3A_743 = arith.constant 16 : index
        %get3A_744 = tpu.vector_load %arg6[%get3A_741, %get3A_742, %get3A_743] {strides = array<i32>} : memref<8x128x64xf32, #tpu.memory_space<vmem>>, vector<1x1x16xf32>,
        %get3A_745 = vector.shape_cast %get3A_744 : vector<1x1x16xf32> to vector<16xf32>
        %mul3A_746 = arith.constant 8.000000e+00 : f32
        %mul3A_747 = vector.broadcast %mul3A_746 : f32 to vector<16xf32>
        %mul3A_748 = arith.mulf %get3A_745, %mul3A_747 : vector<16xf32>
        %mul3A_749 = arith.constant 2 : i32
        %mul3A_750 = arith.muli %scan3A_617, %mul3A_749 : i32
        %add3A_751 = arith.constant 1 : i32
        %add3A_752 = arith.addi %mul3A_750, %add3A_751 : i32
        %swap3A_753 = arith.constant 3 : i32
        %swap3A_754 = arith.index_cast %swap3A_753 : i32 to index
        %swap3A_755 = arith.index_cast %add3A_752 : i32 to index
        %swap3A_756 = arith.constant 16 : index
        %swap3A_757 = tpu.vector_load %arg6[%swap3A_754, %swap3A_755, %swap3A_756] {strides = array<i32>} : memref<8x128x64xf32, #tpu.memory_space<vmem>>, vector<1x1x16xf32>,
        %swap3A_758 = vector.shape_cast %swap3A_757 : vector<1x1x16xf32> to vector<16xf32>
        %swap3A_759 = vector.shape_cast %mul3A_748 : vector<16xf32> to vector<1x1x16xf32>
        tpu.vector_store %arg6[%swap3A_754, %swap3A_755, %swap3A_756], %swap3A_759 {strides = array<i32>} : memref<8x128x64xf32, #tpu.memory_space<vmem>>, vector<1x1x16xf32>,
        %mul3A_760 = arith.constant 2 : i32
        %mul3A_761 = arith.muli %scan3A_617, %mul3A_760 : i32
        %add3A_762 = arith.constant 1 : i32
        %add3A_763 = arith.addi %mul3A_761, %add3A_762 : i32
        %get3A_764 = arith.constant 3 : i32
        %get3A_765 = arith.index_cast %get3A_764 : i32 to index
        %get3A_766 = arith.index_cast %add3A_763 : i32 to index
        %get3A_767 = arith.constant 32 : index
        %get3A_768 = tpu.vector_load %arg6[%get3A_765, %get3A_766, %get3A_767] {strides = array<i32>} : memref<8x128x64xf32, #tpu.memory_space<vmem>>, vector<1x1x16xf32>,
        %get3A_769 = vector.shape_cast %get3A_768 : vector<1x1x16xf32> to vector<16xf32>
        %mul3A_770 = arith.constant 8.000000e+00 : f32
        %mul3A_771 = vector.broadcast %mul3A_770 : f32 to vector<16xf32>
        %mul3A_772 = arith.mulf %get3A_769, %mul3A_771 : vector<16xf32>
        %mul3A_773 = arith.constant 2 : i32
        %mul3A_774 = arith.muli %scan3A_617, %mul3A_773 : i32
        %add3A_775 = arith.constant 1 : i32
        %add3A_776 = arith.addi %mul3A_774, %add3A_775 : i32
        %swap3A_777 = arith.constant 3 : i32
        %swap3A_778 = arith.index_cast %swap3A_777 : i32 to index
        %swap3A_779 = arith.index_cast %add3A_776 : i32 to index
        %swap3A_780 = arith.constant 32 : index
        %swap3A_781 = tpu.vector_load %arg6[%swap3A_778, %swap3A_779, %swap3A_780] {strides = array<i32>} : memref<8x128x64xf32, #tpu.memory_space<vmem>>, vector<1x1x16xf32>,
        %swap3A_782 = vector.shape_cast %swap3A_781 : vector<1x1x16xf32> to vector<16xf32>
        %swap3A_783 = vector.shape_cast %mul3A_772 : vector<16xf32> to vector<1x1x16xf32>
        tpu.vector_store %arg6[%swap3A_778, %swap3A_779, %swap3A_780], %swap3A_783 {strides = array<i32>} : memref<8x128x64xf32, #tpu.memory_space<vmem>>, vector<1x1x16xf32>,
        %mul3A_784 = arith.constant 2 : i32
        %mul3A_785 = arith.muli %scan3A_617, %mul3A_784 : i32
        %add3A_786 = arith.constant 1 : i32
        %add3A_787 = arith.addi %mul3A_785, %add3A_786 : i32
        %get3A_788 = arith.constant 3 : i32
        %get3A_789 = arith.index_cast %get3A_788 : i32 to index
        %get3A_790 = arith.index_cast %add3A_787 : i32 to index
        %get3A_791 = arith.constant 48 : index
        %get3A_792 = tpu.vector_load %arg6[%get3A_789, %get3A_790, %get3A_791] {strides = array<i32>} : memref<8x128x64xf32, #tpu.memory_space<vmem>>, vector<1x1x16xf32>,
        %get3A_793 = vector.shape_cast %get3A_792 : vector<1x1x16xf32> to vector<16xf32>
        %mul3A_794 = arith.constant 8.000000e+00 : f32
        %mul3A_795 = vector.broadcast %mul3A_794 : f32 to vector<16xf32>
        %mul3A_796 = arith.mulf %get3A_793, %mul3A_795 : vector<16xf32>
        %mul3A_797 = arith.constant 2 : i32
        %mul3A_798 = arith.muli %scan3A_617, %mul3A_797 : i32
        %add3A_799 = arith.constant 1 : i32
        %add3A_800 = arith.addi %mul3A_798, %add3A_799 : i32
        %swap3A_801 = arith.constant 3 : i32
        %swap3A_802 = arith.index_cast %swap3A_801 : i32 to index
        %swap3A_803 = arith.index_cast %add3A_800 : i32 to index
        %swap3A_804 = arith.constant 48 : index
        %swap3A_805 = tpu.vector_load %arg6[%swap3A_802, %swap3A_803, %swap3A_804] {strides = array<i32>} : memref<8x128x64xf32, #tpu.memory_space<vmem>>, vector<1x1x16xf32>,
        %swap3A_806 = vector.shape_cast %swap3A_805 : vector<1x1x16xf32> to vector<16xf32>
        %swap3A_807 = vector.shape_cast %mul3A_796 : vector<16xf32> to vector<1x1x16xf32>
        tpu.vector_store %arg6[%swap3A_802, %swap3A_803, %swap3A_804], %swap3A_807 {strides = array<i32>} : memref<8x128x64xf32, #tpu.memory_space<vmem>>, vector<1x1x16xf32>,
      }
      %scan3A_345 = arith.constant 64 : i32
      %mul3A_346 = arith.constant 128 : i32
      %mul3A_347 = arith.muli %add3A_320, %mul3A_346 : i32
      %add3A_348 = arith.addi %mul3A_2, %mul3A_347 : i32
      %dma_start3A_349 = arith.constant 3 : i32
      %dma_start3A_350 = arith.constant 3 : i32
      %dma_start3A_351 = arith.constant 0 : i32
      %dma_start3A_352 = arith.constant 0 : i32
      %dma_start3A_353 = tpu.memref_slice %arg6[%dma_start3A_349, %dma_start3A_351, %dma_start3A_352] : memref<8x128x64xf32, #tpu.memory_space<vmem>> -> memref<1x128x64xf32, #tpu.memory_space<vmem>>
      %dma_start3A_354 = tpu.memref_squeeze %dma_start3A_353 : memref<1x128x64xf32, #tpu.memory_space<vmem>> -> memref<128x64xf32, #tpu.memory_space<vmem>>
      %dma_start3A_355 = arith.constant 0 : i32
      %dma_start3A_356 = tpu.memref_slice %arg4[%add3A_348, %dma_start3A_355] : memref<819200x64xf32, #tpu.memory_space<hbm>> -> memref<128x64xf32, #tpu.memory_space<hbm>>
      %dma_start3A_357 = tpu.memref_slice %arg8[%dma_start3A_350] : memref<8x!tpu.dma_semaphore, #tpu.memory_space<semaphore_mem>> -> memref<1x!tpu.dma_semaphore, #tpu.memory_space<semaphore_mem>>
      %dma_start3A_358 = tpu.memref_squeeze %dma_start3A_357 : memref<1x!tpu.dma_semaphore, #tpu.memory_space<semaphore_mem>> -> memref<!tpu.dma_semaphore, #tpu.memory_space<semaphore_mem>>
      %dma_start3A_359 = arith.constant 0 : i32
      %dma_start3A_360 = tpu.memref_slice %arg4[%add3A_348, %dma_start3A_359] : memref<819200x64xf32, #tpu.memory_space<hbm>> -> memref<128x64xf32, #tpu.memory_space<hbm>>
      %dma_start3A_361 = arith.constant 0 : i32
      %dma_start3A_362 = arith.constant 0 : i32
      %dma_start3A_363 = tpu.memref_slice %arg6[%dma_start3A_349, %dma_start3A_361, %dma_start3A_362] : memref<8x128x64xf32, #tpu.memory_space<vmem>> -> memref<1x128x64xf32, #tpu.memory_space<vmem>>
      %dma_start3A_364 = tpu.memref_squeeze %dma_start3A_363 : memref<1x128x64xf32, #tpu.memory_space<vmem>> -> memref<128x64xf32, #tpu.memory_space<vmem>>
      tpu.enqueue_dma source(%dma_start3A_364 : memref<128x64xf32, #tpu.memory_space<vmem>>) target(%dma_start3A_360 : memref<128x64xf32, #tpu.memory_space<hbm>>) target_semaphore(%dma_start3A_358 : memref<!tpu.dma_semaphore, #tpu.memory_space<semaphore_mem>>)
      %ge3A_365 = arith.constant 4 : i32
      %ge3A_366 = arith.cmpi sge, %add3A_320, %ge3A_365 : i32
      %convert_element_type3A_367 = arith.extui %ge3A_366 : i1 to i32
      %cond3A_368 = arith.constant 0 : i32
      %cond3A_369 = arith.cmpi ne, %convert_element_type3A_367, %cond3A_368 : i32
      scf.if %cond3A_369 {
        %add3A_617 = arith.constant 0 : i32
        %add3A_618 = arith.addi %mul3A_2, %add3A_617 : i32
        %dma_wait3A_619 = arith.constant 7 : i32
        %dma_wait3A_620 = arith.constant 7 : i32
        %dma_wait3A_621 = arith.constant 0 : i32
        %dma_wait3A_622 = arith.constant 0 : i32
        %dma_wait3A_623 = tpu.memref_slice %arg6[%dma_wait3A_619, %dma_wait3A_621, %dma_wait3A_622] : memref<8x128x64xf32, #tpu.memory_space<vmem>> -> memref<1x128x64xf32, #tpu.memory_space<vmem>>
        %dma_wait3A_624 = tpu.memref_squeeze %dma_wait3A_623 : memref<1x128x64xf32, #tpu.memory_space<vmem>> -> memref<128x64xf32, #tpu.memory_space<vmem>>
        %dma_wait3A_625 = arith.constant 0 : i32
        %dma_wait3A_626 = tpu.memref_slice %arg4[%add3A_618, %dma_wait3A_625] : memref<819200x64xf32, #tpu.memory_space<hbm>> -> memref<128x64xf32, #tpu.memory_space<hbm>>
        %dma_wait3A_627 = tpu.memref_slice %arg8[%dma_wait3A_620] : memref<8x!tpu.dma_semaphore, #tpu.memory_space<semaphore_mem>> -> memref<1x!tpu.dma_semaphore, #tpu.memory_space<semaphore_mem>>
        %dma_wait3A_628 = tpu.memref_squeeze %dma_wait3A_627 : memref<1x!tpu.dma_semaphore, #tpu.memory_space<semaphore_mem>> -> memref<!tpu.dma_semaphore, #tpu.memory_space<semaphore_mem>>
        %dma_wait3A_629 = arith.constant 0 : i32
        %dma_wait3A_630 = tpu.memref_slice %arg4[%add3A_618, %dma_wait3A_629] : memref<819200x64xf32, #tpu.memory_space<hbm>> -> memref<128x64xf32, #tpu.memory_space<hbm>>
        %dma_wait3A_631 = arith.constant 0 : i32
        %dma_wait3A_632 = arith.constant 0 : i32
        %dma_wait3A_633 = tpu.memref_slice %arg6[%dma_wait3A_619, %dma_wait3A_631, %dma_wait3A_632] : memref<8x128x64xf32, #tpu.memory_space<vmem>> -> memref<1x128x64xf32, #tpu.memory_space<vmem>>
        %dma_wait3A_634 = tpu.memref_squeeze %dma_wait3A_633 : memref<1x128x64xf32, #tpu.memory_space<vmem>> -> memref<128x64xf32, #tpu.memory_space<vmem>>
        tpu.wait_dma2 semaphore(%dma_wait3A_628 : memref<!tpu.dma_semaphore, #tpu.memory_space<semaphore_mem>>) src(%dma_wait3A_634 : memref<128x64xf32, #tpu.memory_space<vmem>>) dst(%dma_wait3A_630 : memref<128x64xf32, #tpu.memory_space<hbm>>)
      } else {
      }
      %add3A_370 = arith.constant 4 : i32
      %add3A_371 = arith.addi %add3A_320, %add3A_370 : i32
      %lt3A_372 = arith.constant 200 : i32
      %lt3A_373 = arith.cmpi slt, %add3A_371, %lt3A_372 : i32
      %convert_element_type3A_374 = arith.extui %lt3A_373 : i1 to i32
      %cond3A_375 = arith.constant 0 : i32
      %cond3A_376 = arith.cmpi ne, %convert_element_type3A_374, %cond3A_375 : i32
      scf.if %cond3A_376 {
        %add3A_617 = arith.constant 4 : i32
        %add3A_618 = arith.addi %add3A_320, %add3A_617 : i32
        %dma_start3A_619 = arith.constant 7 : i32
        %dma_start3A_620 = arith.constant 7 : i32
        %dma_start3A_621 = arith.constant 0 : i32
        %dma_start3A_622 = arith.constant 0 : i32
        %dma_start3A_623 = tpu.memref_slice %arg6[%dma_start3A_619, %dma_start3A_621, %dma_start3A_622] : memref<8x128x64xf32, #tpu.memory_space<vmem>> -> memref<1x128x64xf32, #tpu.memory_space<vmem>>
        %dma_start3A_624 = tpu.memref_squeeze %dma_start3A_623 : memref<1x128x64xf32, #tpu.memory_space<vmem>> -> memref<128x64xf32, #tpu.memory_space<vmem>>
        %dma_start3A_625 = arith.constant 0 : i32
        %dma_start3A_626 = tpu.memref_slice %arg5[%add3A_618, %dma_start3A_625] : memref<200x128xi32, #tpu.memory_space<vmem>> -> memref<1x128xi32, #tpu.memory_space<vmem>>
        %dma_start3A_627 = tpu.memref_squeeze %dma_start3A_626 : memref<1x128xi32, #tpu.memory_space<vmem>> -> memref<128xi32, #tpu.memory_space<vmem>>
        %dma_start3A_628 = arith.constant 0 : i32
        %dma_start3A_629 = arith.constant 0 : i32
        %dma_start3A_630 = tpu.memref_slice %arg3[%dma_start3A_628, %dma_start3A_629] : memref<1000000x64xf32, #tpu.memory_space<hbm>> -> memref<1000000x64xf32, #tpu.memory_space<hbm>>
        %dma_start3A_631 = tpu.memref_slice %arg7[%dma_start3A_620] : memref<8x!tpu.dma_semaphore, #tpu.memory_space<semaphore_mem>> -> memref<1x!tpu.dma_semaphore, #tpu.memory_space<semaphore_mem>>
        %dma_start3A_632 = tpu.memref_squeeze %dma_start3A_631 : memref<1x!tpu.dma_semaphore, #tpu.memory_space<semaphore_mem>> -> memref<!tpu.dma_semaphore, #tpu.memory_space<semaphore_mem>>
        tpu.enqueue_indirect_dma source(%dma_start3A_630 : memref<1000000x64xf32, #tpu.memory_space<hbm>>) target(%dma_start3A_624 : memref<128x64xf32, #tpu.memory_space<vmem>>) offsets(%dma_start3A_627 : memref<128xi32, #tpu.memory_space<vmem>>) semaphore(%dma_start3A_632 : memref<!tpu.dma_semaphore, #tpu.memory_space<semaphore_mem>>)
      } else {
      }
      %mul3A_377 = arith.constant 8 : i32
      %mul3A_378 = arith.muli %scan3A_140, %mul3A_377 : i32
      %add3A_379 = arith.constant 4 : i32
      %add3A_380 = arith.addi %mul3A_378, %add3A_379 : i32
      %mul3A_381 = arith.constant 128 : i32
      %mul3A_382 = arith.muli %add3A_380, %mul3A_381 : i32
      %add3A_383 = arith.addi %mul3A_2, %mul3A_382 : i32
      %dma_wait3A_384 = arith.constant 4 : i32
      %dma_wait3A_385 = arith.constant 4 : i32
      %dma_wait3A_386 = arith.constant 0 : i32
      %dma_wait3A_387 = arith.constant 0 : i32
      %dma_wait3A_388 = tpu.memref_slice %arg6[%dma_wait3A_384, %dma_wait3A_386, %dma_wait3A_387] : memref<8x128x64xf32, #tpu.memory_space<vmem>> -> memref<1x128x64xf32, #tpu.memory_space<vmem>>
      %dma_wait3A_389 = tpu.memref_squeeze %dma_wait3A_388 : memref<1x128x64xf32, #tpu.memory_space<vmem>> -> memref<128x64xf32, #tpu.memory_space<vmem>>
      %dma_wait3A_390 = arith.constant 0 : i32
      %dma_wait3A_391 = tpu.memref_slice %arg4[%add3A_383, %dma_wait3A_390] : memref<819200x64xf32, #tpu.memory_space<hbm>> -> memref<128x64xf32, #tpu.memory_space<hbm>>
      %dma_wait3A_392 = tpu.memref_slice %arg7[%dma_wait3A_385] : memref<8x!tpu.dma_semaphore, #tpu.memory_space<semaphore_mem>> -> memref<1x!tpu.dma_semaphore, #tpu.memory_space<semaphore_mem>>
      %dma_wait3A_393 = tpu.memref_squeeze %dma_wait3A_392 : memref<1x!tpu.dma_semaphore, #tpu.memory_space<semaphore_mem>> -> memref<!tpu.dma_semaphore, #tpu.memory_space<semaphore_mem>>
      %dma_wait3A_394 = arith.constant 0 : i32
      %dma_wait3A_395 = tpu.memref_slice %arg4[%add3A_383, %dma_wait3A_394] : memref<819200x64xf32, #tpu.memory_space<hbm>> -> memref<128x64xf32, #tpu.memory_space<hbm>>
      %dma_wait3A_396 = arith.constant 0 : i32
      %dma_wait3A_397 = arith.constant 0 : i32
      %dma_wait3A_398 = tpu.memref_slice %arg6[%dma_wait3A_384, %dma_wait3A_396, %dma_wait3A_397] : memref<8x128x64xf32, #tpu.memory_space<vmem>> -> memref<1x128x64xf32, #tpu.memory_space<vmem>>
      %dma_wait3A_399 = tpu.memref_squeeze %dma_wait3A_398 : memref<1x128x64xf32, #tpu.memory_space<vmem>> -> memref<128x64xf32, #tpu.memory_space<vmem>>
      tpu.wait_dma2 semaphore(%dma_wait3A_393 : memref<!tpu.dma_semaphore, #tpu.memory_space<semaphore_mem>>) src(%dma_wait3A_399 : memref<128x64xf32, #tpu.memory_space<vmem>>) dst(%dma_wait3A_395 : memref<128x64xf32, #tpu.memory_space<hbm>>)
      %scan3A_400 = arith.constant 0 : i32
      %scan3A_401 = arith.constant 0 : i32
      %scan3A_402 = arith.constant 64 : i32
      %scan3A_403 = arith.addi %scan3A_401, %scan3A_402 : i32
      %scan3A_404 = arith.constant 1 : i32
      scf.for %scan3A_617 = %scan3A_401 to %scan3A_403 step %scan3A_404  : i32 {
        %mul3A_618 = arith.constant 2 : i32
        %mul3A_619 = arith.muli %scan3A_617, %mul3A_618 : i32
        %add3A_620 = arith.constant 0 : i32
        %add3A_621 = arith.addi %mul3A_619, %add3A_620 : i32
        %get3A = arith.constant 4 : i32
        %get3A_622 = arith.index_cast %get3A : i32 to index
        %get3A_623 = arith.index_cast %add3A_621 : i32 to index
        %get3A_624 = arith.constant 0 : index
        %get3A_625 = tpu.vector_load %arg6[%get3A_622, %get3A_623, %get3A_624] {strides = array<i32>} : memref<8x128x64xf32, #tpu.memory_space<vmem>>, vector<1x1x16xf32>,
        %get3A_626 = vector.shape_cast %get3A_625 : vector<1x1x16xf32> to vector<16xf32>
        %mul3A_627 = arith.constant 8.000000e+00 : f32
        %mul3A_628 = vector.broadcast %mul3A_627 : f32 to vector<16xf32>
        %mul3A_629 = arith.mulf %get3A_626, %mul3A_628 : vector<16xf32>
        %mul3A_630 = arith.constant 2 : i32
        %mul3A_631 = arith.muli %scan3A_617, %mul3A_630 : i32
        %add3A_632 = arith.constant 0 : i32
        %add3A_633 = arith.addi %mul3A_631, %add3A_632 : i32
        %swap3A = arith.constant 4 : i32
        %swap3A_634 = arith.index_cast %swap3A : i32 to index
        %swap3A_635 = arith.index_cast %add3A_633 : i32 to index
        %swap3A_636 = arith.constant 0 : index
        %swap3A_637 = tpu.vector_load %arg6[%swap3A_634, %swap3A_635, %swap3A_636] {strides = array<i32>} : memref<8x128x64xf32, #tpu.memory_space<vmem>>, vector<1x1x16xf32>,
        %swap3A_638 = vector.shape_cast %swap3A_637 : vector<1x1x16xf32> to vector<16xf32>
        %swap3A_639 = vector.shape_cast %mul3A_629 : vector<16xf32> to vector<1x1x16xf32>
        tpu.vector_store %arg6[%swap3A_634, %swap3A_635, %swap3A_636], %swap3A_639 {strides = array<i32>} : memref<8x128x64xf32, #tpu.memory_space<vmem>>, vector<1x1x16xf32>,
        %mul3A_640 = arith.constant 2 : i32
        %mul3A_641 = arith.muli %scan3A_617, %mul3A_640 : i32
        %add3A_642 = arith.constant 0 : i32
        %add3A_643 = arith.addi %mul3A_641, %add3A_642 : i32
        %get3A_644 = arith.constant 4 : i32
        %get3A_645 = arith.index_cast %get3A_644 : i32 to index
        %get3A_646 = arith.index_cast %add3A_643 : i32 to index
        %get3A_647 = arith.constant 16 : index
        %get3A_648 = tpu.vector_load %arg6[%get3A_645, %get3A_646, %get3A_647] {strides = array<i32>} : memref<8x128x64xf32, #tpu.memory_space<vmem>>, vector<1x1x16xf32>,
        %get3A_649 = vector.shape_cast %get3A_648 : vector<1x1x16xf32> to vector<16xf32>
        %mul3A_650 = arith.constant 8.000000e+00 : f32
        %mul3A_651 = vector.broadcast %mul3A_650 : f32 to vector<16xf32>
        %mul3A_652 = arith.mulf %get3A_649, %mul3A_651 : vector<16xf32>
        %mul3A_653 = arith.constant 2 : i32
        %mul3A_654 = arith.muli %scan3A_617, %mul3A_653 : i32
        %add3A_655 = arith.constant 0 : i32
        %add3A_656 = arith.addi %mul3A_654, %add3A_655 : i32
        %swap3A_657 = arith.constant 4 : i32
        %swap3A_658 = arith.index_cast %swap3A_657 : i32 to index
        %swap3A_659 = arith.index_cast %add3A_656 : i32 to index
        %swap3A_660 = arith.constant 16 : index
        %swap3A_661 = tpu.vector_load %arg6[%swap3A_658, %swap3A_659, %swap3A_660] {strides = array<i32>} : memref<8x128x64xf32, #tpu.memory_space<vmem>>, vector<1x1x16xf32>,
        %swap3A_662 = vector.shape_cast %swap3A_661 : vector<1x1x16xf32> to vector<16xf32>
        %swap3A_663 = vector.shape_cast %mul3A_652 : vector<16xf32> to vector<1x1x16xf32>
        tpu.vector_store %arg6[%swap3A_658, %swap3A_659, %swap3A_660], %swap3A_663 {strides = array<i32>} : memref<8x128x64xf32, #tpu.memory_space<vmem>>, vector<1x1x16xf32>,
        %mul3A_664 = arith.constant 2 : i32
        %mul3A_665 = arith.muli %scan3A_617, %mul3A_664 : i32
        %add3A_666 = arith.constant 0 : i32
        %add3A_667 = arith.addi %mul3A_665, %add3A_666 : i32
        %get3A_668 = arith.constant 4 : i32
        %get3A_669 = arith.index_cast %get3A_668 : i32 to index
        %get3A_670 = arith.index_cast %add3A_667 : i32 to index
        %get3A_671 = arith.constant 32 : index
        %get3A_672 = tpu.vector_load %arg6[%get3A_669, %get3A_670, %get3A_671] {strides = array<i32>} : memref<8x128x64xf32, #tpu.memory_space<vmem>>, vector<1x1x16xf32>,
        %get3A_673 = vector.shape_cast %get3A_672 : vector<1x1x16xf32> to vector<16xf32>
        %mul3A_674 = arith.constant 8.000000e+00 : f32
        %mul3A_675 = vector.broadcast %mul3A_674 : f32 to vector<16xf32>
        %mul3A_676 = arith.mulf %get3A_673, %mul3A_675 : vector<16xf32>
        %mul3A_677 = arith.constant 2 : i32
        %mul3A_678 = arith.muli %scan3A_617, %mul3A_677 : i32
        %add3A_679 = arith.constant 0 : i32
        %add3A_680 = arith.addi %mul3A_678, %add3A_679 : i32
        %swap3A_681 = arith.constant 4 : i32
        %swap3A_682 = arith.index_cast %swap3A_681 : i32 to index
        %swap3A_683 = arith.index_cast %add3A_680 : i32 to index
        %swap3A_684 = arith.constant 32 : index
        %swap3A_685 = tpu.vector_load %arg6[%swap3A_682, %swap3A_683, %swap3A_684] {strides = array<i32>} : memref<8x128x64xf32, #tpu.memory_space<vmem>>, vector<1x1x16xf32>,
        %swap3A_686 = vector.shape_cast %swap3A_685 : vector<1x1x16xf32> to vector<16xf32>
        %swap3A_687 = vector.shape_cast %mul3A_676 : vector<16xf32> to vector<1x1x16xf32>
        tpu.vector_store %arg6[%swap3A_682, %swap3A_683, %swap3A_684], %swap3A_687 {strides = array<i32>} : memref<8x128x64xf32, #tpu.memory_space<vmem>>, vector<1x1x16xf32>,
        %mul3A_688 = arith.constant 2 : i32
        %mul3A_689 = arith.muli %scan3A_617, %mul3A_688 : i32
        %add3A_690 = arith.constant 0 : i32
        %add3A_691 = arith.addi %mul3A_689, %add3A_690 : i32
        %get3A_692 = arith.constant 4 : i32
        %get3A_693 = arith.index_cast %get3A_692 : i32 to index
        %get3A_694 = arith.index_cast %add3A_691 : i32 to index
        %get3A_695 = arith.constant 48 : index
        %get3A_696 = tpu.vector_load %arg6[%get3A_693, %get3A_694, %get3A_695] {strides = array<i32>} : memref<8x128x64xf32, #tpu.memory_space<vmem>>, vector<1x1x16xf32>,
        %get3A_697 = vector.shape_cast %get3A_696 : vector<1x1x16xf32> to vector<16xf32>
        %mul3A_698 = arith.constant 8.000000e+00 : f32
        %mul3A_699 = vector.broadcast %mul3A_698 : f32 to vector<16xf32>
        %mul3A_700 = arith.mulf %get3A_697, %mul3A_699 : vector<16xf32>
        %mul3A_701 = arith.constant 2 : i32
        %mul3A_702 = arith.muli %scan3A_617, %mul3A_701 : i32
        %add3A_703 = arith.constant 0 : i32
        %add3A_704 = arith.addi %mul3A_702, %add3A_703 : i32
        %swap3A_705 = arith.constant 4 : i32
        %swap3A_706 = arith.index_cast %swap3A_705 : i32 to index
        %swap3A_707 = arith.index_cast %add3A_704 : i32 to index
        %swap3A_708 = arith.constant 48 : index
        %swap3A_709 = tpu.vector_load %arg6[%swap3A_706, %swap3A_707, %swap3A_708] {strides = array<i32>} : memref<8x128x64xf32, #tpu.memory_space<vmem>>, vector<1x1x16xf32>,
        %swap3A_710 = vector.shape_cast %swap3A_709 : vector<1x1x16xf32> to vector<16xf32>
        %swap3A_711 = vector.shape_cast %mul3A_700 : vector<16xf32> to vector<1x1x16xf32>
        tpu.vector_store %arg6[%swap3A_706, %swap3A_707, %swap3A_708], %swap3A_711 {strides = array<i32>} : memref<8x128x64xf32, #tpu.memory_space<vmem>>, vector<1x1x16xf32>,
        %mul3A_712 = arith.constant 2 : i32
        %mul3A_713 = arith.muli %scan3A_617, %mul3A_712 : i32
        %add3A_714 = arith.constant 1 : i32
        %add3A_715 = arith.addi %mul3A_713, %add3A_714 : i32
        %get3A_716 = arith.constant 4 : i32
        %get3A_717 = arith.index_cast %get3A_716 : i32 to index
        %get3A_718 = arith.index_cast %add3A_715 : i32 to index
        %get3A_719 = arith.constant 0 : index
        %get3A_720 = tpu.vector_load %arg6[%get3A_717, %get3A_718, %get3A_719] {strides = array<i32>} : memref<8x128x64xf32, #tpu.memory_space<vmem>>, vector<1x1x16xf32>,
        %get3A_721 = vector.shape_cast %get3A_720 : vector<1x1x16xf32> to vector<16xf32>
        %mul3A_722 = arith.constant 8.000000e+00 : f32
        %mul3A_723 = vector.broadcast %mul3A_722 : f32 to vector<16xf32>
        %mul3A_724 = arith.mulf %get3A_721, %mul3A_723 : vector<16xf32>
        %mul3A_725 = arith.constant 2 : i32
        %mul3A_726 = arith.muli %scan3A_617, %mul3A_725 : i32
        %add3A_727 = arith.constant 1 : i32
        %add3A_728 = arith.addi %mul3A_726, %add3A_727 : i32
        %swap3A_729 = arith.constant 4 : i32
        %swap3A_730 = arith.index_cast %swap3A_729 : i32 to index
        %swap3A_731 = arith.index_cast %add3A_728 : i32 to index
        %swap3A_732 = arith.constant 0 : index
        %swap3A_733 = tpu.vector_load %arg6[%swap3A_730, %swap3A_731, %swap3A_732] {strides = array<i32>} : memref<8x128x64xf32, #tpu.memory_space<vmem>>, vector<1x1x16xf32>,
        %swap3A_734 = vector.shape_cast %swap3A_733 : vector<1x1x16xf32> to vector<16xf32>
        %swap3A_735 = vector.shape_cast %mul3A_724 : vector<16xf32> to vector<1x1x16xf32>
        tpu.vector_store %arg6[%swap3A_730, %swap3A_731, %swap3A_732], %swap3A_735 {strides = array<i32>} : memref<8x128x64xf32, #tpu.memory_space<vmem>>, vector<1x1x16xf32>,
        %mul3A_736 = arith.constant 2 : i32
        %mul3A_737 = arith.muli %scan3A_617, %mul3A_736 : i32
        %add3A_738 = arith.constant 1 : i32
        %add3A_739 = arith.addi %mul3A_737, %add3A_738 : i32
        %get3A_740 = arith.constant 4 : i32
        %get3A_741 = arith.index_cast %get3A_740 : i32 to index
        %get3A_742 = arith.index_cast %add3A_739 : i32 to index
        %get3A_743 = arith.constant 16 : index
        %get3A_744 = tpu.vector_load %arg6[%get3A_741, %get3A_742, %get3A_743] {strides = array<i32>} : memref<8x128x64xf32, #tpu.memory_space<vmem>>, vector<1x1x16xf32>,
        %get3A_745 = vector.shape_cast %get3A_744 : vector<1x1x16xf32> to vector<16xf32>
        %mul3A_746 = arith.constant 8.000000e+00 : f32
        %mul3A_747 = vector.broadcast %mul3A_746 : f32 to vector<16xf32>
        %mul3A_748 = arith.mulf %get3A_745, %mul3A_747 : vector<16xf32>
        %mul3A_749 = arith.constant 2 : i32
        %mul3A_750 = arith.muli %scan3A_617, %mul3A_749 : i32
        %add3A_751 = arith.constant 1 : i32
        %add3A_752 = arith.addi %mul3A_750, %add3A_751 : i32
        %swap3A_753 = arith.constant 4 : i32
        %swap3A_754 = arith.index_cast %swap3A_753 : i32 to index
        %swap3A_755 = arith.index_cast %add3A_752 : i32 to index
        %swap3A_756 = arith.constant 16 : index
        %swap3A_757 = tpu.vector_load %arg6[%swap3A_754, %swap3A_755, %swap3A_756] {strides = array<i32>} : memref<8x128x64xf32, #tpu.memory_space<vmem>>, vector<1x1x16xf32>,
        %swap3A_758 = vector.shape_cast %swap3A_757 : vector<1x1x16xf32> to vector<16xf32>
        %swap3A_759 = vector.shape_cast %mul3A_748 : vector<16xf32> to vector<1x1x16xf32>
        tpu.vector_store %arg6[%swap3A_754, %swap3A_755, %swap3A_756], %swap3A_759 {strides = array<i32>} : memref<8x128x64xf32, #tpu.memory_space<vmem>>, vector<1x1x16xf32>,
        %mul3A_760 = arith.constant 2 : i32
        %mul3A_761 = arith.muli %scan3A_617, %mul3A_760 : i32
        %add3A_762 = arith.constant 1 : i32
        %add3A_763 = arith.addi %mul3A_761, %add3A_762 : i32
        %get3A_764 = arith.constant 4 : i32
        %get3A_765 = arith.index_cast %get3A_764 : i32 to index
        %get3A_766 = arith.index_cast %add3A_763 : i32 to index
        %get3A_767 = arith.constant 32 : index
        %get3A_768 = tpu.vector_load %arg6[%get3A_765, %get3A_766, %get3A_767] {strides = array<i32>} : memref<8x128x64xf32, #tpu.memory_space<vmem>>, vector<1x1x16xf32>,
        %get3A_769 = vector.shape_cast %get3A_768 : vector<1x1x16xf32> to vector<16xf32>
        %mul3A_770 = arith.constant 8.000000e+00 : f32
        %mul3A_771 = vector.broadcast %mul3A_770 : f32 to vector<16xf32>
        %mul3A_772 = arith.mulf %get3A_769, %mul3A_771 : vector<16xf32>
        %mul3A_773 = arith.constant 2 : i32
        %mul3A_774 = arith.muli %scan3A_617, %mul3A_773 : i32
        %add3A_775 = arith.constant 1 : i32
        %add3A_776 = arith.addi %mul3A_774, %add3A_775 : i32
        %swap3A_777 = arith.constant 4 : i32
        %swap3A_778 = arith.index_cast %swap3A_777 : i32 to index
        %swap3A_779 = arith.index_cast %add3A_776 : i32 to index
        %swap3A_780 = arith.constant 32 : index
        %swap3A_781 = tpu.vector_load %arg6[%swap3A_778, %swap3A_779, %swap3A_780] {strides = array<i32>} : memref<8x128x64xf32, #tpu.memory_space<vmem>>, vector<1x1x16xf32>,
        %swap3A_782 = vector.shape_cast %swap3A_781 : vector<1x1x16xf32> to vector<16xf32>
        %swap3A_783 = vector.shape_cast %mul3A_772 : vector<16xf32> to vector<1x1x16xf32>
        tpu.vector_store %arg6[%swap3A_778, %swap3A_779, %swap3A_780], %swap3A_783 {strides = array<i32>} : memref<8x128x64xf32, #tpu.memory_space<vmem>>, vector<1x1x16xf32>,
        %mul3A_784 = arith.constant 2 : i32
        %mul3A_785 = arith.muli %scan3A_617, %mul3A_784 : i32
        %add3A_786 = arith.constant 1 : i32
        %add3A_787 = arith.addi %mul3A_785, %add3A_786 : i32
        %get3A_788 = arith.constant 4 : i32
        %get3A_789 = arith.index_cast %get3A_788 : i32 to index
        %get3A_790 = arith.index_cast %add3A_787 : i32 to index
        %get3A_791 = arith.constant 48 : index
        %get3A_792 = tpu.vector_load %arg6[%get3A_789, %get3A_790, %get3A_791] {strides = array<i32>} : memref<8x128x64xf32, #tpu.memory_space<vmem>>, vector<1x1x16xf32>,
        %get3A_793 = vector.shape_cast %get3A_792 : vector<1x1x16xf32> to vector<16xf32>
        %mul3A_794 = arith.constant 8.000000e+00 : f32
        %mul3A_795 = vector.broadcast %mul3A_794 : f32 to vector<16xf32>
        %mul3A_796 = arith.mulf %get3A_793, %mul3A_795 : vector<16xf32>
        %mul3A_797 = arith.constant 2 : i32
        %mul3A_798 = arith.muli %scan3A_617, %mul3A_797 : i32
        %add3A_799 = arith.constant 1 : i32
        %add3A_800 = arith.addi %mul3A_798, %add3A_799 : i32
        %swap3A_801 = arith.constant 4 : i32
        %swap3A_802 = arith.index_cast %swap3A_801 : i32 to index
        %swap3A_803 = arith.index_cast %add3A_800 : i32 to index
        %swap3A_804 = arith.constant 48 : index
        %swap3A_805 = tpu.vector_load %arg6[%swap3A_802, %swap3A_803, %swap3A_804] {strides = array<i32>} : memref<8x128x64xf32, #tpu.memory_space<vmem>>, vector<1x1x16xf32>,
        %swap3A_806 = vector.shape_cast %swap3A_805 : vector<1x1x16xf32> to vector<16xf32>
        %swap3A_807 = vector.shape_cast %mul3A_796 : vector<16xf32> to vector<1x1x16xf32>
        tpu.vector_store %arg6[%swap3A_802, %swap3A_803, %swap3A_804], %swap3A_807 {strides = array<i32>} : memref<8x128x64xf32, #tpu.memory_space<vmem>>, vector<1x1x16xf32>,
      }
      %scan3A_405 = arith.constant 64 : i32
      %mul3A_406 = arith.constant 128 : i32
      %mul3A_407 = arith.muli %add3A_380, %mul3A_406 : i32
      %add3A_408 = arith.addi %mul3A_2, %mul3A_407 : i32
      %dma_start3A_409 = arith.constant 4 : i32
      %dma_start3A_410 = arith.constant 4 : i32
      %dma_start3A_411 = arith.constant 0 : i32
      %dma_start3A_412 = arith.constant 0 : i32
      %dma_start3A_413 = tpu.memref_slice %arg6[%dma_start3A_409, %dma_start3A_411, %dma_start3A_412] : memref<8x128x64xf32, #tpu.memory_space<vmem>> -> memref<1x128x64xf32, #tpu.memory_space<vmem>>
      %dma_start3A_414 = tpu.memref_squeeze %dma_start3A_413 : memref<1x128x64xf32, #tpu.memory_space<vmem>> -> memref<128x64xf32, #tpu.memory_space<vmem>>
      %dma_start3A_415 = arith.constant 0 : i32
      %dma_start3A_416 = tpu.memref_slice %arg4[%add3A_408, %dma_start3A_415] : memref<819200x64xf32, #tpu.memory_space<hbm>> -> memref<128x64xf32, #tpu.memory_space<hbm>>
      %dma_start3A_417 = tpu.memref_slice %arg8[%dma_start3A_410] : memref<8x!tpu.dma_semaphore, #tpu.memory_space<semaphore_mem>> -> memref<1x!tpu.dma_semaphore, #tpu.memory_space<semaphore_mem>>
      %dma_start3A_418 = tpu.memref_squeeze %dma_start3A_417 : memref<1x!tpu.dma_semaphore, #tpu.memory_space<semaphore_mem>> -> memref<!tpu.dma_semaphore, #tpu.memory_space<semaphore_mem>>
      %dma_start3A_419 = arith.constant 0 : i32
      %dma_start3A_420 = tpu.memref_slice %arg4[%add3A_408, %dma_start3A_419] : memref<819200x64xf32, #tpu.memory_space<hbm>> -> memref<128x64xf32, #tpu.memory_space<hbm>>
      %dma_start3A_421 = arith.constant 0 : i32
      %dma_start3A_422 = arith.constant 0 : i32
      %dma_start3A_423 = tpu.memref_slice %arg6[%dma_start3A_409, %dma_start3A_421, %dma_start3A_422] : memref<8x128x64xf32, #tpu.memory_space<vmem>> -> memref<1x128x64xf32, #tpu.memory_space<vmem>>
      %dma_start3A_424 = tpu.memref_squeeze %dma_start3A_423 : memref<1x128x64xf32, #tpu.memory_space<vmem>> -> memref<128x64xf32, #tpu.memory_space<vmem>>
      tpu.enqueue_dma source(%dma_start3A_424 : memref<128x64xf32, #tpu.memory_space<vmem>>) target(%dma_start3A_420 : memref<128x64xf32, #tpu.memory_space<hbm>>) target_semaphore(%dma_start3A_418 : memref<!tpu.dma_semaphore, #tpu.memory_space<semaphore_mem>>)
      %ge3A_425 = arith.constant 4 : i32
      %ge3A_426 = arith.cmpi sge, %add3A_380, %ge3A_425 : i32
      %convert_element_type3A_427 = arith.extui %ge3A_426 : i1 to i32
      %cond3A_428 = arith.constant 0 : i32
      %cond3A_429 = arith.cmpi ne, %convert_element_type3A_427, %cond3A_428 : i32
      scf.if %cond3A_429 {
        %add3A_617 = arith.constant 0 : i32
        %add3A_618 = arith.addi %mul3A_2, %add3A_617 : i32
        %dma_wait3A_619 = arith.constant 0 : i32
        %dma_wait3A_620 = arith.constant 0 : i32
        %dma_wait3A_621 = arith.constant 0 : i32
        %dma_wait3A_622 = arith.constant 0 : i32
        %dma_wait3A_623 = tpu.memref_slice %arg6[%dma_wait3A_619, %dma_wait3A_621, %dma_wait3A_622] : memref<8x128x64xf32, #tpu.memory_space<vmem>> -> memref<1x128x64xf32, #tpu.memory_space<vmem>>
        %dma_wait3A_624 = tpu.memref_squeeze %dma_wait3A_623 : memref<1x128x64xf32, #tpu.memory_space<vmem>> -> memref<128x64xf32, #tpu.memory_space<vmem>>
        %dma_wait3A_625 = arith.constant 0 : i32
        %dma_wait3A_626 = tpu.memref_slice %arg4[%add3A_618, %dma_wait3A_625] : memref<819200x64xf32, #tpu.memory_space<hbm>> -> memref<128x64xf32, #tpu.memory_space<hbm>>
        %dma_wait3A_627 = tpu.memref_slice %arg8[%dma_wait3A_620] : memref<8x!tpu.dma_semaphore, #tpu.memory_space<semaphore_mem>> -> memref<1x!tpu.dma_semaphore, #tpu.memory_space<semaphore_mem>>
        %dma_wait3A_628 = tpu.memref_squeeze %dma_wait3A_627 : memref<1x!tpu.dma_semaphore, #tpu.memory_space<semaphore_mem>> -> memref<!tpu.dma_semaphore, #tpu.memory_space<semaphore_mem>>
        %dma_wait3A_629 = arith.constant 0 : i32
        %dma_wait3A_630 = tpu.memref_slice %arg4[%add3A_618, %dma_wait3A_629] : memref<819200x64xf32, #tpu.memory_space<hbm>> -> memref<128x64xf32, #tpu.memory_space<hbm>>
        %dma_wait3A_631 = arith.constant 0 : i32
        %dma_wait3A_632 = arith.constant 0 : i32
        %dma_wait3A_633 = tpu.memref_slice %arg6[%dma_wait3A_619, %dma_wait3A_631, %dma_wait3A_632] : memref<8x128x64xf32, #tpu.memory_space<vmem>> -> memref<1x128x64xf32, #tpu.memory_space<vmem>>
        %dma_wait3A_634 = tpu.memref_squeeze %dma_wait3A_633 : memref<1x128x64xf32, #tpu.memory_space<vmem>> -> memref<128x64xf32, #tpu.memory_space<vmem>>
        tpu.wait_dma2 semaphore(%dma_wait3A_628 : memref<!tpu.dma_semaphore, #tpu.memory_space<semaphore_mem>>) src(%dma_wait3A_634 : memref<128x64xf32, #tpu.memory_space<vmem>>) dst(%dma_wait3A_630 : memref<128x64xf32, #tpu.memory_space<hbm>>)
      } else {
      }
      %add3A_430 = arith.constant 4 : i32
      %add3A_431 = arith.addi %add3A_380, %add3A_430 : i32
      %lt3A_432 = arith.constant 200 : i32
      %lt3A_433 = arith.cmpi slt, %add3A_431, %lt3A_432 : i32
      %convert_element_type3A_434 = arith.extui %lt3A_433 : i1 to i32
      %cond3A_435 = arith.constant 0 : i32
      %cond3A_436 = arith.cmpi ne, %convert_element_type3A_434, %cond3A_435 : i32
      scf.if %cond3A_436 {
        %add3A_617 = arith.constant 4 : i32
        %add3A_618 = arith.addi %add3A_380, %add3A_617 : i32
        %dma_start3A_619 = arith.constant 0 : i32
        %dma_start3A_620 = arith.constant 0 : i32
        %dma_start3A_621 = arith.constant 0 : i32
        %dma_start3A_622 = arith.constant 0 : i32
        %dma_start3A_623 = tpu.memref_slice %arg6[%dma_start3A_619, %dma_start3A_621, %dma_start3A_622] : memref<8x128x64xf32, #tpu.memory_space<vmem>> -> memref<1x128x64xf32, #tpu.memory_space<vmem>>
        %dma_start3A_624 = tpu.memref_squeeze %dma_start3A_623 : memref<1x128x64xf32, #tpu.memory_space<vmem>> -> memref<128x64xf32, #tpu.memory_space<vmem>>
        %dma_start3A_625 = arith.constant 0 : i32
        %dma_start3A_626 = tpu.memref_slice %arg5[%add3A_618, %dma_start3A_625] : memref<200x128xi32, #tpu.memory_space<vmem>> -> memref<1x128xi32, #tpu.memory_space<vmem>>
        %dma_start3A_627 = tpu.memref_squeeze %dma_start3A_626 : memref<1x128xi32, #tpu.memory_space<vmem>> -> memref<128xi32, #tpu.memory_space<vmem>>
        %dma_start3A_628 = arith.constant 0 : i32
        %dma_start3A_629 = arith.constant 0 : i32
        %dma_start3A_630 = tpu.memref_slice %arg3[%dma_start3A_628, %dma_start3A_629] : memref<1000000x64xf32, #tpu.memory_space<hbm>> -> memref<1000000x64xf32, #tpu.memory_space<hbm>>
        %dma_start3A_631 = tpu.memref_slice %arg7[%dma_start3A_620] : memref<8x!tpu.dma_semaphore, #tpu.memory_space<semaphore_mem>> -> memref<1x!tpu.dma_semaphore, #tpu.memory_space<semaphore_mem>>
        %dma_start3A_632 = tpu.memref_squeeze %dma_start3A_631 : memref<1x!tpu.dma_semaphore, #tpu.memory_space<semaphore_mem>> -> memref<!tpu.dma_semaphore, #tpu.memory_space<semaphore_mem>>
        tpu.enqueue_indirect_dma source(%dma_start3A_630 : memref<1000000x64xf32, #tpu.memory_space<hbm>>) target(%dma_start3A_624 : memref<128x64xf32, #tpu.memory_space<vmem>>) offsets(%dma_start3A_627 : memref<128xi32, #tpu.memory_space<vmem>>) semaphore(%dma_start3A_632 : memref<!tpu.dma_semaphore, #tpu.memory_space<semaphore_mem>>)
      } else {
      }
      %mul3A_437 = arith.constant 8 : i32
      %mul3A_438 = arith.muli %scan3A_140, %mul3A_437 : i32
      %add3A_439 = arith.constant 5 : i32
      %add3A_440 = arith.addi %mul3A_438, %add3A_439 : i32
      %mul3A_441 = arith.constant 128 : i32
      %mul3A_442 = arith.muli %add3A_440, %mul3A_441 : i32
      %add3A_443 = arith.addi %mul3A_2, %mul3A_442 : i32
      %dma_wait3A_444 = arith.constant 5 : i32
      %dma_wait3A_445 = arith.constant 5 : i32
      %dma_wait3A_446 = arith.constant 0 : i32
      %dma_wait3A_447 = arith.constant 0 : i32
      %dma_wait3A_448 = tpu.memref_slice %arg6[%dma_wait3A_444, %dma_wait3A_446, %dma_wait3A_447] : memref<8x128x64xf32, #tpu.memory_space<vmem>> -> memref<1x128x64xf32, #tpu.memory_space<vmem>>
      %dma_wait3A_449 = tpu.memref_squeeze %dma_wait3A_448 : memref<1x128x64xf32, #tpu.memory_space<vmem>> -> memref<128x64xf32, #tpu.memory_space<vmem>>
      %dma_wait3A_450 = arith.constant 0 : i32
      %dma_wait3A_451 = tpu.memref_slice %arg4[%add3A_443, %dma_wait3A_450] : memref<819200x64xf32, #tpu.memory_space<hbm>> -> memref<128x64xf32, #tpu.memory_space<hbm>>
      %dma_wait3A_452 = tpu.memref_slice %arg7[%dma_wait3A_445] : memref<8x!tpu.dma_semaphore, #tpu.memory_space<semaphore_mem>> -> memref<1x!tpu.dma_semaphore, #tpu.memory_space<semaphore_mem>>
      %dma_wait3A_453 = tpu.memref_squeeze %dma_wait3A_452 : memref<1x!tpu.dma_semaphore, #tpu.memory_space<semaphore_mem>> -> memref<!tpu.dma_semaphore, #tpu.memory_space<semaphore_mem>>
      %dma_wait3A_454 = arith.constant 0 : i32
      %dma_wait3A_455 = tpu.memref_slice %arg4[%add3A_443, %dma_wait3A_454] : memref<819200x64xf32, #tpu.memory_space<hbm>> -> memref<128x64xf32, #tpu.memory_space<hbm>>
      %dma_wait3A_456 = arith.constant 0 : i32
      %dma_wait3A_457 = arith.constant 0 : i32
      %dma_wait3A_458 = tpu.memref_slice %arg6[%dma_wait3A_444, %dma_wait3A_456, %dma_wait3A_457] : memref<8x128x64xf32, #tpu.memory_space<vmem>> -> memref<1x128x64xf32, #tpu.memory_space<vmem>>
      %dma_wait3A_459 = tpu.memref_squeeze %dma_wait3A_458 : memref<1x128x64xf32, #tpu.memory_space<vmem>> -> memref<128x64xf32, #tpu.memory_space<vmem>>
      tpu.wait_dma2 semaphore(%dma_wait3A_453 : memref<!tpu.dma_semaphore, #tpu.memory_space<semaphore_mem>>) src(%dma_wait3A_459 : memref<128x64xf32, #tpu.memory_space<vmem>>) dst(%dma_wait3A_455 : memref<128x64xf32, #tpu.memory_space<hbm>>)
      %scan3A_460 = arith.constant 0 : i32
      %scan3A_461 = arith.constant 0 : i32
      %scan3A_462 = arith.constant 64 : i32
      %scan3A_463 = arith.addi %scan3A_461, %scan3A_462 : i32
      %scan3A_464 = arith.constant 1 : i32
      scf.for %scan3A_617 = %scan3A_461 to %scan3A_463 step %scan3A_464  : i32 {
        %mul3A_618 = arith.constant 2 : i32
        %mul3A_619 = arith.muli %scan3A_617, %mul3A_618 : i32
        %add3A_620 = arith.constant 0 : i32
        %add3A_621 = arith.addi %mul3A_619, %add3A_620 : i32
        %get3A = arith.constant 5 : i32
        %get3A_622 = arith.index_cast %get3A : i32 to index
        %get3A_623 = arith.index_cast %add3A_621 : i32 to index
        %get3A_624 = arith.constant 0 : index
        %get3A_625 = tpu.vector_load %arg6[%get3A_622, %get3A_623, %get3A_624] {strides = array<i32>} : memref<8x128x64xf32, #tpu.memory_space<vmem>>, vector<1x1x16xf32>,
        %get3A_626 = vector.shape_cast %get3A_625 : vector<1x1x16xf32> to vector<16xf32>
        %mul3A_627 = arith.constant 8.000000e+00 : f32
        %mul3A_628 = vector.broadcast %mul3A_627 : f32 to vector<16xf32>
        %mul3A_629 = arith.mulf %get3A_626, %mul3A_628 : vector<16xf32>
        %mul3A_630 = arith.constant 2 : i32
        %mul3A_631 = arith.muli %scan3A_617, %mul3A_630 : i32
        %add3A_632 = arith.constant 0 : i32
        %add3A_633 = arith.addi %mul3A_631, %add3A_632 : i32
        %swap3A = arith.constant 5 : i32
        %swap3A_634 = arith.index_cast %swap3A : i32 to index
        %swap3A_635 = arith.index_cast %add3A_633 : i32 to index
        %swap3A_636 = arith.constant 0 : index
        %swap3A_637 = tpu.vector_load %arg6[%swap3A_634, %swap3A_635, %swap3A_636] {strides = array<i32>} : memref<8x128x64xf32, #tpu.memory_space<vmem>>, vector<1x1x16xf32>,
        %swap3A_638 = vector.shape_cast %swap3A_637 : vector<1x1x16xf32> to vector<16xf32>
        %swap3A_639 = vector.shape_cast %mul3A_629 : vector<16xf32> to vector<1x1x16xf32>
        tpu.vector_store %arg6[%swap3A_634, %swap3A_635, %swap3A_636], %swap3A_639 {strides = array<i32>} : memref<8x128x64xf32, #tpu.memory_space<vmem>>, vector<1x1x16xf32>,
        %mul3A_640 = arith.constant 2 : i32
        %mul3A_641 = arith.muli %scan3A_617, %mul3A_640 : i32
        %add3A_642 = arith.constant 0 : i32
        %add3A_643 = arith.addi %mul3A_641, %add3A_642 : i32
        %get3A_644 = arith.constant 5 : i32
        %get3A_645 = arith.index_cast %get3A_644 : i32 to index
        %get3A_646 = arith.index_cast %add3A_643 : i32 to index
        %get3A_647 = arith.constant 16 : index
        %get3A_648 = tpu.vector_load %arg6[%get3A_645, %get3A_646, %get3A_647] {strides = array<i32>} : memref<8x128x64xf32, #tpu.memory_space<vmem>>, vector<1x1x16xf32>,
        %get3A_649 = vector.shape_cast %get3A_648 : vector<1x1x16xf32> to vector<16xf32>
        %mul3A_650 = arith.constant 8.000000e+00 : f32
        %mul3A_651 = vector.broadcast %mul3A_650 : f32 to vector<16xf32>
        %mul3A_652 = arith.mulf %get3A_649, %mul3A_651 : vector<16xf32>
        %mul3A_653 = arith.constant 2 : i32
        %mul3A_654 = arith.muli %scan3A_617, %mul3A_653 : i32
        %add3A_655 = arith.constant 0 : i32
        %add3A_656 = arith.addi %mul3A_654, %add3A_655 : i32
        %swap3A_657 = arith.constant 5 : i32
        %swap3A_658 = arith.index_cast %swap3A_657 : i32 to index
        %swap3A_659 = arith.index_cast %add3A_656 : i32 to index
        %swap3A_660 = arith.constant 16 : index
        %swap3A_661 = tpu.vector_load %arg6[%swap3A_658, %swap3A_659, %swap3A_660] {strides = array<i32>} : memref<8x128x64xf32, #tpu.memory_space<vmem>>, vector<1x1x16xf32>,
        %swap3A_662 = vector.shape_cast %swap3A_661 : vector<1x1x16xf32> to vector<16xf32>
        %swap3A_663 = vector.shape_cast %mul3A_652 : vector<16xf32> to vector<1x1x16xf32>
        tpu.vector_store %arg6[%swap3A_658, %swap3A_659, %swap3A_660], %swap3A_663 {strides = array<i32>} : memref<8x128x64xf32, #tpu.memory_space<vmem>>, vector<1x1x16xf32>,
        %mul3A_664 = arith.constant 2 : i32
        %mul3A_665 = arith.muli %scan3A_617, %mul3A_664 : i32
        %add3A_666 = arith.constant 0 : i32
        %add3A_667 = arith.addi %mul3A_665, %add3A_666 : i32
        %get3A_668 = arith.constant 5 : i32
        %get3A_669 = arith.index_cast %get3A_668 : i32 to index
        %get3A_670 = arith.index_cast %add3A_667 : i32 to index
        %get3A_671 = arith.constant 32 : index
        %get3A_672 = tpu.vector_load %arg6[%get3A_669, %get3A_670, %get3A_671] {strides = array<i32>} : memref<8x128x64xf32, #tpu.memory_space<vmem>>, vector<1x1x16xf32>,
        %get3A_673 = vector.shape_cast %get3A_672 : vector<1x1x16xf32> to vector<16xf32>
        %mul3A_674 = arith.constant 8.000000e+00 : f32
        %mul3A_675 = vector.broadcast %mul3A_674 : f32 to vector<16xf32>
        %mul3A_676 = arith.mulf %get3A_673, %mul3A_675 : vector<16xf32>
        %mul3A_677 = arith.constant 2 : i32
        %mul3A_678 = arith.muli %scan3A_617, %mul3A_677 : i32
        %add3A_679 = arith.constant 0 : i32
        %add3A_680 = arith.addi %mul3A_678, %add3A_679 : i32
        %swap3A_681 = arith.constant 5 : i32
        %swap3A_682 = arith.index_cast %swap3A_681 : i32 to index
        %swap3A_683 = arith.index_cast %add3A_680 : i32 to index
        %swap3A_684 = arith.constant 32 : index
        %swap3A_685 = tpu.vector_load %arg6[%swap3A_682, %swap3A_683, %swap3A_684] {strides = array<i32>} : memref<8x128x64xf32, #tpu.memory_space<vmem>>, vector<1x1x16xf32>,
        %swap3A_686 = vector.shape_cast %swap3A_685 : vector<1x1x16xf32> to vector<16xf32>
        %swap3A_687 = vector.shape_cast %mul3A_676 : vector<16xf32> to vector<1x1x16xf32>
        tpu.vector_store %arg6[%swap3A_682, %swap3A_683, %swap3A_684], %swap3A_687 {strides = array<i32>} : memref<8x128x64xf32, #tpu.memory_space<vmem>>, vector<1x1x16xf32>,
        %mul3A_688 = arith.constant 2 : i32
        %mul3A_689 = arith.muli %scan3A_617, %mul3A_688 : i32
        %add3A_690 = arith.constant 0 : i32
        %add3A_691 = arith.addi %mul3A_689, %add3A_690 : i32
        %get3A_692 = arith.constant 5 : i32
        %get3A_693 = arith.index_cast %get3A_692 : i32 to index
        %get3A_694 = arith.index_cast %add3A_691 : i32 to index
        %get3A_695 = arith.constant 48 : index
        %get3A_696 = tpu.vector_load %arg6[%get3A_693, %get3A_694, %get3A_695] {strides = array<i32>} : memref<8x128x64xf32, #tpu.memory_space<vmem>>, vector<1x1x16xf32>,
        %get3A_697 = vector.shape_cast %get3A_696 : vector<1x1x16xf32> to vector<16xf32>
        %mul3A_698 = arith.constant 8.000000e+00 : f32
        %mul3A_699 = vector.broadcast %mul3A_698 : f32 to vector<16xf32>
        %mul3A_700 = arith.mulf %get3A_697, %mul3A_699 : vector<16xf32>
        %mul3A_701 = arith.constant 2 : i32
        %mul3A_702 = arith.muli %scan3A_617, %mul3A_701 : i32
        %add3A_703 = arith.constant 0 : i32
        %add3A_704 = arith.addi %mul3A_702, %add3A_703 : i32
        %swap3A_705 = arith.constant 5 : i32
        %swap3A_706 = arith.index_cast %swap3A_705 : i32 to index
        %swap3A_707 = arith.index_cast %add3A_704 : i32 to index
        %swap3A_708 = arith.constant 48 : index
        %swap3A_709 = tpu.vector_load %arg6[%swap3A_706, %swap3A_707, %swap3A_708] {strides = array<i32>} : memref<8x128x64xf32, #tpu.memory_space<vmem>>, vector<1x1x16xf32>,
        %swap3A_710 = vector.shape_cast %swap3A_709 : vector<1x1x16xf32> to vector<16xf32>
        %swap3A_711 = vector.shape_cast %mul3A_700 : vector<16xf32> to vector<1x1x16xf32>
        tpu.vector_store %arg6[%swap3A_706, %swap3A_707, %swap3A_708], %swap3A_711 {strides = array<i32>} : memref<8x128x64xf32, #tpu.memory_space<vmem>>, vector<1x1x16xf32>,
        %mul3A_712 = arith.constant 2 : i32
        %mul3A_713 = arith.muli %scan3A_617, %mul3A_712 : i32
        %add3A_714 = arith.constant 1 : i32
        %add3A_715 = arith.addi %mul3A_713, %add3A_714 : i32
        %get3A_716 = arith.constant 5 : i32
        %get3A_717 = arith.index_cast %get3A_716 : i32 to index
        %get3A_718 = arith.index_cast %add3A_715 : i32 to index
        %get3A_719 = arith.constant 0 : index
        %get3A_720 = tpu.vector_load %arg6[%get3A_717, %get3A_718, %get3A_719] {strides = array<i32>} : memref<8x128x64xf32, #tpu.memory_space<vmem>>, vector<1x1x16xf32>,
        %get3A_721 = vector.shape_cast %get3A_720 : vector<1x1x16xf32> to vector<16xf32>
        %mul3A_722 = arith.constant 8.000000e+00 : f32
        %mul3A_723 = vector.broadcast %mul3A_722 : f32 to vector<16xf32>
        %mul3A_724 = arith.mulf %get3A_721, %mul3A_723 : vector<16xf32>
        %mul3A_725 = arith.constant 2 : i32
        %mul3A_726 = arith.muli %scan3A_617, %mul3A_725 : i32
        %add3A_727 = arith.constant 1 : i32
        %add3A_728 = arith.addi %mul3A_726, %add3A_727 : i32
        %swap3A_729 = arith.constant 5 : i32
        %swap3A_730 = arith.index_cast %swap3A_729 : i32 to index
        %swap3A_731 = arith.index_cast %add3A_728 : i32 to index
        %swap3A_732 = arith.constant 0 : index
        %swap3A_733 = tpu.vector_load %arg6[%swap3A_730, %swap3A_731, %swap3A_732] {strides = array<i32>} : memref<8x128x64xf32, #tpu.memory_space<vmem>>, vector<1x1x16xf32>,
        %swap3A_734 = vector.shape_cast %swap3A_733 : vector<1x1x16xf32> to vector<16xf32>
        %swap3A_735 = vector.shape_cast %mul3A_724 : vector<16xf32> to vector<1x1x16xf32>
        tpu.vector_store %arg6[%swap3A_730, %swap3A_731, %swap3A_732], %swap3A_735 {strides = array<i32>} : memref<8x128x64xf32, #tpu.memory_space<vmem>>, vector<1x1x16xf32>,
        %mul3A_736 = arith.constant 2 : i32
        %mul3A_737 = arith.muli %scan3A_617, %mul3A_736 : i32
        %add3A_738 = arith.constant 1 : i32
        %add3A_739 = arith.addi %mul3A_737, %add3A_738 : i32
        %get3A_740 = arith.constant 5 : i32
        %get3A_741 = arith.index_cast %get3A_740 : i32 to index
        %get3A_742 = arith.index_cast %add3A_739 : i32 to index
        %get3A_743 = arith.constant 16 : index
        %get3A_744 = tpu.vector_load %arg6[%get3A_741, %get3A_742, %get3A_743] {strides = array<i32>} : memref<8x128x64xf32, #tpu.memory_space<vmem>>, vector<1x1x16xf32>,
        %get3A_745 = vector.shape_cast %get3A_744 : vector<1x1x16xf32> to vector<16xf32>
        %mul3A_746 = arith.constant 8.000000e+00 : f32
        %mul3A_747 = vector.broadcast %mul3A_746 : f32 to vector<16xf32>
        %mul3A_748 = arith.mulf %get3A_745, %mul3A_747 : vector<16xf32>
        %mul3A_749 = arith.constant 2 : i32
        %mul3A_750 = arith.muli %scan3A_617, %mul3A_749 : i32
        %add3A_751 = arith.constant 1 : i32
        %add3A_752 = arith.addi %mul3A_750, %add3A_751 : i32
        %swap3A_753 = arith.constant 5 : i32
        %swap3A_754 = arith.index_cast %swap3A_753 : i32 to index
        %swap3A_755 = arith.index_cast %add3A_752 : i32 to index
        %swap3A_756 = arith.constant 16 : index
        %swap3A_757 = tpu.vector_load %arg6[%swap3A_754, %swap3A_755, %swap3A_756] {strides = array<i32>} : memref<8x128x64xf32, #tpu.memory_space<vmem>>, vector<1x1x16xf32>,
        %swap3A_758 = vector.shape_cast %swap3A_757 : vector<1x1x16xf32> to vector<16xf32>
        %swap3A_759 = vector.shape_cast %mul3A_748 : vector<16xf32> to vector<1x1x16xf32>
        tpu.vector_store %arg6[%swap3A_754, %swap3A_755, %swap3A_756], %swap3A_759 {strides = array<i32>} : memref<8x128x64xf32, #tpu.memory_space<vmem>>, vector<1x1x16xf32>,
        %mul3A_760 = arith.constant 2 : i32
        %mul3A_761 = arith.muli %scan3A_617, %mul3A_760 : i32
        %add3A_762 = arith.constant 1 : i32
        %add3A_763 = arith.addi %mul3A_761, %add3A_762 : i32
        %get3A_764 = arith.constant 5 : i32
        %get3A_765 = arith.index_cast %get3A_764 : i32 to index
        %get3A_766 = arith.index_cast %add3A_763 : i32 to index
        %get3A_767 = arith.constant 32 : index
        %get3A_768 = tpu.vector_load %arg6[%get3A_765, %get3A_766, %get3A_767] {strides = array<i32>} : memref<8x128x64xf32, #tpu.memory_space<vmem>>, vector<1x1x16xf32>,
        %get3A_769 = vector.shape_cast %get3A_768 : vector<1x1x16xf32> to vector<16xf32>
        %mul3A_770 = arith.constant 8.000000e+00 : f32
        %mul3A_771 = vector.broadcast %mul3A_770 : f32 to vector<16xf32>
        %mul3A_772 = arith.mulf %get3A_769, %mul3A_771 : vector<16xf32>
        %mul3A_773 = arith.constant 2 : i32
        %mul3A_774 = arith.muli %scan3A_617, %mul3A_773 : i32
        %add3A_775 = arith.constant 1 : i32
        %add3A_776 = arith.addi %mul3A_774, %add3A_775 : i32
        %swap3A_777 = arith.constant 5 : i32
        %swap3A_778 = arith.index_cast %swap3A_777 : i32 to index
        %swap3A_779 = arith.index_cast %add3A_776 : i32 to index
        %swap3A_780 = arith.constant 32 : index
        %swap3A_781 = tpu.vector_load %arg6[%swap3A_778, %swap3A_779, %swap3A_780] {strides = array<i32>} : memref<8x128x64xf32, #tpu.memory_space<vmem>>, vector<1x1x16xf32>,
        %swap3A_782 = vector.shape_cast %swap3A_781 : vector<1x1x16xf32> to vector<16xf32>
        %swap3A_783 = vector.shape_cast %mul3A_772 : vector<16xf32> to vector<1x1x16xf32>
        tpu.vector_store %arg6[%swap3A_778, %swap3A_779, %swap3A_780], %swap3A_783 {strides = array<i32>} : memref<8x128x64xf32, #tpu.memory_space<vmem>>, vector<1x1x16xf32>,
        %mul3A_784 = arith.constant 2 : i32
        %mul3A_785 = arith.muli %scan3A_617, %mul3A_784 : i32
        %add3A_786 = arith.constant 1 : i32
        %add3A_787 = arith.addi %mul3A_785, %add3A_786 : i32
        %get3A_788 = arith.constant 5 : i32
        %get3A_789 = arith.index_cast %get3A_788 : i32 to index
        %get3A_790 = arith.index_cast %add3A_787 : i32 to index
        %get3A_791 = arith.constant 48 : index
        %get3A_792 = tpu.vector_load %arg6[%get3A_789, %get3A_790, %get3A_791] {strides = array<i32>} : memref<8x128x64xf32, #tpu.memory_space<vmem>>, vector<1x1x16xf32>,
        %get3A_793 = vector.shape_cast %get3A_792 : vector<1x1x16xf32> to vector<16xf32>
        %mul3A_794 = arith.constant 8.000000e+00 : f32
        %mul3A_795 = vector.broadcast %mul3A_794 : f32 to vector<16xf32>
        %mul3A_796 = arith.mulf %get3A_793, %mul3A_795 : vector<16xf32>
        %mul3A_797 = arith.constant 2 : i32
        %mul3A_798 = arith.muli %scan3A_617, %mul3A_797 : i32
        %add3A_799 = arith.constant 1 : i32
        %add3A_800 = arith.addi %mul3A_798, %add3A_799 : i32
        %swap3A_801 = arith.constant 5 : i32
        %swap3A_802 = arith.index_cast %swap3A_801 : i32 to index
        %swap3A_803 = arith.index_cast %add3A_800 : i32 to index
        %swap3A_804 = arith.constant 48 : index
        %swap3A_805 = tpu.vector_load %arg6[%swap3A_802, %swap3A_803, %swap3A_804] {strides = array<i32>} : memref<8x128x64xf32, #tpu.memory_space<vmem>>, vector<1x1x16xf32>,
        %swap3A_806 = vector.shape_cast %swap3A_805 : vector<1x1x16xf32> to vector<16xf32>
        %swap3A_807 = vector.shape_cast %mul3A_796 : vector<16xf32> to vector<1x1x16xf32>
        tpu.vector_store %arg6[%swap3A_802, %swap3A_803, %swap3A_804], %swap3A_807 {strides = array<i32>} : memref<8x128x64xf32, #tpu.memory_space<vmem>>, vector<1x1x16xf32>,
      }
      %scan3A_465 = arith.constant 64 : i32
      %mul3A_466 = arith.constant 128 : i32
      %mul3A_467 = arith.muli %add3A_440, %mul3A_466 : i32
      %add3A_468 = arith.addi %mul3A_2, %mul3A_467 : i32
      %dma_start3A_469 = arith.constant 5 : i32
      %dma_start3A_470 = arith.constant 5 : i32
      %dma_start3A_471 = arith.constant 0 : i32
      %dma_start3A_472 = arith.constant 0 : i32
      %dma_start3A_473 = tpu.memref_slice %arg6[%dma_start3A_469, %dma_start3A_471, %dma_start3A_472] : memref<8x128x64xf32, #tpu.memory_space<vmem>> -> memref<1x128x64xf32, #tpu.memory_space<vmem>>
      %dma_start3A_474 = tpu.memref_squeeze %dma_start3A_473 : memref<1x128x64xf32, #tpu.memory_space<vmem>> -> memref<128x64xf32, #tpu.memory_space<vmem>>
      %dma_start3A_475 = arith.constant 0 : i32
      %dma_start3A_476 = tpu.memref_slice %arg4[%add3A_468, %dma_start3A_475] : memref<819200x64xf32, #tpu.memory_space<hbm>> -> memref<128x64xf32, #tpu.memory_space<hbm>>
      %dma_start3A_477 = tpu.memref_slice %arg8[%dma_start3A_470] : memref<8x!tpu.dma_semaphore, #tpu.memory_space<semaphore_mem>> -> memref<1x!tpu.dma_semaphore, #tpu.memory_space<semaphore_mem>>
      %dma_start3A_478 = tpu.memref_squeeze %dma_start3A_477 : memref<1x!tpu.dma_semaphore, #tpu.memory_space<semaphore_mem>> -> memref<!tpu.dma_semaphore, #tpu.memory_space<semaphore_mem>>
      %dma_start3A_479 = arith.constant 0 : i32
      %dma_start3A_480 = tpu.memref_slice %arg4[%add3A_468, %dma_start3A_479] : memref<819200x64xf32, #tpu.memory_space<hbm>> -> memref<128x64xf32, #tpu.memory_space<hbm>>
      %dma_start3A_481 = arith.constant 0 : i32
      %dma_start3A_482 = arith.constant 0 : i32
      %dma_start3A_483 = tpu.memref_slice %arg6[%dma_start3A_469, %dma_start3A_481, %dma_start3A_482] : memref<8x128x64xf32, #tpu.memory_space<vmem>> -> memref<1x128x64xf32, #tpu.memory_space<vmem>>
      %dma_start3A_484 = tpu.memref_squeeze %dma_start3A_483 : memref<1x128x64xf32, #tpu.memory_space<vmem>> -> memref<128x64xf32, #tpu.memory_space<vmem>>
      tpu.enqueue_dma source(%dma_start3A_484 : memref<128x64xf32, #tpu.memory_space<vmem>>) target(%dma_start3A_480 : memref<128x64xf32, #tpu.memory_space<hbm>>) target_semaphore(%dma_start3A_478 : memref<!tpu.dma_semaphore, #tpu.memory_space<semaphore_mem>>)
      %ge3A_485 = arith.constant 4 : i32
      %ge3A_486 = arith.cmpi sge, %add3A_440, %ge3A_485 : i32
      %convert_element_type3A_487 = arith.extui %ge3A_486 : i1 to i32
      %cond3A_488 = arith.constant 0 : i32
      %cond3A_489 = arith.cmpi ne, %convert_element_type3A_487, %cond3A_488 : i32
      scf.if %cond3A_489 {
        %add3A_617 = arith.constant 0 : i32
        %add3A_618 = arith.addi %mul3A_2, %add3A_617 : i32
        %dma_wait3A_619 = arith.constant 1 : i32
        %dma_wait3A_620 = arith.constant 1 : i32
        %dma_wait3A_621 = arith.constant 0 : i32
        %dma_wait3A_622 = arith.constant 0 : i32
        %dma_wait3A_623 = tpu.memref_slice %arg6[%dma_wait3A_619, %dma_wait3A_621, %dma_wait3A_622] : memref<8x128x64xf32, #tpu.memory_space<vmem>> -> memref<1x128x64xf32, #tpu.memory_space<vmem>>
        %dma_wait3A_624 = tpu.memref_squeeze %dma_wait3A_623 : memref<1x128x64xf32, #tpu.memory_space<vmem>> -> memref<128x64xf32, #tpu.memory_space<vmem>>
        %dma_wait3A_625 = arith.constant 0 : i32
        %dma_wait3A_626 = tpu.memref_slice %arg4[%add3A_618, %dma_wait3A_625] : memref<819200x64xf32, #tpu.memory_space<hbm>> -> memref<128x64xf32, #tpu.memory_space<hbm>>
        %dma_wait3A_627 = tpu.memref_slice %arg8[%dma_wait3A_620] : memref<8x!tpu.dma_semaphore, #tpu.memory_space<semaphore_mem>> -> memref<1x!tpu.dma_semaphore, #tpu.memory_space<semaphore_mem>>
        %dma_wait3A_628 = tpu.memref_squeeze %dma_wait3A_627 : memref<1x!tpu.dma_semaphore, #tpu.memory_space<semaphore_mem>> -> memref<!tpu.dma_semaphore, #tpu.memory_space<semaphore_mem>>
        %dma_wait3A_629 = arith.constant 0 : i32
        %dma_wait3A_630 = tpu.memref_slice %arg4[%add3A_618, %dma_wait3A_629] : memref<819200x64xf32, #tpu.memory_space<hbm>> -> memref<128x64xf32, #tpu.memory_space<hbm>>
        %dma_wait3A_631 = arith.constant 0 : i32
        %dma_wait3A_632 = arith.constant 0 : i32
        %dma_wait3A_633 = tpu.memref_slice %arg6[%dma_wait3A_619, %dma_wait3A_631, %dma_wait3A_632] : memref<8x128x64xf32, #tpu.memory_space<vmem>> -> memref<1x128x64xf32, #tpu.memory_space<vmem>>
        %dma_wait3A_634 = tpu.memref_squeeze %dma_wait3A_633 : memref<1x128x64xf32, #tpu.memory_space<vmem>> -> memref<128x64xf32, #tpu.memory_space<vmem>>
        tpu.wait_dma2 semaphore(%dma_wait3A_628 : memref<!tpu.dma_semaphore, #tpu.memory_space<semaphore_mem>>) src(%dma_wait3A_634 : memref<128x64xf32, #tpu.memory_space<vmem>>) dst(%dma_wait3A_630 : memref<128x64xf32, #tpu.memory_space<hbm>>)
      } else {
      }
      %add3A_490 = arith.constant 4 : i32
      %add3A_491 = arith.addi %add3A_440, %add3A_490 : i32
      %lt3A_492 = arith.constant 200 : i32
      %lt3A_493 = arith.cmpi slt, %add3A_491, %lt3A_492 : i32
      %convert_element_type3A_494 = arith.extui %lt3A_493 : i1 to i32
      %cond3A_495 = arith.constant 0 : i32
      %cond3A_496 = arith.cmpi ne, %convert_element_type3A_494, %cond3A_495 : i32
      scf.if %cond3A_496 {
        %add3A_617 = arith.constant 4 : i32
        %add3A_618 = arith.addi %add3A_440, %add3A_617 : i32
        %dma_start3A_619 = arith.constant 1 : i32
        %dma_start3A_620 = arith.constant 1 : i32
        %dma_start3A_621 = arith.constant 0 : i32
        %dma_start3A_622 = arith.constant 0 : i32
        %dma_start3A_623 = tpu.memref_slice %arg6[%dma_start3A_619, %dma_start3A_621, %dma_start3A_622] : memref<8x128x64xf32, #tpu.memory_space<vmem>> -> memref<1x128x64xf32, #tpu.memory_space<vmem>>
        %dma_start3A_624 = tpu.memref_squeeze %dma_start3A_623 : memref<1x128x64xf32, #tpu.memory_space<vmem>> -> memref<128x64xf32, #tpu.memory_space<vmem>>
        %dma_start3A_625 = arith.constant 0 : i32
        %dma_start3A_626 = tpu.memref_slice %arg5[%add3A_618, %dma_start3A_625] : memref<200x128xi32, #tpu.memory_space<vmem>> -> memref<1x128xi32, #tpu.memory_space<vmem>>
        %dma_start3A_627 = tpu.memref_squeeze %dma_start3A_626 : memref<1x128xi32, #tpu.memory_space<vmem>> -> memref<128xi32, #tpu.memory_space<vmem>>
        %dma_start3A_628 = arith.constant 0 : i32
        %dma_start3A_629 = arith.constant 0 : i32
        %dma_start3A_630 = tpu.memref_slice %arg3[%dma_start3A_628, %dma_start3A_629] : memref<1000000x64xf32, #tpu.memory_space<hbm>> -> memref<1000000x64xf32, #tpu.memory_space<hbm>>
        %dma_start3A_631 = tpu.memref_slice %arg7[%dma_start3A_620] : memref<8x!tpu.dma_semaphore, #tpu.memory_space<semaphore_mem>> -> memref<1x!tpu.dma_semaphore, #tpu.memory_space<semaphore_mem>>
        %dma_start3A_632 = tpu.memref_squeeze %dma_start3A_631 : memref<1x!tpu.dma_semaphore, #tpu.memory_space<semaphore_mem>> -> memref<!tpu.dma_semaphore, #tpu.memory_space<semaphore_mem>>
        tpu.enqueue_indirect_dma source(%dma_start3A_630 : memref<1000000x64xf32, #tpu.memory_space<hbm>>) target(%dma_start3A_624 : memref<128x64xf32, #tpu.memory_space<vmem>>) offsets(%dma_start3A_627 : memref<128xi32, #tpu.memory_space<vmem>>) semaphore(%dma_start3A_632 : memref<!tpu.dma_semaphore, #tpu.memory_space<semaphore_mem>>)
      } else {
      }
      %mul3A_497 = arith.constant 8 : i32
      %mul3A_498 = arith.muli %scan3A_140, %mul3A_497 : i32
      %add3A_499 = arith.constant 6 : i32
      %add3A_500 = arith.addi %mul3A_498, %add3A_499 : i32
      %mul3A_501 = arith.constant 128 : i32
      %mul3A_502 = arith.muli %add3A_500, %mul3A_501 : i32
      %add3A_503 = arith.addi %mul3A_2, %mul3A_502 : i32
      %dma_wait3A_504 = arith.constant 6 : i32
      %dma_wait3A_505 = arith.constant 6 : i32
      %dma_wait3A_506 = arith.constant 0 : i32
      %dma_wait3A_507 = arith.constant 0 : i32
      %dma_wait3A_508 = tpu.memref_slice %arg6[%dma_wait3A_504, %dma_wait3A_506, %dma_wait3A_507] : memref<8x128x64xf32, #tpu.memory_space<vmem>> -> memref<1x128x64xf32, #tpu.memory_space<vmem>>
      %dma_wait3A_509 = tpu.memref_squeeze %dma_wait3A_508 : memref<1x128x64xf32, #tpu.memory_space<vmem>> -> memref<128x64xf32, #tpu.memory_space<vmem>>
      %dma_wait3A_510 = arith.constant 0 : i32
      %dma_wait3A_511 = tpu.memref_slice %arg4[%add3A_503, %dma_wait3A_510] : memref<819200x64xf32, #tpu.memory_space<hbm>> -> memref<128x64xf32, #tpu.memory_space<hbm>>
      %dma_wait3A_512 = tpu.memref_slice %arg7[%dma_wait3A_505] : memref<8x!tpu.dma_semaphore, #tpu.memory_space<semaphore_mem>> -> memref<1x!tpu.dma_semaphore, #tpu.memory_space<semaphore_mem>>
      %dma_wait3A_513 = tpu.memref_squeeze %dma_wait3A_512 : memref<1x!tpu.dma_semaphore, #tpu.memory_space<semaphore_mem>> -> memref<!tpu.dma_semaphore, #tpu.memory_space<semaphore_mem>>
      %dma_wait3A_514 = arith.constant 0 : i32
      %dma_wait3A_515 = tpu.memref_slice %arg4[%add3A_503, %dma_wait3A_514] : memref<819200x64xf32, #tpu.memory_space<hbm>> -> memref<128x64xf32, #tpu.memory_space<hbm>>
      %dma_wait3A_516 = arith.constant 0 : i32
      %dma_wait3A_517 = arith.constant 0 : i32
      %dma_wait3A_518 = tpu.memref_slice %arg6[%dma_wait3A_504, %dma_wait3A_516, %dma_wait3A_517] : memref<8x128x64xf32, #tpu.memory_space<vmem>> -> memref<1x128x64xf32, #tpu.memory_space<vmem>>
      %dma_wait3A_519 = tpu.memref_squeeze %dma_wait3A_518 : memref<1x128x64xf32, #tpu.memory_space<vmem>> -> memref<128x64xf32, #tpu.memory_space<vmem>>
      tpu.wait_dma2 semaphore(%dma_wait3A_513 : memref<!tpu.dma_semaphore, #tpu.memory_space<semaphore_mem>>) src(%dma_wait3A_519 : memref<128x64xf32, #tpu.memory_space<vmem>>) dst(%dma_wait3A_515 : memref<128x64xf32, #tpu.memory_space<hbm>>)
      %scan3A_520 = arith.constant 0 : i32
      %scan3A_521 = arith.constant 0 : i32
      %scan3A_522 = arith.constant 64 : i32
      %scan3A_523 = arith.addi %scan3A_521, %scan3A_522 : i32
      %scan3A_524 = arith.constant 1 : i32
      scf.for %scan3A_617 = %scan3A_521 to %scan3A_523 step %scan3A_524  : i32 {
        %mul3A_618 = arith.constant 2 : i32
        %mul3A_619 = arith.muli %scan3A_617, %mul3A_618 : i32
        %add3A_620 = arith.constant 0 : i32
        %add3A_621 = arith.addi %mul3A_619, %add3A_620 : i32
        %get3A = arith.constant 6 : i32
        %get3A_622 = arith.index_cast %get3A : i32 to index
        %get3A_623 = arith.index_cast %add3A_621 : i32 to index
        %get3A_624 = arith.constant 0 : index
        %get3A_625 = tpu.vector_load %arg6[%get3A_622, %get3A_623, %get3A_624] {strides = array<i32>} : memref<8x128x64xf32, #tpu.memory_space<vmem>>, vector<1x1x16xf32>,
        %get3A_626 = vector.shape_cast %get3A_625 : vector<1x1x16xf32> to vector<16xf32>
        %mul3A_627 = arith.constant 8.000000e+00 : f32
        %mul3A_628 = vector.broadcast %mul3A_627 : f32 to vector<16xf32>
        %mul3A_629 = arith.mulf %get3A_626, %mul3A_628 : vector<16xf32>
        %mul3A_630 = arith.constant 2 : i32
        %mul3A_631 = arith.muli %scan3A_617, %mul3A_630 : i32
        %add3A_632 = arith.constant 0 : i32
        %add3A_633 = arith.addi %mul3A_631, %add3A_632 : i32
        %swap3A = arith.constant 6 : i32
        %swap3A_634 = arith.index_cast %swap3A : i32 to index
        %swap3A_635 = arith.index_cast %add3A_633 : i32 to index
        %swap3A_636 = arith.constant 0 : index
        %swap3A_637 = tpu.vector_load %arg6[%swap3A_634, %swap3A_635, %swap3A_636] {strides = array<i32>} : memref<8x128x64xf32, #tpu.memory_space<vmem>>, vector<1x1x16xf32>,
        %swap3A_638 = vector.shape_cast %swap3A_637 : vector<1x1x16xf32> to vector<16xf32>
        %swap3A_639 = vector.shape_cast %mul3A_629 : vector<16xf32> to vector<1x1x16xf32>
        tpu.vector_store %arg6[%swap3A_634, %swap3A_635, %swap3A_636], %swap3A_639 {strides = array<i32>} : memref<8x128x64xf32, #tpu.memory_space<vmem>>, vector<1x1x16xf32>,
        %mul3A_640 = arith.constant 2 : i32
        %mul3A_641 = arith.muli %scan3A_617, %mul3A_640 : i32
        %add3A_642 = arith.constant 0 : i32
        %add3A_643 = arith.addi %mul3A_641, %add3A_642 : i32
        %get3A_644 = arith.constant 6 : i32
        %get3A_645 = arith.index_cast %get3A_644 : i32 to index
        %get3A_646 = arith.index_cast %add3A_643 : i32 to index
        %get3A_647 = arith.constant 16 : index
        %get3A_648 = tpu.vector_load %arg6[%get3A_645, %get3A_646, %get3A_647] {strides = array<i32>} : memref<8x128x64xf32, #tpu.memory_space<vmem>>, vector<1x1x16xf32>,
        %get3A_649 = vector.shape_cast %get3A_648 : vector<1x1x16xf32> to vector<16xf32>
        %mul3A_650 = arith.constant 8.000000e+00 : f32
        %mul3A_651 = vector.broadcast %mul3A_650 : f32 to vector<16xf32>
        %mul3A_652 = arith.mulf %get3A_649, %mul3A_651 : vector<16xf32>
        %mul3A_653 = arith.constant 2 : i32
        %mul3A_654 = arith.muli %scan3A_617, %mul3A_653 : i32
        %add3A_655 = arith.constant 0 : i32
        %add3A_656 = arith.addi %mul3A_654, %add3A_655 : i32
        %swap3A_657 = arith.constant 6 : i32
        %swap3A_658 = arith.index_cast %swap3A_657 : i32 to index
        %swap3A_659 = arith.index_cast %add3A_656 : i32 to index
        %swap3A_660 = arith.constant 16 : index
        %swap3A_661 = tpu.vector_load %arg6[%swap3A_658, %swap3A_659, %swap3A_660] {strides = array<i32>} : memref<8x128x64xf32, #tpu.memory_space<vmem>>, vector<1x1x16xf32>,
        %swap3A_662 = vector.shape_cast %swap3A_661 : vector<1x1x16xf32> to vector<16xf32>
        %swap3A_663 = vector.shape_cast %mul3A_652 : vector<16xf32> to vector<1x1x16xf32>
        tpu.vector_store %arg6[%swap3A_658, %swap3A_659, %swap3A_660], %swap3A_663 {strides = array<i32>} : memref<8x128x64xf32, #tpu.memory_space<vmem>>, vector<1x1x16xf32>,
        %mul3A_664 = arith.constant 2 : i32
        %mul3A_665 = arith.muli %scan3A_617, %mul3A_664 : i32
        %add3A_666 = arith.constant 0 : i32
        %add3A_667 = arith.addi %mul3A_665, %add3A_666 : i32
        %get3A_668 = arith.constant 6 : i32
        %get3A_669 = arith.index_cast %get3A_668 : i32 to index
        %get3A_670 = arith.index_cast %add3A_667 : i32 to index
        %get3A_671 = arith.constant 32 : index
        %get3A_672 = tpu.vector_load %arg6[%get3A_669, %get3A_670, %get3A_671] {strides = array<i32>} : memref<8x128x64xf32, #tpu.memory_space<vmem>>, vector<1x1x16xf32>,
        %get3A_673 = vector.shape_cast %get3A_672 : vector<1x1x16xf32> to vector<16xf32>
        %mul3A_674 = arith.constant 8.000000e+00 : f32
        %mul3A_675 = vector.broadcast %mul3A_674 : f32 to vector<16xf32>
        %mul3A_676 = arith.mulf %get3A_673, %mul3A_675 : vector<16xf32>
        %mul3A_677 = arith.constant 2 : i32
        %mul3A_678 = arith.muli %scan3A_617, %mul3A_677 : i32
        %add3A_679 = arith.constant 0 : i32
        %add3A_680 = arith.addi %mul3A_678, %add3A_679 : i32
        %swap3A_681 = arith.constant 6 : i32
        %swap3A_682 = arith.index_cast %swap3A_681 : i32 to index
        %swap3A_683 = arith.index_cast %add3A_680 : i32 to index
        %swap3A_684 = arith.constant 32 : index
        %swap3A_685 = tpu.vector_load %arg6[%swap3A_682, %swap3A_683, %swap3A_684] {strides = array<i32>} : memref<8x128x64xf32, #tpu.memory_space<vmem>>, vector<1x1x16xf32>,
        %swap3A_686 = vector.shape_cast %swap3A_685 : vector<1x1x16xf32> to vector<16xf32>
        %swap3A_687 = vector.shape_cast %mul3A_676 : vector<16xf32> to vector<1x1x16xf32>
        tpu.vector_store %arg6[%swap3A_682, %swap3A_683, %swap3A_684], %swap3A_687 {strides = array<i32>} : memref<8x128x64xf32, #tpu.memory_space<vmem>>, vector<1x1x16xf32>,
        %mul3A_688 = arith.constant 2 : i32
        %mul3A_689 = arith.muli %scan3A_617, %mul3A_688 : i32
        %add3A_690 = arith.constant 0 : i32
        %add3A_691 = arith.addi %mul3A_689, %add3A_690 : i32
        %get3A_692 = arith.constant 6 : i32
        %get3A_693 = arith.index_cast %get3A_692 : i32 to index
        %get3A_694 = arith.index_cast %add3A_691 : i32 to index
        %get3A_695 = arith.constant 48 : index
        %get3A_696 = tpu.vector_load %arg6[%get3A_693, %get3A_694, %get3A_695] {strides = array<i32>} : memref<8x128x64xf32, #tpu.memory_space<vmem>>, vector<1x1x16xf32>,
        %get3A_697 = vector.shape_cast %get3A_696 : vector<1x1x16xf32> to vector<16xf32>
        %mul3A_698 = arith.constant 8.000000e+00 : f32
        %mul3A_699 = vector.broadcast %mul3A_698 : f32 to vector<16xf32>
        %mul3A_700 = arith.mulf %get3A_697, %mul3A_699 : vector<16xf32>
        %mul3A_701 = arith.constant 2 : i32
        %mul3A_702 = arith.muli %scan3A_617, %mul3A_701 : i32
        %add3A_703 = arith.constant 0 : i32
        %add3A_704 = arith.addi %mul3A_702, %add3A_703 : i32
        %swap3A_705 = arith.constant 6 : i32
        %swap3A_706 = arith.index_cast %swap3A_705 : i32 to index
        %swap3A_707 = arith.index_cast %add3A_704 : i32 to index
        %swap3A_708 = arith.constant 48 : index
        %swap3A_709 = tpu.vector_load %arg6[%swap3A_706, %swap3A_707, %swap3A_708] {strides = array<i32>} : memref<8x128x64xf32, #tpu.memory_space<vmem>>, vector<1x1x16xf32>,
        %swap3A_710 = vector.shape_cast %swap3A_709 : vector<1x1x16xf32> to vector<16xf32>
        %swap3A_711 = vector.shape_cast %mul3A_700 : vector<16xf32> to vector<1x1x16xf32>
        tpu.vector_store %arg6[%swap3A_706, %swap3A_707, %swap3A_708], %swap3A_711 {strides = array<i32>} : memref<8x128x64xf32, #tpu.memory_space<vmem>>, vector<1x1x16xf32>,
        %mul3A_712 = arith.constant 2 : i32
        %mul3A_713 = arith.muli %scan3A_617, %mul3A_712 : i32
        %add3A_714 = arith.constant 1 : i32
        %add3A_715 = arith.addi %mul3A_713, %add3A_714 : i32
        %get3A_716 = arith.constant 6 : i32
        %get3A_717 = arith.index_cast %get3A_716 : i32 to index
        %get3A_718 = arith.index_cast %add3A_715 : i32 to index
        %get3A_719 = arith.constant 0 : index
        %get3A_720 = tpu.vector_load %arg6[%get3A_717, %get3A_718, %get3A_719] {strides = array<i32>} : memref<8x128x64xf32, #tpu.memory_space<vmem>>, vector<1x1x16xf32>,
        %get3A_721 = vector.shape_cast %get3A_720 : vector<1x1x16xf32> to vector<16xf32>
        %mul3A_722 = arith.constant 8.000000e+00 : f32
        %mul3A_723 = vector.broadcast %mul3A_722 : f32 to vector<16xf32>
        %mul3A_724 = arith.mulf %get3A_721, %mul3A_723 : vector<16xf32>
        %mul3A_725 = arith.constant 2 : i32
        %mul3A_726 = arith.muli %scan3A_617, %mul3A_725 : i32
        %add3A_727 = arith.constant 1 : i32
        %add3A_728 = arith.addi %mul3A_726, %add3A_727 : i32
        %swap3A_729 = arith.constant 6 : i32
        %swap3A_730 = arith.index_cast %swap3A_729 : i32 to index
        %swap3A_731 = arith.index_cast %add3A_728 : i32 to index
        %swap3A_732 = arith.constant 0 : index
        %swap3A_733 = tpu.vector_load %arg6[%swap3A_730, %swap3A_731, %swap3A_732] {strides = array<i32>} : memref<8x128x64xf32, #tpu.memory_space<vmem>>, vector<1x1x16xf32>,
        %swap3A_734 = vector.shape_cast %swap3A_733 : vector<1x1x16xf32> to vector<16xf32>
        %swap3A_735 = vector.shape_cast %mul3A_724 : vector<16xf32> to vector<1x1x16xf32>
        tpu.vector_store %arg6[%swap3A_730, %swap3A_731, %swap3A_732], %swap3A_735 {strides = array<i32>} : memref<8x128x64xf32, #tpu.memory_space<vmem>>, vector<1x1x16xf32>,
        %mul3A_736 = arith.constant 2 : i32
        %mul3A_737 = arith.muli %scan3A_617, %mul3A_736 : i32
        %add3A_738 = arith.constant 1 : i32
        %add3A_739 = arith.addi %mul3A_737, %add3A_738 : i32
        %get3A_740 = arith.constant 6 : i32
        %get3A_741 = arith.index_cast %get3A_740 : i32 to index
        %get3A_742 = arith.index_cast %add3A_739 : i32 to index
        %get3A_743 = arith.constant 16 : index
        %get3A_744 = tpu.vector_load %arg6[%get3A_741, %get3A_742, %get3A_743] {strides = array<i32>} : memref<8x128x64xf32, #tpu.memory_space<vmem>>, vector<1x1x16xf32>,
        %get3A_745 = vector.shape_cast %get3A_744 : vector<1x1x16xf32> to vector<16xf32>
        %mul3A_746 = arith.constant 8.000000e+00 : f32
        %mul3A_747 = vector.broadcast %mul3A_746 : f32 to vector<16xf32>
        %mul3A_748 = arith.mulf %get3A_745, %mul3A_747 : vector<16xf32>
        %mul3A_749 = arith.constant 2 : i32
        %mul3A_750 = arith.muli %scan3A_617, %mul3A_749 : i32
        %add3A_751 = arith.constant 1 : i32
        %add3A_752 = arith.addi %mul3A_750, %add3A_751 : i32
        %swap3A_753 = arith.constant 6 : i32
        %swap3A_754 = arith.index_cast %swap3A_753 : i32 to index
        %swap3A_755 = arith.index_cast %add3A_752 : i32 to index
        %swap3A_756 = arith.constant 16 : index
        %swap3A_757 = tpu.vector_load %arg6[%swap3A_754, %swap3A_755, %swap3A_756] {strides = array<i32>} : memref<8x128x64xf32, #tpu.memory_space<vmem>>, vector<1x1x16xf32>,
        %swap3A_758 = vector.shape_cast %swap3A_757 : vector<1x1x16xf32> to vector<16xf32>
        %swap3A_759 = vector.shape_cast %mul3A_748 : vector<16xf32> to vector<1x1x16xf32>
        tpu.vector_store %arg6[%swap3A_754, %swap3A_755, %swap3A_756], %swap3A_759 {strides = array<i32>} : memref<8x128x64xf32, #tpu.memory_space<vmem>>, vector<1x1x16xf32>,
        %mul3A_760 = arith.constant 2 : i32
        %mul3A_761 = arith.muli %scan3A_617, %mul3A_760 : i32
        %add3A_762 = arith.constant 1 : i32
        %add3A_763 = arith.addi %mul3A_761, %add3A_762 : i32
        %get3A_764 = arith.constant 6 : i32
        %get3A_765 = arith.index_cast %get3A_764 : i32 to index
        %get3A_766 = arith.index_cast %add3A_763 : i32 to index
        %get3A_767 = arith.constant 32 : index
        %get3A_768 = tpu.vector_load %arg6[%get3A_765, %get3A_766, %get3A_767] {strides = array<i32>} : memref<8x128x64xf32, #tpu.memory_space<vmem>>, vector<1x1x16xf32>,
        %get3A_769 = vector.shape_cast %get3A_768 : vector<1x1x16xf32> to vector<16xf32>
        %mul3A_770 = arith.constant 8.000000e+00 : f32
        %mul3A_771 = vector.broadcast %mul3A_770 : f32 to vector<16xf32>
        %mul3A_772 = arith.mulf %get3A_769, %mul3A_771 : vector<16xf32>
        %mul3A_773 = arith.constant 2 : i32
        %mul3A_774 = arith.muli %scan3A_617, %mul3A_773 : i32
        %add3A_775 = arith.constant 1 : i32
        %add3A_776 = arith.addi %mul3A_774, %add3A_775 : i32
        %swap3A_777 = arith.constant 6 : i32
        %swap3A_778 = arith.index_cast %swap3A_777 : i32 to index
        %swap3A_779 = arith.index_cast %add3A_776 : i32 to index
        %swap3A_780 = arith.constant 32 : index
        %swap3A_781 = tpu.vector_load %arg6[%swap3A_778, %swap3A_779, %swap3A_780] {strides = array<i32>} : memref<8x128x64xf32, #tpu.memory_space<vmem>>, vector<1x1x16xf32>,
        %swap3A_782 = vector.shape_cast %swap3A_781 : vector<1x1x16xf32> to vector<16xf32>
        %swap3A_783 = vector.shape_cast %mul3A_772 : vector<16xf32> to vector<1x1x16xf32>
        tpu.vector_store %arg6[%swap3A_778, %swap3A_779, %swap3A_780], %swap3A_783 {strides = array<i32>} : memref<8x128x64xf32, #tpu.memory_space<vmem>>, vector<1x1x16xf32>,
        %mul3A_784 = arith.constant 2 : i32
        %mul3A_785 = arith.muli %scan3A_617, %mul3A_784 : i32
        %add3A_786 = arith.constant 1 : i32
        %add3A_787 = arith.addi %mul3A_785, %add3A_786 : i32
        %get3A_788 = arith.constant 6 : i32
        %get3A_789 = arith.index_cast %get3A_788 : i32 to index
        %get3A_790 = arith.index_cast %add3A_787 : i32 to index
        %get3A_791 = arith.constant 48 : index
        %get3A_792 = tpu.vector_load %arg6[%get3A_789, %get3A_790, %get3A_791] {strides = array<i32>} : memref<8x128x64xf32, #tpu.memory_space<vmem>>, vector<1x1x16xf32>,
        %get3A_793 = vector.shape_cast %get3A_792 : vector<1x1x16xf32> to vector<16xf32>
        %mul3A_794 = arith.constant 8.000000e+00 : f32
        %mul3A_795 = vector.broadcast %mul3A_794 : f32 to vector<16xf32>
        %mul3A_796 = arith.mulf %get3A_793, %mul3A_795 : vector<16xf32>
        %mul3A_797 = arith.constant 2 : i32
        %mul3A_798 = arith.muli %scan3A_617, %mul3A_797 : i32
        %add3A_799 = arith.constant 1 : i32
        %add3A_800 = arith.addi %mul3A_798, %add3A_799 : i32
        %swap3A_801 = arith.constant 6 : i32
        %swap3A_802 = arith.index_cast %swap3A_801 : i32 to index
        %swap3A_803 = arith.index_cast %add3A_800 : i32 to index
        %swap3A_804 = arith.constant 48 : index
        %swap3A_805 = tpu.vector_load %arg6[%swap3A_802, %swap3A_803, %swap3A_804] {strides = array<i32>} : memref<8x128x64xf32, #tpu.memory_space<vmem>>, vector<1x1x16xf32>,
        %swap3A_806 = vector.shape_cast %swap3A_805 : vector<1x1x16xf32> to vector<16xf32>
        %swap3A_807 = vector.shape_cast %mul3A_796 : vector<16xf32> to vector<1x1x16xf32>
        tpu.vector_store %arg6[%swap3A_802, %swap3A_803, %swap3A_804], %swap3A_807 {strides = array<i32>} : memref<8x128x64xf32, #tpu.memory_space<vmem>>, vector<1x1x16xf32>,
      }
      %scan3A_525 = arith.constant 64 : i32
      %mul3A_526 = arith.constant 128 : i32
      %mul3A_527 = arith.muli %add3A_500, %mul3A_526 : i32
      %add3A_528 = arith.addi %mul3A_2, %mul3A_527 : i32
      %dma_start3A_529 = arith.constant 6 : i32
      %dma_start3A_530 = arith.constant 6 : i32
      %dma_start3A_531 = arith.constant 0 : i32
      %dma_start3A_532 = arith.constant 0 : i32
      %dma_start3A_533 = tpu.memref_slice %arg6[%dma_start3A_529, %dma_start3A_531, %dma_start3A_532] : memref<8x128x64xf32, #tpu.memory_space<vmem>> -> memref<1x128x64xf32, #tpu.memory_space<vmem>>
      %dma_start3A_534 = tpu.memref_squeeze %dma_start3A_533 : memref<1x128x64xf32, #tpu.memory_space<vmem>> -> memref<128x64xf32, #tpu.memory_space<vmem>>
      %dma_start3A_535 = arith.constant 0 : i32
      %dma_start3A_536 = tpu.memref_slice %arg4[%add3A_528, %dma_start3A_535] : memref<819200x64xf32, #tpu.memory_space<hbm>> -> memref<128x64xf32, #tpu.memory_space<hbm>>
      %dma_start3A_537 = tpu.memref_slice %arg8[%dma_start3A_530] : memref<8x!tpu.dma_semaphore, #tpu.memory_space<semaphore_mem>> -> memref<1x!tpu.dma_semaphore, #tpu.memory_space<semaphore_mem>>
      %dma_start3A_538 = tpu.memref_squeeze %dma_start3A_537 : memref<1x!tpu.dma_semaphore, #tpu.memory_space<semaphore_mem>> -> memref<!tpu.dma_semaphore, #tpu.memory_space<semaphore_mem>>
      %dma_start3A_539 = arith.constant 0 : i32
      %dma_start3A_540 = tpu.memref_slice %arg4[%add3A_528, %dma_start3A_539] : memref<819200x64xf32, #tpu.memory_space<hbm>> -> memref<128x64xf32, #tpu.memory_space<hbm>>
      %dma_start3A_541 = arith.constant 0 : i32
      %dma_start3A_542 = arith.constant 0 : i32
      %dma_start3A_543 = tpu.memref_slice %arg6[%dma_start3A_529, %dma_start3A_541, %dma_start3A_542] : memref<8x128x64xf32, #tpu.memory_space<vmem>> -> memref<1x128x64xf32, #tpu.memory_space<vmem>>
      %dma_start3A_544 = tpu.memref_squeeze %dma_start3A_543 : memref<1x128x64xf32, #tpu.memory_space<vmem>> -> memref<128x64xf32, #tpu.memory_space<vmem>>
      tpu.enqueue_dma source(%dma_start3A_544 : memref<128x64xf32, #tpu.memory_space<vmem>>) target(%dma_start3A_540 : memref<128x64xf32, #tpu.memory_space<hbm>>) target_semaphore(%dma_start3A_538 : memref<!tpu.dma_semaphore, #tpu.memory_space<semaphore_mem>>)
      %ge3A_545 = arith.constant 4 : i32
      %ge3A_546 = arith.cmpi sge, %add3A_500, %ge3A_545 : i32
      %convert_element_type3A_547 = arith.extui %ge3A_546 : i1 to i32
      %cond3A_548 = arith.constant 0 : i32
      %cond3A_549 = arith.cmpi ne, %convert_element_type3A_547, %cond3A_548 : i32
      scf.if %cond3A_549 {
        %add3A_617 = arith.constant 0 : i32
        %add3A_618 = arith.addi %mul3A_2, %add3A_617 : i32
        %dma_wait3A_619 = arith.constant 2 : i32
        %dma_wait3A_620 = arith.constant 2 : i32
        %dma_wait3A_621 = arith.constant 0 : i32
        %dma_wait3A_622 = arith.constant 0 : i32
        %dma_wait3A_623 = tpu.memref_slice %arg6[%dma_wait3A_619, %dma_wait3A_621, %dma_wait3A_622] : memref<8x128x64xf32, #tpu.memory_space<vmem>> -> memref<1x128x64xf32, #tpu.memory_space<vmem>>
        %dma_wait3A_624 = tpu.memref_squeeze %dma_wait3A_623 : memref<1x128x64xf32, #tpu.memory_space<vmem>> -> memref<128x64xf32, #tpu.memory_space<vmem>>
        %dma_wait3A_625 = arith.constant 0 : i32
        %dma_wait3A_626 = tpu.memref_slice %arg4[%add3A_618, %dma_wait3A_625] : memref<819200x64xf32, #tpu.memory_space<hbm>> -> memref<128x64xf32, #tpu.memory_space<hbm>>
        %dma_wait3A_627 = tpu.memref_slice %arg8[%dma_wait3A_620] : memref<8x!tpu.dma_semaphore, #tpu.memory_space<semaphore_mem>> -> memref<1x!tpu.dma_semaphore, #tpu.memory_space<semaphore_mem>>
        %dma_wait3A_628 = tpu.memref_squeeze %dma_wait3A_627 : memref<1x!tpu.dma_semaphore, #tpu.memory_space<semaphore_mem>> -> memref<!tpu.dma_semaphore, #tpu.memory_space<semaphore_mem>>
        %dma_wait3A_629 = arith.constant 0 : i32
        %dma_wait3A_630 = tpu.memref_slice %arg4[%add3A_618, %dma_wait3A_629] : memref<819200x64xf32, #tpu.memory_space<hbm>> -> memref<128x64xf32, #tpu.memory_space<hbm>>
        %dma_wait3A_631 = arith.constant 0 : i32
        %dma_wait3A_632 = arith.constant 0 : i32
        %dma_wait3A_633 = tpu.memref_slice %arg6[%dma_wait3A_619, %dma_wait3A_631, %dma_wait3A_632] : memref<8x128x64xf32, #tpu.memory_space<vmem>> -> memref<1x128x64xf32, #tpu.memory_space<vmem>>
        %dma_wait3A_634 = tpu.memref_squeeze %dma_wait3A_633 : memref<1x128x64xf32, #tpu.memory_space<vmem>> -> memref<128x64xf32, #tpu.memory_space<vmem>>
        tpu.wait_dma2 semaphore(%dma_wait3A_628 : memref<!tpu.dma_semaphore, #tpu.memory_space<semaphore_mem>>) src(%dma_wait3A_634 : memref<128x64xf32, #tpu.memory_space<vmem>>) dst(%dma_wait3A_630 : memref<128x64xf32, #tpu.memory_space<hbm>>)
      } else {
      }
      %add3A_550 = arith.constant 4 : i32
      %add3A_551 = arith.addi %add3A_500, %add3A_550 : i32
      %lt3A_552 = arith.constant 200 : i32
      %lt3A_553 = arith.cmpi slt, %add3A_551, %lt3A_552 : i32
      %convert_element_type3A_554 = arith.extui %lt3A_553 : i1 to i32
      %cond3A_555 = arith.constant 0 : i32
      %cond3A_556 = arith.cmpi ne, %convert_element_type3A_554, %cond3A_555 : i32
      scf.if %cond3A_556 {
        %add3A_617 = arith.constant 4 : i32
        %add3A_618 = arith.addi %add3A_500, %add3A_617 : i32
        %dma_start3A_619 = arith.constant 2 : i32
        %dma_start3A_620 = arith.constant 2 : i32
        %dma_start3A_621 = arith.constant 0 : i32
        %dma_start3A_622 = arith.constant 0 : i32
        %dma_start3A_623 = tpu.memref_slice %arg6[%dma_start3A_619, %dma_start3A_621, %dma_start3A_622] : memref<8x128x64xf32, #tpu.memory_space<vmem>> -> memref<1x128x64xf32, #tpu.memory_space<vmem>>
        %dma_start3A_624 = tpu.memref_squeeze %dma_start3A_623 : memref<1x128x64xf32, #tpu.memory_space<vmem>> -> memref<128x64xf32, #tpu.memory_space<vmem>>
        %dma_start3A_625 = arith.constant 0 : i32
        %dma_start3A_626 = tpu.memref_slice %arg5[%add3A_618, %dma_start3A_625] : memref<200x128xi32, #tpu.memory_space<vmem>> -> memref<1x128xi32, #tpu.memory_space<vmem>>
        %dma_start3A_627 = tpu.memref_squeeze %dma_start3A_626 : memref<1x128xi32, #tpu.memory_space<vmem>> -> memref<128xi32, #tpu.memory_space<vmem>>
        %dma_start3A_628 = arith.constant 0 : i32
        %dma_start3A_629 = arith.constant 0 : i32
        %dma_start3A_630 = tpu.memref_slice %arg3[%dma_start3A_628, %dma_start3A_629] : memref<1000000x64xf32, #tpu.memory_space<hbm>> -> memref<1000000x64xf32, #tpu.memory_space<hbm>>
        %dma_start3A_631 = tpu.memref_slice %arg7[%dma_start3A_620] : memref<8x!tpu.dma_semaphore, #tpu.memory_space<semaphore_mem>> -> memref<1x!tpu.dma_semaphore, #tpu.memory_space<semaphore_mem>>
        %dma_start3A_632 = tpu.memref_squeeze %dma_start3A_631 : memref<1x!tpu.dma_semaphore, #tpu.memory_space<semaphore_mem>> -> memref<!tpu.dma_semaphore, #tpu.memory_space<semaphore_mem>>
        tpu.enqueue_indirect_dma source(%dma_start3A_630 : memref<1000000x64xf32, #tpu.memory_space<hbm>>) target(%dma_start3A_624 : memref<128x64xf32, #tpu.memory_space<vmem>>) offsets(%dma_start3A_627 : memref<128xi32, #tpu.memory_space<vmem>>) semaphore(%dma_start3A_632 : memref<!tpu.dma_semaphore, #tpu.memory_space<semaphore_mem>>)
      } else {
      }
      %mul3A_557 = arith.constant 8 : i32
      %mul3A_558 = arith.muli %scan3A_140, %mul3A_557 : i32
      %add3A_559 = arith.constant 7 : i32
      %add3A_560 = arith.addi %mul3A_558, %add3A_559 : i32
      %mul3A_561 = arith.constant 128 : i32
      %mul3A_562 = arith.muli %add3A_560, %mul3A_561 : i32
      %add3A_563 = arith.addi %mul3A_2, %mul3A_562 : i32
      %dma_wait3A_564 = arith.constant 7 : i32
      %dma_wait3A_565 = arith.constant 7 : i32
      %dma_wait3A_566 = arith.constant 0 : i32
      %dma_wait3A_567 = arith.constant 0 : i32
      %dma_wait3A_568 = tpu.memref_slice %arg6[%dma_wait3A_564, %dma_wait3A_566, %dma_wait3A_567] : memref<8x128x64xf32, #tpu.memory_space<vmem>> -> memref<1x128x64xf32, #tpu.memory_space<vmem>>
      %dma_wait3A_569 = tpu.memref_squeeze %dma_wait3A_568 : memref<1x128x64xf32, #tpu.memory_space<vmem>> -> memref<128x64xf32, #tpu.memory_space<vmem>>
      %dma_wait3A_570 = arith.constant 0 : i32
      %dma_wait3A_571 = tpu.memref_slice %arg4[%add3A_563, %dma_wait3A_570] : memref<819200x64xf32, #tpu.memory_space<hbm>> -> memref<128x64xf32, #tpu.memory_space<hbm>>
      %dma_wait3A_572 = tpu.memref_slice %arg7[%dma_wait3A_565] : memref<8x!tpu.dma_semaphore, #tpu.memory_space<semaphore_mem>> -> memref<1x!tpu.dma_semaphore, #tpu.memory_space<semaphore_mem>>
      %dma_wait3A_573 = tpu.memref_squeeze %dma_wait3A_572 : memref<1x!tpu.dma_semaphore, #tpu.memory_space<semaphore_mem>> -> memref<!tpu.dma_semaphore, #tpu.memory_space<semaphore_mem>>
      %dma_wait3A_574 = arith.constant 0 : i32
      %dma_wait3A_575 = tpu.memref_slice %arg4[%add3A_563, %dma_wait3A_574] : memref<819200x64xf32, #tpu.memory_space<hbm>> -> memref<128x64xf32, #tpu.memory_space<hbm>>
      %dma_wait3A_576 = arith.constant 0 : i32
      %dma_wait3A_577 = arith.constant 0 : i32
      %dma_wait3A_578 = tpu.memref_slice %arg6[%dma_wait3A_564, %dma_wait3A_576, %dma_wait3A_577] : memref<8x128x64xf32, #tpu.memory_space<vmem>> -> memref<1x128x64xf32, #tpu.memory_space<vmem>>
      %dma_wait3A_579 = tpu.memref_squeeze %dma_wait3A_578 : memref<1x128x64xf32, #tpu.memory_space<vmem>> -> memref<128x64xf32, #tpu.memory_space<vmem>>
      tpu.wait_dma2 semaphore(%dma_wait3A_573 : memref<!tpu.dma_semaphore, #tpu.memory_space<semaphore_mem>>) src(%dma_wait3A_579 : memref<128x64xf32, #tpu.memory_space<vmem>>) dst(%dma_wait3A_575 : memref<128x64xf32, #tpu.memory_space<hbm>>)
      %scan3A_580 = arith.constant 0 : i32
      %scan3A_581 = arith.constant 0 : i32
      %scan3A_582 = arith.constant 64 : i32
      %scan3A_583 = arith.addi %scan3A_581, %scan3A_582 : i32
      %scan3A_584 = arith.constant 1 : i32
      scf.for %scan3A_617 = %scan3A_581 to %scan3A_583 step %scan3A_584  : i32 {
        %mul3A_618 = arith.constant 2 : i32
        %mul3A_619 = arith.muli %scan3A_617, %mul3A_618 : i32
        %add3A_620 = arith.constant 0 : i32
        %add3A_621 = arith.addi %mul3A_619, %add3A_620 : i32
        %get3A = arith.constant 7 : i32
        %get3A_622 = arith.index_cast %get3A : i32 to index
        %get3A_623 = arith.index_cast %add3A_621 : i32 to index
        %get3A_624 = arith.constant 0 : index
        %get3A_625 = tpu.vector_load %arg6[%get3A_622, %get3A_623, %get3A_624] {strides = array<i32>} : memref<8x128x64xf32, #tpu.memory_space<vmem>>, vector<1x1x16xf32>,
        %get3A_626 = vector.shape_cast %get3A_625 : vector<1x1x16xf32> to vector<16xf32>
        %mul3A_627 = arith.constant 8.000000e+00 : f32
        %mul3A_628 = vector.broadcast %mul3A_627 : f32 to vector<16xf32>
        %mul3A_629 = arith.mulf %get3A_626, %mul3A_628 : vector<16xf32>
        %mul3A_630 = arith.constant 2 : i32
        %mul3A_631 = arith.muli %scan3A_617, %mul3A_630 : i32
        %add3A_632 = arith.constant 0 : i32
        %add3A_633 = arith.addi %mul3A_631, %add3A_632 : i32
        %swap3A = arith.constant 7 : i32
        %swap3A_634 = arith.index_cast %swap3A : i32 to index
        %swap3A_635 = arith.index_cast %add3A_633 : i32 to index
        %swap3A_636 = arith.constant 0 : index
        %swap3A_637 = tpu.vector_load %arg6[%swap3A_634, %swap3A_635, %swap3A_636] {strides = array<i32>} : memref<8x128x64xf32, #tpu.memory_space<vmem>>, vector<1x1x16xf32>,
        %swap3A_638 = vector.shape_cast %swap3A_637 : vector<1x1x16xf32> to vector<16xf32>
        %swap3A_639 = vector.shape_cast %mul3A_629 : vector<16xf32> to vector<1x1x16xf32>
        tpu.vector_store %arg6[%swap3A_634, %swap3A_635, %swap3A_636], %swap3A_639 {strides = array<i32>} : memref<8x128x64xf32, #tpu.memory_space<vmem>>, vector<1x1x16xf32>,
        %mul3A_640 = arith.constant 2 : i32
        %mul3A_641 = arith.muli %scan3A_617, %mul3A_640 : i32
        %add3A_642 = arith.constant 0 : i32
        %add3A_643 = arith.addi %mul3A_641, %add3A_642 : i32
        %get3A_644 = arith.constant 7 : i32
        %get3A_645 = arith.index_cast %get3A_644 : i32 to index
        %get3A_646 = arith.index_cast %add3A_643 : i32 to index
        %get3A_647 = arith.constant 16 : index
        %get3A_648 = tpu.vector_load %arg6[%get3A_645, %get3A_646, %get3A_647] {strides = array<i32>} : memref<8x128x64xf32, #tpu.memory_space<vmem>>, vector<1x1x16xf32>,
        %get3A_649 = vector.shape_cast %get3A_648 : vector<1x1x16xf32> to vector<16xf32>
        %mul3A_650 = arith.constant 8.000000e+00 : f32
        %mul3A_651 = vector.broadcast %mul3A_650 : f32 to vector<16xf32>
        %mul3A_652 = arith.mulf %get3A_649, %mul3A_651 : vector<16xf32>
        %mul3A_653 = arith.constant 2 : i32
        %mul3A_654 = arith.muli %scan3A_617, %mul3A_653 : i32
        %add3A_655 = arith.constant 0 : i32
        %add3A_656 = arith.addi %mul3A_654, %add3A_655 : i32
        %swap3A_657 = arith.constant 7 : i32
        %swap3A_658 = arith.index_cast %swap3A_657 : i32 to index
        %swap3A_659 = arith.index_cast %add3A_656 : i32 to index
        %swap3A_660 = arith.constant 16 : index
        %swap3A_661 = tpu.vector_load %arg6[%swap3A_658, %swap3A_659, %swap3A_660] {strides = array<i32>} : memref<8x128x64xf32, #tpu.memory_space<vmem>>, vector<1x1x16xf32>,
        %swap3A_662 = vector.shape_cast %swap3A_661 : vector<1x1x16xf32> to vector<16xf32>
        %swap3A_663 = vector.shape_cast %mul3A_652 : vector<16xf32> to vector<1x1x16xf32>
        tpu.vector_store %arg6[%swap3A_658, %swap3A_659, %swap3A_660], %swap3A_663 {strides = array<i32>} : memref<8x128x64xf32, #tpu.memory_space<vmem>>, vector<1x1x16xf32>,
        %mul3A_664 = arith.constant 2 : i32
        %mul3A_665 = arith.muli %scan3A_617, %mul3A_664 : i32
        %add3A_666 = arith.constant 0 : i32
        %add3A_667 = arith.addi %mul3A_665, %add3A_666 : i32
        %get3A_668 = arith.constant 7 : i32
        %get3A_669 = arith.index_cast %get3A_668 : i32 to index
        %get3A_670 = arith.index_cast %add3A_667 : i32 to index
        %get3A_671 = arith.constant 32 : index
        %get3A_672 = tpu.vector_load %arg6[%get3A_669, %get3A_670, %get3A_671] {strides = array<i32>} : memref<8x128x64xf32, #tpu.memory_space<vmem>>, vector<1x1x16xf32>,
        %get3A_673 = vector.shape_cast %get3A_672 : vector<1x1x16xf32> to vector<16xf32>
        %mul3A_674 = arith.constant 8.000000e+00 : f32
        %mul3A_675 = vector.broadcast %mul3A_674 : f32 to vector<16xf32>
        %mul3A_676 = arith.mulf %get3A_673, %mul3A_675 : vector<16xf32>
        %mul3A_677 = arith.constant 2 : i32
        %mul3A_678 = arith.muli %scan3A_617, %mul3A_677 : i32
        %add3A_679 = arith.constant 0 : i32
        %add3A_680 = arith.addi %mul3A_678, %add3A_679 : i32
        %swap3A_681 = arith.constant 7 : i32
        %swap3A_682 = arith.index_cast %swap3A_681 : i32 to index
        %swap3A_683 = arith.index_cast %add3A_680 : i32 to index
        %swap3A_684 = arith.constant 32 : index
        %swap3A_685 = tpu.vector_load %arg6[%swap3A_682, %swap3A_683, %swap3A_684] {strides = array<i32>} : memref<8x128x64xf32, #tpu.memory_space<vmem>>, vector<1x1x16xf32>,
        %swap3A_686 = vector.shape_cast %swap3A_685 : vector<1x1x16xf32> to vector<16xf32>
        %swap3A_687 = vector.shape_cast %mul3A_676 : vector<16xf32> to vector<1x1x16xf32>
        tpu.vector_store %arg6[%swap3A_682, %swap3A_683, %swap3A_684], %swap3A_687 {strides = array<i32>} : memref<8x128x64xf32, #tpu.memory_space<vmem>>, vector<1x1x16xf32>,
        %mul3A_688 = arith.constant 2 : i32
        %mul3A_689 = arith.muli %scan3A_617, %mul3A_688 : i32
        %add3A_690 = arith.constant 0 : i32
        %add3A_691 = arith.addi %mul3A_689, %add3A_690 : i32
        %get3A_692 = arith.constant 7 : i32
        %get3A_693 = arith.index_cast %get3A_692 : i32 to index
        %get3A_694 = arith.index_cast %add3A_691 : i32 to index
        %get3A_695 = arith.constant 48 : index
        %get3A_696 = tpu.vector_load %arg6[%get3A_693, %get3A_694, %get3A_695] {strides = array<i32>} : memref<8x128x64xf32, #tpu.memory_space<vmem>>, vector<1x1x16xf32>,
        %get3A_697 = vector.shape_cast %get3A_696 : vector<1x1x16xf32> to vector<16xf32>
        %mul3A_698 = arith.constant 8.000000e+00 : f32
        %mul3A_699 = vector.broadcast %mul3A_698 : f32 to vector<16xf32>
        %mul3A_700 = arith.mulf %get3A_697, %mul3A_699 : vector<16xf32>
        %mul3A_701 = arith.constant 2 : i32
        %mul3A_702 = arith.muli %scan3A_617, %mul3A_701 : i32
        %add3A_703 = arith.constant 0 : i32
        %add3A_704 = arith.addi %mul3A_702, %add3A_703 : i32
        %swap3A_705 = arith.constant 7 : i32
        %swap3A_706 = arith.index_cast %swap3A_705 : i32 to index
        %swap3A_707 = arith.index_cast %add3A_704 : i32 to index
        %swap3A_708 = arith.constant 48 : index
        %swap3A_709 = tpu.vector_load %arg6[%swap3A_706, %swap3A_707, %swap3A_708] {strides = array<i32>} : memref<8x128x64xf32, #tpu.memory_space<vmem>>, vector<1x1x16xf32>,
        %swap3A_710 = vector.shape_cast %swap3A_709 : vector<1x1x16xf32> to vector<16xf32>
        %swap3A_711 = vector.shape_cast %mul3A_700 : vector<16xf32> to vector<1x1x16xf32>
        tpu.vector_store %arg6[%swap3A_706, %swap3A_707, %swap3A_708], %swap3A_711 {strides = array<i32>} : memref<8x128x64xf32, #tpu.memory_space<vmem>>, vector<1x1x16xf32>,
        %mul3A_712 = arith.constant 2 : i32
        %mul3A_713 = arith.muli %scan3A_617, %mul3A_712 : i32
        %add3A_714 = arith.constant 1 : i32
        %add3A_715 = arith.addi %mul3A_713, %add3A_714 : i32
        %get3A_716 = arith.constant 7 : i32
        %get3A_717 = arith.index_cast %get3A_716 : i32 to index
        %get3A_718 = arith.index_cast %add3A_715 : i32 to index
        %get3A_719 = arith.constant 0 : index
        %get3A_720 = tpu.vector_load %arg6[%get3A_717, %get3A_718, %get3A_719] {strides = array<i32>} : memref<8x128x64xf32, #tpu.memory_space<vmem>>, vector<1x1x16xf32>,
        %get3A_721 = vector.shape_cast %get3A_720 : vector<1x1x16xf32> to vector<16xf32>
        %mul3A_722 = arith.constant 8.000000e+00 : f32
        %mul3A_723 = vector.broadcast %mul3A_722 : f32 to vector<16xf32>
        %mul3A_724 = arith.mulf %get3A_721, %mul3A_723 : vector<16xf32>
        %mul3A_725 = arith.constant 2 : i32
        %mul3A_726 = arith.muli %scan3A_617, %mul3A_725 : i32
        %add3A_727 = arith.constant 1 : i32
        %add3A_728 = arith.addi %mul3A_726, %add3A_727 : i32
        %swap3A_729 = arith.constant 7 : i32
        %swap3A_730 = arith.index_cast %swap3A_729 : i32 to index
        %swap3A_731 = arith.index_cast %add3A_728 : i32 to index
        %swap3A_732 = arith.constant 0 : index
        %swap3A_733 = tpu.vector_load %arg6[%swap3A_730, %swap3A_731, %swap3A_732] {strides = array<i32>} : memref<8x128x64xf32, #tpu.memory_space<vmem>>, vector<1x1x16xf32>,
        %swap3A_734 = vector.shape_cast %swap3A_733 : vector<1x1x16xf32> to vector<16xf32>
        %swap3A_735 = vector.shape_cast %mul3A_724 : vector<16xf32> to vector<1x1x16xf32>
        tpu.vector_store %arg6[%swap3A_730, %swap3A_731, %swap3A_732], %swap3A_735 {strides = array<i32>} : memref<8x128x64xf32, #tpu.memory_space<vmem>>, vector<1x1x16xf32>,
        %mul3A_736 = arith.constant 2 : i32
        %mul3A_737 = arith.muli %scan3A_617, %mul3A_736 : i32
        %add3A_738 = arith.constant 1 : i32
        %add3A_739 = arith.addi %mul3A_737, %add3A_738 : i32
        %get3A_740 = arith.constant 7 : i32
        %get3A_741 = arith.index_cast %get3A_740 : i32 to index
        %get3A_742 = arith.index_cast %add3A_739 : i32 to index
        %get3A_743 = arith.constant 16 : index
        %get3A_744 = tpu.vector_load %arg6[%get3A_741, %get3A_742, %get3A_743] {strides = array<i32>} : memref<8x128x64xf32, #tpu.memory_space<vmem>>, vector<1x1x16xf32>,
        %get3A_745 = vector.shape_cast %get3A_744 : vector<1x1x16xf32> to vector<16xf32>
        %mul3A_746 = arith.constant 8.000000e+00 : f32
        %mul3A_747 = vector.broadcast %mul3A_746 : f32 to vector<16xf32>
        %mul3A_748 = arith.mulf %get3A_745, %mul3A_747 : vector<16xf32>
        %mul3A_749 = arith.constant 2 : i32
        %mul3A_750 = arith.muli %scan3A_617, %mul3A_749 : i32
        %add3A_751 = arith.constant 1 : i32
        %add3A_752 = arith.addi %mul3A_750, %add3A_751 : i32
        %swap3A_753 = arith.constant 7 : i32
        %swap3A_754 = arith.index_cast %swap3A_753 : i32 to index
        %swap3A_755 = arith.index_cast %add3A_752 : i32 to index
        %swap3A_756 = arith.constant 16 : index
        %swap3A_757 = tpu.vector_load %arg6[%swap3A_754, %swap3A_755, %swap3A_756] {strides = array<i32>} : memref<8x128x64xf32, #tpu.memory_space<vmem>>, vector<1x1x16xf32>,
        %swap3A_758 = vector.shape_cast %swap3A_757 : vector<1x1x16xf32> to vector<16xf32>
        %swap3A_759 = vector.shape_cast %mul3A_748 : vector<16xf32> to vector<1x1x16xf32>
        tpu.vector_store %arg6[%swap3A_754, %swap3A_755, %swap3A_756], %swap3A_759 {strides = array<i32>} : memref<8x128x64xf32, #tpu.memory_space<vmem>>, vector<1x1x16xf32>,
        %mul3A_760 = arith.constant 2 : i32
        %mul3A_761 = arith.muli %scan3A_617, %mul3A_760 : i32
        %add3A_762 = arith.constant 1 : i32
        %add3A_763 = arith.addi %mul3A_761, %add3A_762 : i32
        %get3A_764 = arith.constant 7 : i32
        %get3A_765 = arith.index_cast %get3A_764 : i32 to index
        %get3A_766 = arith.index_cast %add3A_763 : i32 to index
        %get3A_767 = arith.constant 32 : index
        %get3A_768 = tpu.vector_load %arg6[%get3A_765, %get3A_766, %get3A_767] {strides = array<i32>} : memref<8x128x64xf32, #tpu.memory_space<vmem>>, vector<1x1x16xf32>,
        %get3A_769 = vector.shape_cast %get3A_768 : vector<1x1x16xf32> to vector<16xf32>
        %mul3A_770 = arith.constant 8.000000e+00 : f32
        %mul3A_771 = vector.broadcast %mul3A_770 : f32 to vector<16xf32>
        %mul3A_772 = arith.mulf %get3A_769, %mul3A_771 : vector<16xf32>
        %mul3A_773 = arith.constant 2 : i32
        %mul3A_774 = arith.muli %scan3A_617, %mul3A_773 : i32
        %add3A_775 = arith.constant 1 : i32
        %add3A_776 = arith.addi %mul3A_774, %add3A_775 : i32
        %swap3A_777 = arith.constant 7 : i32
        %swap3A_778 = arith.index_cast %swap3A_777 : i32 to index
        %swap3A_779 = arith.index_cast %add3A_776 : i32 to index
        %swap3A_780 = arith.constant 32 : index
        %swap3A_781 = tpu.vector_load %arg6[%swap3A_778, %swap3A_779, %swap3A_780] {strides = array<i32>} : memref<8x128x64xf32, #tpu.memory_space<vmem>>, vector<1x1x16xf32>,
        %swap3A_782 = vector.shape_cast %swap3A_781 : vector<1x1x16xf32> to vector<16xf32>
        %swap3A_783 = vector.shape_cast %mul3A_772 : vector<16xf32> to vector<1x1x16xf32>
        tpu.vector_store %arg6[%swap3A_778, %swap3A_779, %swap3A_780], %swap3A_783 {strides = array<i32>} : memref<8x128x64xf32, #tpu.memory_space<vmem>>, vector<1x1x16xf32>,
        %mul3A_784 = arith.constant 2 : i32
        %mul3A_785 = arith.muli %scan3A_617, %mul3A_784 : i32
        %add3A_786 = arith.constant 1 : i32
        %add3A_787 = arith.addi %mul3A_785, %add3A_786 : i32
        %get3A_788 = arith.constant 7 : i32
        %get3A_789 = arith.index_cast %get3A_788 : i32 to index
        %get3A_790 = arith.index_cast %add3A_787 : i32 to index
        %get3A_791 = arith.constant 48 : index
        %get3A_792 = tpu.vector_load %arg6[%get3A_789, %get3A_790, %get3A_791] {strides = array<i32>} : memref<8x128x64xf32, #tpu.memory_space<vmem>>, vector<1x1x16xf32>,
        %get3A_793 = vector.shape_cast %get3A_792 : vector<1x1x16xf32> to vector<16xf32>
        %mul3A_794 = arith.constant 8.000000e+00 : f32
        %mul3A_795 = vector.broadcast %mul3A_794 : f32 to vector<16xf32>
        %mul3A_796 = arith.mulf %get3A_793, %mul3A_795 : vector<16xf32>
        %mul3A_797 = arith.constant 2 : i32
        %mul3A_798 = arith.muli %scan3A_617, %mul3A_797 : i32
        %add3A_799 = arith.constant 1 : i32
        %add3A_800 = arith.addi %mul3A_798, %add3A_799 : i32
        %swap3A_801 = arith.constant 7 : i32
        %swap3A_802 = arith.index_cast %swap3A_801 : i32 to index
        %swap3A_803 = arith.index_cast %add3A_800 : i32 to index
        %swap3A_804 = arith.constant 48 : index
        %swap3A_805 = tpu.vector_load %arg6[%swap3A_802, %swap3A_803, %swap3A_804] {strides = array<i32>} : memref<8x128x64xf32, #tpu.memory_space<vmem>>, vector<1x1x16xf32>,
        %swap3A_806 = vector.shape_cast %swap3A_805 : vector<1x1x16xf32> to vector<16xf32>
        %swap3A_807 = vector.shape_cast %mul3A_796 : vector<16xf32> to vector<1x1x16xf32>
        tpu.vector_store %arg6[%swap3A_802, %swap3A_803, %swap3A_804], %swap3A_807 {strides = array<i32>} : memref<8x128x64xf32, #tpu.memory_space<vmem>>, vector<1x1x16xf32>,
      }
      %scan3A_585 = arith.constant 64 : i32
      %mul3A_586 = arith.constant 128 : i32
      %mul3A_587 = arith.muli %add3A_560, %mul3A_586 : i32
      %add3A_588 = arith.addi %mul3A_2, %mul3A_587 : i32
      %dma_start3A_589 = arith.constant 7 : i32
      %dma_start3A_590 = arith.constant 7 : i32
      %dma_start3A_591 = arith.constant 0 : i32
      %dma_start3A_592 = arith.constant 0 : i32
      %dma_start3A_593 = tpu.memref_slice %arg6[%dma_start3A_589, %dma_start3A_591, %dma_start3A_592] : memref<8x128x64xf32, #tpu.memory_space<vmem>> -> memref<1x128x64xf32, #tpu.memory_space<vmem>>
      %dma_start3A_594 = tpu.memref_squeeze %dma_start3A_593 : memref<1x128x64xf32, #tpu.memory_space<vmem>> -> memref<128x64xf32, #tpu.memory_space<vmem>>
      %dma_start3A_595 = arith.constant 0 : i32
      %dma_start3A_596 = tpu.memref_slice %arg4[%add3A_588, %dma_start3A_595] : memref<819200x64xf32, #tpu.memory_space<hbm>> -> memref<128x64xf32, #tpu.memory_space<hbm>>
      %dma_start3A_597 = tpu.memref_slice %arg8[%dma_start3A_590] : memref<8x!tpu.dma_semaphore, #tpu.memory_space<semaphore_mem>> -> memref<1x!tpu.dma_semaphore, #tpu.memory_space<semaphore_mem>>
      %dma_start3A_598 = tpu.memref_squeeze %dma_start3A_597 : memref<1x!tpu.dma_semaphore, #tpu.memory_space<semaphore_mem>> -> memref<!tpu.dma_semaphore, #tpu.memory_space<semaphore_mem>>
      %dma_start3A_599 = arith.constant 0 : i32
      %dma_start3A_600 = tpu.memref_slice %arg4[%add3A_588, %dma_start3A_599] : memref<819200x64xf32, #tpu.memory_space<hbm>> -> memref<128x64xf32, #tpu.memory_space<hbm>>
      %dma_start3A_601 = arith.constant 0 : i32
      %dma_start3A_602 = arith.constant 0 : i32
      %dma_start3A_603 = tpu.memref_slice %arg6[%dma_start3A_589, %dma_start3A_601, %dma_start3A_602] : memref<8x128x64xf32, #tpu.memory_space<vmem>> -> memref<1x128x64xf32, #tpu.memory_space<vmem>>
      %dma_start3A_604 = tpu.memref_squeeze %dma_start3A_603 : memref<1x128x64xf32, #tpu.memory_space<vmem>> -> memref<128x64xf32, #tpu.memory_space<vmem>>
      tpu.enqueue_dma source(%dma_start3A_604 : memref<128x64xf32, #tpu.memory_space<vmem>>) target(%dma_start3A_600 : memref<128x64xf32, #tpu.memory_space<hbm>>) target_semaphore(%dma_start3A_598 : memref<!tpu.dma_semaphore, #tpu.memory_space<semaphore_mem>>)
      %ge3A_605 = arith.constant 4 : i32
      %ge3A_606 = arith.cmpi sge, %add3A_560, %ge3A_605 : i32
      %convert_element_type3A_607 = arith.extui %ge3A_606 : i1 to i32
      %cond3A_608 = arith.constant 0 : i32
      %cond3A_609 = arith.cmpi ne, %convert_element_type3A_607, %cond3A_608 : i32
      scf.if %cond3A_609 {
        %add3A_617 = arith.constant 0 : i32
        %add3A_618 = arith.addi %mul3A_2, %add3A_617 : i32
        %dma_wait3A_619 = arith.constant 3 : i32
        %dma_wait3A_620 = arith.constant 3 : i32
        %dma_wait3A_621 = arith.constant 0 : i32
        %dma_wait3A_622 = arith.constant 0 : i32
        %dma_wait3A_623 = tpu.memref_slice %arg6[%dma_wait3A_619, %dma_wait3A_621, %dma_wait3A_622] : memref<8x128x64xf32, #tpu.memory_space<vmem>> -> memref<1x128x64xf32, #tpu.memory_space<vmem>>
        %dma_wait3A_624 = tpu.memref_squeeze %dma_wait3A_623 : memref<1x128x64xf32, #tpu.memory_space<vmem>> -> memref<128x64xf32, #tpu.memory_space<vmem>>
        %dma_wait3A_625 = arith.constant 0 : i32
        %dma_wait3A_626 = tpu.memref_slice %arg4[%add3A_618, %dma_wait3A_625] : memref<819200x64xf32, #tpu.memory_space<hbm>> -> memref<128x64xf32, #tpu.memory_space<hbm>>
        %dma_wait3A_627 = tpu.memref_slice %arg8[%dma_wait3A_620] : memref<8x!tpu.dma_semaphore, #tpu.memory_space<semaphore_mem>> -> memref<1x!tpu.dma_semaphore, #tpu.memory_space<semaphore_mem>>
        %dma_wait3A_628 = tpu.memref_squeeze %dma_wait3A_627 : memref<1x!tpu.dma_semaphore, #tpu.memory_space<semaphore_mem>> -> memref<!tpu.dma_semaphore, #tpu.memory_space<semaphore_mem>>
        %dma_wait3A_629 = arith.constant 0 : i32
        %dma_wait3A_630 = tpu.memref_slice %arg4[%add3A_618, %dma_wait3A_629] : memref<819200x64xf32, #tpu.memory_space<hbm>> -> memref<128x64xf32, #tpu.memory_space<hbm>>
        %dma_wait3A_631 = arith.constant 0 : i32
        %dma_wait3A_632 = arith.constant 0 : i32
        %dma_wait3A_633 = tpu.memref_slice %arg6[%dma_wait3A_619, %dma_wait3A_631, %dma_wait3A_632] : memref<8x128x64xf32, #tpu.memory_space<vmem>> -> memref<1x128x64xf32, #tpu.memory_space<vmem>>
        %dma_wait3A_634 = tpu.memref_squeeze %dma_wait3A_633 : memref<1x128x64xf32, #tpu.memory_space<vmem>> -> memref<128x64xf32, #tpu.memory_space<vmem>>
        tpu.wait_dma2 semaphore(%dma_wait3A_628 : memref<!tpu.dma_semaphore, #tpu.memory_space<semaphore_mem>>) src(%dma_wait3A_634 : memref<128x64xf32, #tpu.memory_space<vmem>>) dst(%dma_wait3A_630 : memref<128x64xf32, #tpu.memory_space<hbm>>)
      } else {
      }
      %add3A_610 = arith.constant 4 : i32
      %add3A_611 = arith.addi %add3A_560, %add3A_610 : i32
      %lt3A_612 = arith.constant 200 : i32
      %lt3A_613 = arith.cmpi slt, %add3A_611, %lt3A_612 : i32
      %convert_element_type3A_614 = arith.extui %lt3A_613 : i1 to i32
      %cond3A_615 = arith.constant 0 : i32
      %cond3A_616 = arith.cmpi ne, %convert_element_type3A_614, %cond3A_615 : i32
      scf.if %cond3A_616 {
        %add3A_617 = arith.constant 4 : i32
        %add3A_618 = arith.addi %add3A_560, %add3A_617 : i32
        %dma_start3A_619 = arith.constant 3 : i32
        %dma_start3A_620 = arith.constant 3 : i32
        %dma_start3A_621 = arith.constant 0 : i32
        %dma_start3A_622 = arith.constant 0 : i32
        %dma_start3A_623 = tpu.memref_slice %arg6[%dma_start3A_619, %dma_start3A_621, %dma_start3A_622] : memref<8x128x64xf32, #tpu.memory_space<vmem>> -> memref<1x128x64xf32, #tpu.memory_space<vmem>>
        %dma_start3A_624 = tpu.memref_squeeze %dma_start3A_623 : memref<1x128x64xf32, #tpu.memory_space<vmem>> -> memref<128x64xf32, #tpu.memory_space<vmem>>
        %dma_start3A_625 = arith.constant 0 : i32
        %dma_start3A_626 = tpu.memref_slice %arg5[%add3A_618, %dma_start3A_625] : memref<200x128xi32, #tpu.memory_space<vmem>> -> memref<1x128xi32, #tpu.memory_space<vmem>>
        %dma_start3A_627 = tpu.memref_squeeze %dma_start3A_626 : memref<1x128xi32, #tpu.memory_space<vmem>> -> memref<128xi32, #tpu.memory_space<vmem>>
        %dma_start3A_628 = arith.constant 0 : i32
        %dma_start3A_629 = arith.constant 0 : i32
        %dma_start3A_630 = tpu.memref_slice %arg3[%dma_start3A_628, %dma_start3A_629] : memref<1000000x64xf32, #tpu.memory_space<hbm>> -> memref<1000000x64xf32, #tpu.memory_space<hbm>>
        %dma_start3A_631 = tpu.memref_slice %arg7[%dma_start3A_620] : memref<8x!tpu.dma_semaphore, #tpu.memory_space<semaphore_mem>> -> memref<1x!tpu.dma_semaphore, #tpu.memory_space<semaphore_mem>>
        %dma_start3A_632 = tpu.memref_squeeze %dma_start3A_631 : memref<1x!tpu.dma_semaphore, #tpu.memory_space<semaphore_mem>> -> memref<!tpu.dma_semaphore, #tpu.memory_space<semaphore_mem>>
        tpu.enqueue_indirect_dma source(%dma_start3A_630 : memref<1000000x64xf32, #tpu.memory_space<hbm>>) target(%dma_start3A_624 : memref<128x64xf32, #tpu.memory_space<vmem>>) offsets(%dma_start3A_627 : memref<128xi32, #tpu.memory_space<vmem>>) semaphore(%dma_start3A_632 : memref<!tpu.dma_semaphore, #tpu.memory_space<semaphore_mem>>)
      } else {
      }
    }
    %scan3A_68 = arith.constant 25 : i32
    %add3A_69 = arith.constant 0 : i32
    %add3A_70 = arith.addi %mul3A_2, %add3A_69 : i32
    %dma_wait3A = arith.constant 4 : i32
    %dma_wait3A_71 = arith.constant 4 : i32
    %dma_wait3A_72 = arith.constant 0 : i32
    %dma_wait3A_73 = arith.constant 0 : i32
    %dma_wait3A_74 = tpu.memref_slice %arg6[%dma_wait3A, %dma_wait3A_72, %dma_wait3A_73] : memref<8x128x64xf32, #tpu.memory_space<vmem>> -> memref<1x128x64xf32, #tpu.memory_space<vmem>>
    %dma_wait3A_75 = tpu.memref_squeeze %dma_wait3A_74 : memref<1x128x64xf32, #tpu.memory_space<vmem>> -> memref<128x64xf32, #tpu.memory_space<vmem>>
    %dma_wait3A_76 = arith.constant 0 : i32
    %dma_wait3A_77 = tpu.memref_slice %arg4[%add3A_70, %dma_wait3A_76] : memref<819200x64xf32, #tpu.memory_space<hbm>> -> memref<128x64xf32, #tpu.memory_space<hbm>>
    %dma_wait3A_78 = tpu.memref_slice %arg8[%dma_wait3A_71] : memref<8x!tpu.dma_semaphore, #tpu.memory_space<semaphore_mem>> -> memref<1x!tpu.dma_semaphore, #tpu.memory_space<semaphore_mem>>
    %dma_wait3A_79 = tpu.memref_squeeze %dma_wait3A_78 : memref<1x!tpu.dma_semaphore, #tpu.memory_space<semaphore_mem>> -> memref<!tpu.dma_semaphore, #tpu.memory_space<semaphore_mem>>
    %dma_wait3A_80 = arith.constant 0 : i32
    %dma_wait3A_81 = tpu.memref_slice %arg4[%add3A_70, %dma_wait3A_80] : memref<819200x64xf32, #tpu.memory_space<hbm>> -> memref<128x64xf32, #tpu.memory_space<hbm>>
    %dma_wait3A_82 = arith.constant 0 : i32
    %dma_wait3A_83 = arith.constant 0 : i32
    %dma_wait3A_84 = tpu.memref_slice %arg6[%dma_wait3A, %dma_wait3A_82, %dma_wait3A_83] : memref<8x128x64xf32, #tpu.memory_space<vmem>> -> memref<1x128x64xf32, #tpu.memory_space<vmem>>
    %dma_wait3A_85 = tpu.memref_squeeze %dma_wait3A_84 : memref<1x128x64xf32, #tpu.memory_space<vmem>> -> memref<128x64xf32, #tpu.memory_space<vmem>>
    tpu.wait_dma2 semaphore(%dma_wait3A_79 : memref<!tpu.dma_semaphore, #tpu.memory_space<semaphore_mem>>) src(%dma_wait3A_85 : memref<128x64xf32, #tpu.memory_space<vmem>>) dst(%dma_wait3A_81 : memref<128x64xf32, #tpu.memory_space<hbm>>)
    %add3A_86 = arith.constant 0 : i32
    %add3A_87 = arith.addi %mul3A_2, %add3A_86 : i32
    %dma_wait3A_88 = arith.constant 5 : i32
    %dma_wait3A_89 = arith.constant 5 : i32
    %dma_wait3A_90 = arith.constant 0 : i32
    %dma_wait3A_91 = arith.constant 0 : i32
    %dma_wait3A_92 = tpu.memref_slice %arg6[%dma_wait3A_88, %dma_wait3A_90, %dma_wait3A_91] : memref<8x128x64xf32, #tpu.memory_space<vmem>> -> memref<1x128x64xf32, #tpu.memory_space<vmem>>
    %dma_wait3A_93 = tpu.memref_squeeze %dma_wait3A_92 : memref<1x128x64xf32, #tpu.memory_space<vmem>> -> memref<128x64xf32, #tpu.memory_space<vmem>>
    %dma_wait3A_94 = arith.constant 0 : i32
    %dma_wait3A_95 = tpu.memref_slice %arg4[%add3A_87, %dma_wait3A_94] : memref<819200x64xf32, #tpu.memory_space<hbm>> -> memref<128x64xf32, #tpu.memory_space<hbm>>
    %dma_wait3A_96 = tpu.memref_slice %arg8[%dma_wait3A_89] : memref<8x!tpu.dma_semaphore, #tpu.memory_space<semaphore_mem>> -> memref<1x!tpu.dma_semaphore, #tpu.memory_space<semaphore_mem>>
    %dma_wait3A_97 = tpu.memref_squeeze %dma_wait3A_96 : memref<1x!tpu.dma_semaphore, #tpu.memory_space<semaphore_mem>> -> memref<!tpu.dma_semaphore, #tpu.memory_space<semaphore_mem>>
    %dma_wait3A_98 = arith.constant 0 : i32
    %dma_wait3A_99 = tpu.memref_slice %arg4[%add3A_87, %dma_wait3A_98] : memref<819200x64xf32, #tpu.memory_space<hbm>> -> memref<128x64xf32, #tpu.memory_space<hbm>>
    %dma_wait3A_100 = arith.constant 0 : i32
    %dma_wait3A_101 = arith.constant 0 : i32
    %dma_wait3A_102 = tpu.memref_slice %arg6[%dma_wait3A_88, %dma_wait3A_100, %dma_wait3A_101] : memref<8x128x64xf32, #tpu.memory_space<vmem>> -> memref<1x128x64xf32, #tpu.memory_space<vmem>>
    %dma_wait3A_103 = tpu.memref_squeeze %dma_wait3A_102 : memref<1x128x64xf32, #tpu.memory_space<vmem>> -> memref<128x64xf32, #tpu.memory_space<vmem>>
    tpu.wait_dma2 semaphore(%dma_wait3A_97 : memref<!tpu.dma_semaphore, #tpu.memory_space<semaphore_mem>>) src(%dma_wait3A_103 : memref<128x64xf32, #tpu.memory_space<vmem>>) dst(%dma_wait3A_99 : memref<128x64xf32, #tpu.memory_space<hbm>>)
    %add3A_104 = arith.constant 0 : i32
    %add3A_105 = arith.addi %mul3A_2, %add3A_104 : i32
    %dma_wait3A_106 = arith.constant 6 : i32
    %dma_wait3A_107 = arith.constant 6 : i32
    %dma_wait3A_108 = arith.constant 0 : i32
    %dma_wait3A_109 = arith.constant 0 : i32
    %dma_wait3A_110 = tpu.memref_slice %arg6[%dma_wait3A_106, %dma_wait3A_108, %dma_wait3A_109] : memref<8x128x64xf32, #tpu.memory_space<vmem>> -> memref<1x128x64xf32, #tpu.memory_space<vmem>>
    %dma_wait3A_111 = tpu.memref_squeeze %dma_wait3A_110 : memref<1x128x64xf32, #tpu.memory_space<vmem>> -> memref<128x64xf32, #tpu.memory_space<vmem>>
    %dma_wait3A_112 = arith.constant 0 : i32
    %dma_wait3A_113 = tpu.memref_slice %arg4[%add3A_105, %dma_wait3A_112] : memref<819200x64xf32, #tpu.memory_space<hbm>> -> memref<128x64xf32, #tpu.memory_space<hbm>>
    %dma_wait3A_114 = tpu.memref_slice %arg8[%dma_wait3A_107] : memref<8x!tpu.dma_semaphore, #tpu.memory_space<semaphore_mem>> -> memref<1x!tpu.dma_semaphore, #tpu.memory_space<semaphore_mem>>
    %dma_wait3A_115 = tpu.memref_squeeze %dma_wait3A_114 : memref<1x!tpu.dma_semaphore, #tpu.memory_space<semaphore_mem>> -> memref<!tpu.dma_semaphore, #tpu.memory_space<semaphore_mem>>
    %dma_wait3A_116 = arith.constant 0 : i32
    %dma_wait3A_117 = tpu.memref_slice %arg4[%add3A_105, %dma_wait3A_116] : memref<819200x64xf32, #tpu.memory_space<hbm>> -> memref<128x64xf32, #tpu.memory_space<hbm>>
    %dma_wait3A_118 = arith.constant 0 : i32
    %dma_wait3A_119 = arith.constant 0 : i32
    %dma_wait3A_120 = tpu.memref_slice %arg6[%dma_wait3A_106, %dma_wait3A_118, %dma_wait3A_119] : memref<8x128x64xf32, #tpu.memory_space<vmem>> -> memref<1x128x64xf32, #tpu.memory_space<vmem>>
    %dma_wait3A_121 = tpu.memref_squeeze %dma_wait3A_120 : memref<1x128x64xf32, #tpu.memory_space<vmem>> -> memref<128x64xf32, #tpu.memory_space<vmem>>
    tpu.wait_dma2 semaphore(%dma_wait3A_115 : memref<!tpu.dma_semaphore, #tpu.memory_space<semaphore_mem>>) src(%dma_wait3A_121 : memref<128x64xf32, #tpu.memory_space<vmem>>) dst(%dma_wait3A_117 : memref<128x64xf32, #tpu.memory_space<hbm>>)
    %add3A_122 = arith.constant 0 : i32
    %add3A_123 = arith.addi %mul3A_2, %add3A_122 : i32
    %dma_wait3A_124 = arith.constant 7 : i32
    %dma_wait3A_125 = arith.constant 7 : i32
    %dma_wait3A_126 = arith.constant 0 : i32
    %dma_wait3A_127 = arith.constant 0 : i32
    %dma_wait3A_128 = tpu.memref_slice %arg6[%dma_wait3A_124, %dma_wait3A_126, %dma_wait3A_127] : memref<8x128x64xf32, #tpu.memory_space<vmem>> -> memref<1x128x64xf32, #tpu.memory_space<vmem>>
    %dma_wait3A_129 = tpu.memref_squeeze %dma_wait3A_128 : memref<1x128x64xf32, #tpu.memory_space<vmem>> -> memref<128x64xf32, #tpu.memory_space<vmem>>
    %dma_wait3A_130 = arith.constant 0 : i32
    %dma_wait3A_131 = tpu.memref_slice %arg4[%add3A_123, %dma_wait3A_130] : memref<819200x64xf32, #tpu.memory_space<hbm>> -> memref<128x64xf32, #tpu.memory_space<hbm>>
    %dma_wait3A_132 = tpu.memref_slice %arg8[%dma_wait3A_125] : memref<8x!tpu.dma_semaphore, #tpu.memory_space<semaphore_mem>> -> memref<1x!tpu.dma_semaphore, #tpu.memory_space<semaphore_mem>>
    %dma_wait3A_133 = tpu.memref_squeeze %dma_wait3A_132 : memref<1x!tpu.dma_semaphore, #tpu.memory_space<semaphore_mem>> -> memref<!tpu.dma_semaphore, #tpu.memory_space<semaphore_mem>>
    %dma_wait3A_134 = arith.constant 0 : i32
    %dma_wait3A_135 = tpu.memref_slice %arg4[%add3A_123, %dma_wait3A_134] : memref<819200x64xf32, #tpu.memory_space<hbm>> -> memref<128x64xf32, #tpu.memory_space<hbm>>
    %dma_wait3A_136 = arith.constant 0 : i32
    %dma_wait3A_137 = arith.constant 0 : i32
    %dma_wait3A_138 = tpu.memref_slice %arg6[%dma_wait3A_124, %dma_wait3A_136, %dma_wait3A_137] : memref<8x128x64xf32, #tpu.memory_space<vmem>> -> memref<1x128x64xf32, #tpu.memory_space<vmem>>
    %dma_wait3A_139 = tpu.memref_squeeze %dma_wait3A_138 : memref<1x128x64xf32, #tpu.memory_space<vmem>> -> memref<128x64xf32, #tpu.memory_space<vmem>>
    tpu.wait_dma2 semaphore(%dma_wait3A_133 : memref<!tpu.dma_semaphore, #tpu.memory_space<semaphore_mem>>) src(%dma_wait3A_139 : memref<128x64xf32, #tpu.memory_space<vmem>>) dst(%dma_wait3A_135 : memref<128x64xf32, #tpu.memory_space<hbm>>)
    return
  }
}

</mosaic_0001>

<sc_bundles>
// kernel: kernel.3.cloned.1.call-start
scs
__scs_entry_jumppad:
0x0: {  	(pc) =	sbr.rel $0x88, $3  }
0x1: {  	(tag) =	ssettag $0x0;
	lr =	simm.s32 $0x1  }
0x2: {  	[smem:$0x3F9F] =	sst lr;
	_ =	strace $0xD0000000  }
0x3: {  	_ = 	snop  }
0x4: {  	_ = 	snop  }
0x5: {  	_ = 	snop  }
0x6: {  	_ = 	snop  }
0x7: {  	_ = 	snop  }
__scs_overlays_trampoline_lowered:
0x8: {  	[smem:$0x3FAE] =	sst s0  }
0x9: {  	[smem:$0x3FAF] =	sst s1  }
0xa: {  	[smem:$0x3FB0] =	sst s2  }
0xb: {  	[smem:$0x3FB1] =	sst s3  }
0xc: {  	[smem:$0x3FB2] =	sst s4  }
0xd: {  	[smem:$0x3FB3] =	sst s5  }
0xe: {  	[smem:$0x3FB4] =	sst s6  }
0xf: {  	[smem:$0x3FB5] =	sst s7  }
0x10: {  	[smem:$0x3FB6] =	sst s8  }
0x11: {  	[smem:$0x3FB7] =	sst s9;
	s0 =	simm.s32 @!p0 $0x0  }
0x12: {  	s1 =	sld [smem:$0x3F9D];
	s0 =	simm.s32 @p0 $0x1  }
0x13: {  	[smem:$0x3FB8] =	sst s0;
	s0 =	simm.s32 @!p1 $0x0  }
0x14: {  	s2 =	sld [smem:$0x3F9C];
	s0 =	simm.s32 @p1 $0x1  }
0x15: {  	[smem:$0x3FB9] =	sst s0;
	s0 =	simm.s32 @!p2 $0x0  }
0x16: {  	s3 =	sld [smem:$0x3FDB];
	s0 =	simm.s32 @p2 $0x1  }
0x17: {  	s4 =	simm.s32 $0x1BF5;
	[smem:$0x3FBB] =	sst s0  }
0x18: {  	s0 =	sld [smem:$0x3F9E];
	_ =	swait.ge [sflag:s4], $0x0  }
0x19: {  	s7 =	sld [smem:$0x3F9F]  }
0x1a: {  	s8 =	sadd.s32 $0xFFFFE003, lr  }
0x1b: {  	s9 =	sadd.s32 $0xFFFFFEF7, lr;
	s5 =	simm.s32 $0xFFFFFFFF;
	p2 =	slt.u32 s8, $0xFFFFF086  }
0x1c: {  	p1 =	slt.u32 s9, $0xF7A;
	s5 =	simm.s32 @!p2 $0x0  }
0x1d: {  	s5 =	simm.s32 @p1 $0x1;
	p0 =	seq.s32 s7, s2  }
0x1e: {  	s7 =	smul.u32 @!p0 $0xF7A, s2;
	p2 =	seq.s32 @!p0 s5, $0x0  }
0x1f: {  	s9 =	smul.u32 $0xF7A, s1;
	s8 =	simm.s32 @!p0 $0x1BF5;
	p2 =	por !p2, p0  }
0x20: {  	[sflag:s8] =	ssyncset.s32 @!p0 $0xFFFFF086;
	s6 =	sadd.s32 @!p0 s3, s7;
	s7 =	simm.s32 @!p0 $0x108  }
0x21: {  	s3 =	sadd.s32 s3, s9;
	s6 =	sadd.s32 @!p0 $0x88, s6;
	s7 =	simm.s32 @p2 $0x1082  }
0x22: {  	[simem:s7], [sflag:s8] =	dma.local @!p0 [hbm:s6], $0xF7A  }
0x23: {  	s9 =	sor.u32 $0xD0000000, s2;
	s6 =	simm.s32 $0x108;
	_ =	swait.ge @!p0 [sflag:s8], $0x0  }
0x24: {  	s3 =	sadd.s32 $0x88, s3;
	s6 =	simm.s32 @!p1 $0x1082;
	[sflag:s4] =	ssyncset.s32 $0xFFFFF086  }
0x25: {  	[simem:s6], [sflag:s4] =	dma.local [hbm:s3], $0xF7A  }
0x26: {  	[smem:$0x3F9F] =	sst s1;
	(tag) =	ssettag s2;
	_ =	strace s9  }
0x27: {  	s1 =	sld [smem:$0x3FAF]  }
0x28: {  	s2 =	sld [smem:$0x3FB0]  }
0x29: {  	s4 =	sld [smem:$0x3FB2]  }
0x2a: {  	p0 =	seq.s32 s5, $0x0;
	s5 =	sld [smem:$0x3FB3]  }
0x2b: {  	s6 =	sld [smem:$0x3FB4]  }
0x2c: {  	s7 =	sld [smem:$0x3FB5]  }
0x2d: {  	s3 =	simm.s32 $0x108;
	s8 =	sld [smem:$0x3FB6]  }
0x2e: {  	s3 =	simm.s32 @!p0 $0x1082;
	s9 =	sld [smem:$0x3FB7]  }
0x2f: {  	lr =	sadd.s32 s0, s3;
	s0 =	sld [smem:$0x3FAE]  }
0x30: {  	s3 =	sld [smem:$0x3FB1]  }
0x31: {  	[smem:$0x3FBA] =	sst s10  }
0x32: {  	s10 =	sld [smem:$0x3FB8];
	_ =	sdelay $0x3  }
0x33: {  	p0 =	seq.s32 s10, $0x1;
	s10 =	sld [smem:$0x3FBA];
	_ =	sdelay $0x3  }
0x34: {  	[smem:$0x3FBA] =	sst s10  }
0x35: {  	s10 =	sld [smem:$0x3FB9];
	_ =	sdelay $0x3  }
0x36: {  	p1 =	seq.s32 s10, $0x1;
	s10 =	sld [smem:$0x3FBA];
	_ =	sdelay $0x3  }
0x37: {  	[smem:$0x3FBA] =	sst s10  }
0x38: {  	s10 =	sld [smem:$0x3FBB]  }
0x39: {  	_ = 	snop;
	(pc) =	sbr.ind lr, $3  }
0x3a: {  	_ = 	snop  }
0x3b: {  	_ = 	snop  }
0x3c: {  	p2 =	seq.s32 s10, $0x1;
	s10 =	sld [smem:$0x3FBA]  }
0x3d: {  	_ =	shalt  }
0x3e: {  	_ =	shalt  }
0x3f: {  	_ =	shalt  }
0x40: {  	_ =	shalt  }
0x41: {  	_ =	shalt  }
0x42: {  	_ =	shalt  }
0x43: {  	_ =	shalt  }
0x44: {  	_ =	shalt  }
0x45: {  	_ =	shalt  }
0x46: {  	_ =	shalt  }
0x47: {  	_ =	shalt  }
0x48: {  	_ =	shalt  }
0x49: {  	_ =	shalt  }
0x4a: {  	_ =	shalt  }
0x4b: {  	_ =	shalt  }
0x4c: {  	_ =	shalt  }
0x4d: {  	_ =	shalt  }
0x4e: {  	_ =	shalt  }
0x4f: {  	_ =	shalt  }
0x50: {  	_ =	shalt  }
0x51: {  	_ =	shalt  }
0x52: {  	_ =	shalt  }
0x53: {  	_ =	shalt  }
0x54: {  	_ =	shalt  }
0x55: {  	_ =	shalt  }
0x56: {  	_ =	shalt  }
0x57: {  	_ =	shalt  }
0x58: {  	_ =	shalt  }
0x59: {  	_ =	shalt  }
0x5a: {  	_ =	shalt  }
0x5b: {  	_ =	shalt  }
0x5c: {  	_ =	shalt  }
0x5d: {  	_ =	shalt  }
0x5e: {  	_ =	shalt  }
0x5f: {  	_ =	shalt  }
0x60: {  	_ =	shalt  }
0x61: {  	_ =	shalt  }
0x62: {  	_ =	shalt  }
0x63: {  	_ =	shalt  }
0x64: {  	_ =	shalt  }
0x65: {  	_ =	shalt  }
0x66: {  	_ =	shalt  }
0x67: {  	_ =	shalt  }
0x68: {  	_ =	shalt  }
0x69: {  	_ =	shalt  }
0x6a: {  	_ =	shalt  }
0x6b: {  	_ =	shalt  }
0x6c: {  	_ =	shalt  }
0x6d: {  	_ =	shalt  }
0x6e: {  	_ =	shalt  }
0x6f: {  	_ =	shalt  }
0x70: {  	_ =	shalt  }
0x71: {  	_ =	shalt  }
0x72: {  	_ =	shalt  }
0x73: {  	_ =	shalt  }
0x74: {  	_ =	shalt  }
0x75: {  	_ =	shalt  }
0x76: {  	_ =	shalt  }
0x77: {  	_ =	shalt  }
0x78: {  	_ =	shalt  }
0x79: {  	_ =	shalt  }
0x7a: {  	_ =	shalt  }
0x7b: {  	_ =	shalt  }
0x7c: {  	_ =	shalt  }
0x7d: {  	_ =	shalt  }
0x7e: {  	_ =	shalt  }
0x7f: {  	_ =	shalt  }
0x80: {  	_ =	shalt  }
0x81: {  	_ =	shalt  }
0x82: {  	_ =	shalt  }
0x83: {  	_ =	shalt  }
0x84: {  	_ =	shalt  }
0x85: {  	_ =	shalt  }
0x86: {  	_ =	shalt  }
0x87: {  	_ =	shalt  }
.Lfunc_end0:
.L_simem_size_0:
called_computation.1_lowered:
.L_overlay_start_0:
0x88: {  	s2 =	sld [smem:$0x3FD9]  }
0x89: {  	s3 =	sld [smem:$0x3FFE];
	_ =	sdelay $0x1  }
0x8a: {  	s1 =	srdreg.scid  }
0x8b: {  	s0 =	sand.u32 $0x1, s1  }
0x8c: {  	s17 =	sshll.u32 s0, $0xA;
	s2 =	sadd.s32 s3, s2  }
0x8d: {  	s2 =	sadd.s32 s2, s17  }
0x8e: {  	[smem:$0x3FC6] =	sst s2  }
0x8f: {  	_ = 	snop  }
0x90: {  	s2 =	sld [smem:$0x3FD0];
	(tm) =	ssettm $0x1  }
0x91: {  	s18 =	sld [smem:$0x3FFB];
	_ =	sdelay $0x3  }
0x92: {  	_ =	strace s18  }
0x93: {  	s3 =	sld [smem:$0x3FFC];
	_ =	sdelay $0x3  }
0x94: {  	_ =	strace s3  }
0x95: {  	s3 =	sld [smem:$0x3FFD];
	_ =	sdelay $0x3  }
0x96: {  	_ =	strace s3  }
0x97: {  	_ =	strace $0x8FFFFFFF  }
0x98: {  	s19 =	sld [smem:$0x3FDB];
	_ =	sdelay $0x1  }
0x99: {  	s4 =	simm.s32 $_scs_section_size  }
0x9a: {  	s5 =	simm.s32 $_size__tile_overlayer_lowered;
	s6 =	simm.s32 $_tile_overlayer_lowered  }
0x9b: {  	s22 =	simm.s32 $0x1BFF;
	s21 =	sshll.u32 s6, $0x1;
	s3 =	sadd.s32 s4, s19  }
0x9c: {  	s7 =	simm.s32 $0x0;
	s20 =	sshll.u32 s5, $0x1;
	s5 =	sadd.s32 s21, s3  }
0x9d: {  	[timem:s7], [sflag:s22] =	dma.local [hbm:s5], s20  }
0x9e: {  	_ =	swait.ge [sflag:s22], s20  }
0x9f: {  	s4 =	ssub.s32 $0x0, s20;
	[sflag:s22] =	ssyncset.done $0x0  }
0xa0: {  	[sflag:s22] =	ssyncadd.s32 s4;
	_ =	sdelay $0x1  }
0xa1: {  	s23 =	simm.s32 $0x1B8B  }
0xa2: {  	_ =	swait.ge [sflag:s23], $0x1  }
0xa3: {  	[sflag:s23] =	ssyncset.done $0x0  }
0xa4: {  	s25 =	simm.s32 $0x1B8E;
	s24 =	sld [smem:$0x3FFE];
	[sflag:s23] =	ssyncadd.s32 $0xFFFFFFFF  }
0xa5: {  	s26 =	simm.s32 $execute0_lowered;
	[smem:$0x3FD2] =	sst s25  }
0xa6: {  	s5 =	sshll.u32 s26, $0x1;
	_ =	strace $0x80000046;
	[dreg:$0x1] =	wrdreg $0xFFFFFFFF  }
0xa7: {  	s28 =	simm.s32 $_size_execute0_lowered;
	s3 =	sadd.s32 s3, s5;
	[dreg:$0x0] =	wrdreg $0x0  }
0xa8: {  	s5 =	sshll.u32 s28, $0x1;
	[dreg:$0x2] =	wrdreg s3  }
0xa9: {  	[dreg:$0x3] =	wrdreg s5  }
0xaa: {  	[dreg:$0x4] =	wrdreg $0xC0  }
0xab: {  	_ =	task [dreg:s7], $0x5FFFF  }
0xac: {  	[dreg:$0x1] =	wrdreg $0xFFFFFFFF  }
0xad: {  	[dreg:$0x0] =	wrdreg $0x60  }
0xae: {  	[dreg:$0x2] =	wrdreg s24  }
0xaf: {  	[dreg:$0x3] =	wrdreg s2  }
0xb0: {  	[dreg:$0x4] =	wrdreg $0x9  }
0xb1: {  	_ =	task.clear_ibuf [dreg:s7], $0x5FFFF;
	_ =	strace $0x90000046  }
0xb2: {  	s29 =	simm.s32 $0x9;
	_ =	strace $0x80000048  }
0xb3: {  	_ =	swait.ge [sflag:s29], $0x1  }
0xb4: {  	[sflag:s29] =	ssyncadd.s32 $0xFFFFFFFF  }
0xb5: {  	_ =	strace $0x90000048  }
0xb6: {  	_ =	sfence  }
0xb7: {  	s30 =	sld [smem:$0x0];
	_ =	sdelay $0x2  }
0xb8: {  	s31 =	sshll.u32 s1, $0xD;
	s1 =	sshrl.u32 s1, $0x2  }
0xb9: {  	s3 =	sand.u32 $0x4000, s31;
	s1 =	sadd.s32 s1, s30  }
0xba: {  	s0 =	sor.u32 s3, s0;
	s1 =	sshll.u32 s1, $0x11  }
0xbb: {  	s0 =	sor.u32 s1, s0  }
0xbc: {  	s0 =	sadd.s32 $0x8F2B, s0  }
0xbd: {  	[sflag:s0] =	ssyncadd.remote.s32 $0x1  }
0xbe: {  	_ =	sfence.sel $0xFFFF  }
0xbf: {  	[dreg:$0x0] =	wrdreg $0xFFFFFFFF;
	(pc) =	sbr.abs _section_cstart, $3  }
0xc0: {  	[dreg:$0x1] =	wrdreg $0xFFFFFFFF  }
0xc1: {  	_ =	task.clear_ibuf [dreg:s7], $0x2FFFF;
	_ =	strace $0x9FFFFFFF  }
0xc2: {  	(tm) =	ssettm $0x7FFFFFFF  }
0xc3: {  	_ =	shalt  }
tec
execute0_lowered:
.L_overlay_start_1:
0x0: {  	(tag) =	ssettag $0x1  }
0x1: {  	s0 =	rddreg [dreg:$0x0];
	s1 =	srdreg.scid  }
0x2: {  	s3 =	stileid.u32;
	s2 =	rddreg [dreg:$0x1];
	s12 =	simm.s32 $0x80  }
0x3: {  	s18 =	simm.s32 $0xC400;
	s19 =	simm.s32 $0x1;
	s20 =	simm.s32 $0xE400  }
0x4: {  	s21 =	simm.s32 $0x2;
	s28 =	simm.s32 $0x5;
	s29 =	simm.s32 $0x9  }
0x5: {  	s30 =	simm.s32 $0x6;
	s1 =	sand.u32 $0x1, s1;
	s4 =	sshll.u32 s3, $0x1  }
0x6: {  	s31 =	simm.s32 $0xA;
	s15 =	simm.s32 $0x8;
	s4 =	sor.u32 s1, s4  }
0x7: {  	s17 =	simm.s32 $0xC;
	s3 =	simm.s32 $0x0;
	s5 =	smul.u32 $0xC80, s4  }
0x8: {  	[smem:$0x7FF] =	sst s3;
	s1 =	ssub.s32 $0x2, s1;
	s4 =	smul.u32 $0x190000, s4  }
0x9: {  	s8 =	simm.s32 $0x0;
	_ =	strace $0x80000047;
	s7 =	sshrl.u32 s1, $0x1  }
0xa: {  	s22 =	ssub.s32 s1, s7;
	s1 =	simm.s32 $0x7;
	s24 =	sor.u32 $0x2000, s4  }
0xb: {  	s6 =	sadd.s32 s5, s0;
	s25 =	sor.u32 $0x4000, s4;
	[dreg:$0x4] =	wrdreg s24  }
.Ltmp0:
0xc: {  	s26 =	sor.u32 $0x6000, s4;
	[dreg:$0x5] =	wrdreg s25;
	(pc) =	sbr.rel .LBB2_1-.Ltmp0, $4  }
0xd: {  	s5 =	sadd.s32 $0xF42E00, s0;
	s0 =	smax.u32 s22, $0x1;
	[dreg:$0x6] =	wrdreg s26  }
0xe: {  	s22 =	simm.s32 $0x10400;
	s23 =	sadd.s32 $0xA00, s6;
	[dreg:$0x7] =	wrdreg s0  }
0xf: {  	s24 =	simm.s32 $0x12400;
	s25 =	simm.s32 $0x4;
	s26 =	simm.s32 $0x14400  }
0x10: {  	s0 =	simm.s32 $0xB;
	[dreg:$0x3] =	wrdreg s23;
	s23 =	simm.s32 $0x3  }
.LBB2_20:
0x11: {  	s6 =	simm.s32 $0xD  }
0x12: {  	_ =	swait.ge [sflag:s6], $0x2000  }
0x13: {  	[sflag:s6] =	ssyncset.done $0x0  }
0x14: {  	s13 =	simm.s32 $0xE;
	[sflag:s6] =	ssyncadd.s32 $0xFFFFE000  }
0x15: {  	_ =	swait.ge [sflag:s13], $0x2000  }
0x16: {  	[sflag:s13] =	ssyncset.done $0x0  }
0x17: {  	s14 =	simm.s32 $0xF;
	[sflag:s13] =	ssyncadd.s32 $0xFFFFE000  }
0x18: {  	_ =	swait.ge [sflag:s14], $0x2000  }
0x19: {  	[sflag:s14] =	ssyncset.done $0x0  }
0x1a: {  	s7 =	simm.s32 $0x10;
	[sflag:s14] =	ssyncadd.s32 $0xFFFFE000  }
0x1b: {  	_ =	swait.ge [sflag:s7], $0x2000  }
0x1c: {  	s8 =	rddreg [dreg:$0x8]  }
0x1d: {  	s16 =	rddreg [dreg:$0x7];
	s8 =	sadd.s32 $0x1, s8  }
0x1e: {  	p0 =	sne.s32 s8, s16  }
.Ltmp1:
0x1f: {  	_ = 	snop;
	(pc) =	sbr.rel @!p0 .LBB2_21-.Ltmp1, $3  }
0x20: {  	_ =	sdelay $0x1  }
0x21: {  	[sflag:s7] =	ssyncset.done $0x0  }
0x22: {  	[sflag:s7] =	ssyncadd.s32 $0xFFFFE000  }
.LBB2_1:
0x23: {  	[dreg:$0x8] =	wrdreg s8  }
0x24: {  	s6 =	rddreg [dreg:$0x3];
	s10 =	simm.s32 $0x11  }
0x25: {  	[tilespmem:s3], [sflag:$0x11] =	stream.linear.gather [hbm4b:s6+s3], $0x6400, $0x38;
	[tilespmem:$0x16400] =	vst v63  }
0x26: {  	_ =	swait.ge [sflag:s10], $0x6400  }
0x27: {  	[sflag:s10] =	ssyncset.done $0x0  }
0x28: {  	s11 =	simm.s32 $0x6400;
	[sflag:s10] =	ssyncadd.s32 $0xFFFF9C00  }
0x29: {  	[tilespmem:s11], [sflag:$0x1] =	stream.indirect.gather [hbm4b:s5+s12], $0x40, s3, s12, $0xb8;
	[tilespmem:$0x16400] =	vst v63  }
0x2a: {  	s13 =	simm.s32 $0x8400  }
0x2b: {  	[tilespmem:s13], [sflag:$0x2] =	stream.indirect.gather [hbm4b:s5+s12], $0x40, s12, s12, $0xb8;
	[tilespmem:$0x16400] =	vst v63  }
0x2c: {  	s14 =	simm.s32 $0x100;
	s7 =	simm.s32 $0xA400  }
0x2d: {  	[tilespmem:s7], [sflag:$0x3] =	stream.indirect.gather [hbm4b:s5+s12], $0x40, s14, s12, $0xb8;
	[tilespmem:$0x16400] =	vst v63  }
0x2e: {  	s16 =	simm.s32 $0x180;
	s11 =	simm.s32 $0x0  }
0x2f: {  	[tilespmem:s18], [sflag:$0x4] =	stream.indirect.gather [hbm4b:s5+s12], $0x40, s16, s12, $0xb8;
	[tilespmem:$0x16400] =	vst v63  }
.LBB2_2:
0x30: {  	_ =	swait.ge [sflag:s19], $0x2000  }
0x31: {  	[sflag:s19] =	ssyncset.done $0x0  }
0x32: {  	s6 =	simm.s32 $0x0;
	[sflag:s19] =	ssyncadd.s32 $0xFFFFE000  }
0x33: {  	v4 =	vld [tilespmem:s6+$0x6400]  }
0x34: {  	v5 =	vld [tilespmem:s6+$0x6410]  }
0x35: {  	v3 =	vld [tilespmem:s6+$0x6420]  }
0x36: {  	s13 =	sshll.u32 s11, $0x10;
	v0 =	vld [tilespmem:s6+$0x6430]  }
0x37: {  	s7 =	sadd.s32 s4, s13;
	v1 =	vld [tilespmem:s6+$0x6440]  }
0x38: {  	s7 =	sshrl.u32 s7, $0x3;
	v2 =	vld [tilespmem:s6+$0x6450];
	v6 =	vmul.f32 $8.000000000e+00, v4  }
0x39: {  	s10 =	simm.s32 $0x200;
	s7 =	sadd.s32 s2, s7;
	v5 =	vmul.f32 $8.000000000e+00, v5;
	v4 =	vld [tilespmem:s6+$0x6460]  }
.LBB2_3:
0x3a: {  	s8 =	sshra.s32 s10, $0x2;
	p0 =	sne.s32 s10, $0x7E00;
	[tilespmem:s6+$0x6400] =	vst v6;
	v3 =	vmul.f32 $8.000000000e+00, v3;
	v6 =	vld [tilespmem:s6+$0x6470]  }
0x3b: {  	v7 =	vld [tilespmem:s8+$0x6400];
	[tilespmem:s6+$0x6410] =	vst v5;
	v0 =	vmul.f32 $8.000000000e+00, v0  }
0x3c: {  	v5 =	vld [tilespmem:s8+$0x6410];
	[tilespmem:s6+$0x6420] =	vst v3;
	v1 =	vmul.f32 $8.000000000e+00, v1  }
.Ltmp2:
0x3d: {  	v3 =	vld [tilespmem:s8+$0x6420];
	[tilespmem:s6+$0x6430] =	vst v0;
	v2 =	vmul.f32 $8.000000000e+00, v2;
	(pc) =	sbr.rel @p0 .LBB2_3-.Ltmp2, $4  }
0x3e: {  	v0 =	vld [tilespmem:s8+$0x6430];
	[tilespmem:s6+$0x6440] =	vst v1;
	v4 =	vmul.f32 $8.000000000e+00, v4  }
0x3f: {  	v1 =	vld [tilespmem:s8+$0x6440];
	[tilespmem:s6+$0x6450] =	vst v2;
	v8 =	vmul.f32 $8.000000000e+00, v6  }
0x40: {  	v6 =	vmul.f32 $8.000000000e+00, v7;
	v2 =	vld [tilespmem:s8+$0x6450];
	[tilespmem:s6+$0x6460] =	vst v4  }
0x41: {  	s10 =	sadd.s32 $0x200, s10;
	v5 =	vmul.f32 $8.000000000e+00, v5;
	v4 =	vld [tilespmem:s8+$0x6460];
	[tilespmem:s6+$0x6470] =	vst v8;
	s6 =	smov.u32 s8  }
0x42: {  	[tilespmem:s6+$0x6400] =	vst v6;
	v3 =	vmul.f32 $8.000000000e+00, v3;
	v6 =	vld [tilespmem:s6+$0x6470]  }
0x43: {  	[tilespmem:s6+$0x6410] =	vst v5;
	v0 =	vmul.f32 $8.000000000e+00, v0  }
0x44: {  	[tilespmem:s6+$0x6420] =	vst v3;
	v1 =	vmul.f32 $8.000000000e+00, v1  }
0x45: {  	[tilespmem:s6+$0x6430] =	vst v0;
	v0 =	vmul.f32 $8.000000000e+00, v2  }
0x46: {  	[tilespmem:s6+$0x6440] =	vst v1;
	v1 =	vmul.f32 $8.000000000e+00, v4  }
0x47: {  	[tilespmem:s6+$0x6450] =	vst v0;
	v0 =	vmul.f32 $8.000000000e+00, v6  }
0x48: {  	[tilespmem:s6+$0x6460] =	vst v1  }
0x49: {  	s16 =	simm.s32 $0x6400;
	p0 =	seq.s32 s11, $0x0;
	[tilespmem:s6+$0x6470] =	vst v0  }
0x4a: {  	[hbm4b:s7+s3] =	stream.linear.scatter [tilespmem:s16], [sflag:$0x9], $0x2000, $0x38;
	[tilespmem:$0x16400] =	vst v63  }
0x4b: {  	s6 =	simm.s32 @!p0 $0xD;
	s16 =	sshll.u32 s11, $0x3  }
0x4c: {  	_ =	swait.ge @!p0 [sflag:s6], $0x2000;
	s14 =	sor.u32 $0x4, s16  }
0x4d: {  	[sflag:s6] =	ssyncset.done @!p0 $0x0;
	s8 =	sshll.u32 s14, $0x7  }
0x4e: {  	[sflag:s6] =	ssyncadd.s32 @!p0 $0xFFFFE000;
	s9 =	sand.u32 $0x3FFFFF80, s8  }
0x4f: {  	[tilespmem:s20], [sflag:$0x5] =	stream.indirect.gather [hbm4b:s5+s12], $0x40, s9, s12, $0xb8;
	[tilespmem:$0x16400] =	vst v63  }
0x50: {  	_ =	swait.ge [sflag:s21], $0x2000  }
0x51: {  	[sflag:s21] =	ssyncset.done $0x0  }
0x52: {  	s6 =	simm.s32 $0x0;
	[sflag:s21] =	ssyncadd.s32 $0xFFFFE000  }
0x53: {  	v4 =	vld [tilespmem:s6+$0x8400]  }
0x54: {  	v5 =	vld [tilespmem:s6+$0x8410]  }
0x55: {  	v3 =	vld [tilespmem:s6+$0x8420]  }
0x56: {  	s10 =	rddreg [dreg:$0x4];
	v0 =	vld [tilespmem:s6+$0x8430]  }
0x57: {  	s7 =	sadd.s32 s13, s10;
	v1 =	vld [tilespmem:s6+$0x8440]  }
0x58: {  	s7 =	sshrl.u32 s7, $0x3;
	v2 =	vld [tilespmem:s6+$0x8450];
	v6 =	vmul.f32 $8.000000000e+00, v4  }
0x59: {  	s10 =	simm.s32 $0x200;
	s7 =	sadd.s32 s2, s7;
	v5 =	vmul.f32 $8.000000000e+00, v5;
	v4 =	vld [tilespmem:s6+$0x8460]  }
.LBB2_5:
0x5a: {  	s8 =	sshra.s32 s10, $0x2;
	p1 =	sne.s32 s10, $0x7E00;
	[tilespmem:s6+$0x8400] =	vst v6;
	v3 =	vmul.f32 $8.000000000e+00, v3;
	v6 =	vld [tilespmem:s6+$0x8470]  }
0x5b: {  	v7 =	vld [tilespmem:s8+$0x8400];
	[tilespmem:s6+$0x8410] =	vst v5;
	v0 =	vmul.f32 $8.000000000e+00, v0  }
0x5c: {  	v5 =	vld [tilespmem:s8+$0x8410];
	[tilespmem:s6+$0x8420] =	vst v3;
	v1 =	vmul.f32 $8.000000000e+00, v1  }
.Ltmp3:
0x5d: {  	v3 =	vld [tilespmem:s8+$0x8420];
	[tilespmem:s6+$0x8430] =	vst v0;
	v2 =	vmul.f32 $8.000000000e+00, v2;
	(pc) =	sbr.rel @p1 .LBB2_5-.Ltmp3, $4  }
0x5e: {  	v0 =	vld [tilespmem:s8+$0x8430];
	[tilespmem:s6+$0x8440] =	vst v1;
	v4 =	vmul.f32 $8.000000000e+00, v4  }
0x5f: {  	v1 =	vld [tilespmem:s8+$0x8440];
	[tilespmem:s6+$0x8450] =	vst v2;
	v8 =	vmul.f32 $8.000000000e+00, v6  }
0x60: {  	v6 =	vmul.f32 $8.000000000e+00, v7;
	v2 =	vld [tilespmem:s8+$0x8450];
	[tilespmem:s6+$0x8460] =	vst v4  }
0x61: {  	s10 =	sadd.s32 $0x200, s10;
	v5 =	vmul.f32 $8.000000000e+00, v5;
	v4 =	vld [tilespmem:s8+$0x8460];
	[tilespmem:s6+$0x8470] =	vst v8;
	s6 =	smov.u32 s8  }
0x62: {  	[tilespmem:s6+$0x8400] =	vst v6;
	v3 =	vmul.f32 $8.000000000e+00, v3;
	v6 =	vld [tilespmem:s6+$0x8470]  }
0x63: {  	[tilespmem:s6+$0x8410] =	vst v5;
	v0 =	vmul.f32 $8.000000000e+00, v0  }
0x64: {  	[tilespmem:s6+$0x8420] =	vst v3;
	v1 =	vmul.f32 $8.000000000e+00, v1  }
0x65: {  	[tilespmem:s6+$0x8430] =	vst v0;
	v0 =	vmul.f32 $8.000000000e+00, v2  }
0x66: {  	[tilespmem:s6+$0x8440] =	vst v1;
	v1 =	vmul.f32 $8.000000000e+00, v4  }
0x67: {  	[tilespmem:s6+$0x8450] =	vst v0;
	v0 =	vmul.f32 $8.000000000e+00, v6  }
0x68: {  	[tilespmem:s6+$0x8460] =	vst v1  }
0x69: {  	s10 =	simm.s32 $0x8400;
	[tilespmem:s6+$0x8470] =	vst v0  }
0x6a: {  	[hbm4b:s7+s3] =	stream.linear.scatter [tilespmem:s10], [sflag:$0xA], $0x2000, $0x38;
	[tilespmem:$0x16400] =	vst v63  }
0x6b: {  	s7 =	simm.s32 @!p0 $0xE  }
0x6c: {  	s6 =	sor.u32 $0x5, s16;
	_ =	swait.ge @!p0 [sflag:s7], $0x2000  }
0x6d: {  	s8 =	sshll.u32 s6, $0x7;
	[sflag:s7] =	ssyncset.done @!p0 $0x0  }
0x6e: {  	s8 =	sand.u32 $0x3FFFFF80, s8;
	[sflag:s7] =	ssyncadd.s32 @!p0 $0xFFFFE000  }
0x6f: {  	[tilespmem:s22], [sflag:$0x6] =	stream.indirect.gather [hbm4b:s5+s12], $0x40, s8, s12, $0xb8;
	[tilespmem:$0x16400] =	vst v63  }
0x70: {  	_ =	swait.ge [sflag:s23], $0x2000  }
0x71: {  	[sflag:s23] =	ssyncset.done $0x0  }
0x72: {  	s10 =	simm.s32 $0x0;
	[sflag:s23] =	ssyncadd.s32 $0xFFFFE000  }
0x73: {  	v4 =	vld [tilespmem:s10+$0xA400]  }
0x74: {  	v5 =	vld [tilespmem:s10+$0xA410]  }
0x75: {  	v3 =	vld [tilespmem:s10+$0xA420]  }
0x76: {  	s9 =	rddreg [dreg:$0x5];
	v0 =	vld [tilespmem:s10+$0xA430]  }
0x77: {  	s7 =	sadd.s32 s13, s9;
	v1 =	vld [tilespmem:s10+$0xA440]  }
0x78: {  	s7 =	sshrl.u32 s7, $0x3;
	v2 =	vld [tilespmem:s10+$0xA450];
	v6 =	vmul.f32 $8.000000000e+00, v4  }
0x79: {  	s8 =	simm.s32 $0x200;
	s7 =	sadd.s32 s2, s7;
	v5 =	vmul.f32 $8.000000000e+00, v5;
	v4 =	vld [tilespmem:s10+$0xA460]  }
.LBB2_7:
0x7a: {  	s9 =	sshra.s32 s8, $0x2;
	p1 =	sne.s32 s8, $0x7E00;
	[tilespmem:s10+$0xA400] =	vst v6;
	v3 =	vmul.f32 $8.000000000e+00, v3;
	v6 =	vld [tilespmem:s10+$0xA470]  }
0x7b: {  	v7 =	vld [tilespmem:s9+$0xA400];
	[tilespmem:s10+$0xA410] =	vst v5;
	v0 =	vmul.f32 $8.000000000e+00, v0  }
0x7c: {  	v5 =	vld [tilespmem:s9+$0xA410];
	[tilespmem:s10+$0xA420] =	vst v3;
	v1 =	vmul.f32 $8.000000000e+00, v1  }
.Ltmp4:
0x7d: {  	v3 =	vld [tilespmem:s9+$0xA420];
	[tilespmem:s10+$0xA430] =	vst v0;
	v2 =	vmul.f32 $8.000000000e+00, v2;
	(pc) =	sbr.rel @p1 .LBB2_7-.Ltmp4, $4  }
0x7e: {  	v0 =	vld [tilespmem:s9+$0xA430];
	[tilespmem:s10+$0xA440] =	vst v1;
	v4 =	vmul.f32 $8.000000000e+00, v4  }
0x7f: {  	v1 =	vld [tilespmem:s9+$0xA440];
	[tilespmem:s10+$0xA450] =	vst v2;
	v8 =	vmul.f32 $8.000000000e+00, v6  }
0x80: {  	v6 =	vmul.f32 $8.000000000e+00, v7;
	v2 =	vld [tilespmem:s9+$0xA450];
	[tilespmem:s10+$0xA460] =	vst v4  }
0x81: {  	s8 =	sadd.s32 $0x200, s8;
	v5 =	vmul.f32 $8.000000000e+00, v5;
	v4 =	vld [tilespmem:s9+$0xA460];
	[tilespmem:s10+$0xA470] =	vst v8;
	s10 =	smov.u32 s9  }
0x82: {  	[tilespmem:s10+$0xA400] =	vst v6;
	v3 =	vmul.f32 $8.000000000e+00, v3;
	v6 =	vld [tilespmem:s10+$0xA470]  }
0x83: {  	[tilespmem:s10+$0xA410] =	vst v5;
	v0 =	vmul.f32 $8.000000000e+00, v0  }
0x84: {  	[tilespmem:s10+$0xA420] =	vst v3;
	v1 =	vmul.f32 $8.000000000e+00, v1  }
0x85: {  	[tilespmem:s10+$0xA430] =	vst v0;
	v0 =	vmul.f32 $8.000000000e+00, v2  }
0x86: {  	[tilespmem:s10+$0xA440] =	vst v1;
	v1 =	vmul.f32 $8.000000000e+00, v4  }
0x87: {  	[tilespmem:s10+$0xA450] =	vst v0;
	v0 =	vmul.f32 $8.000000000e+00, v6  }
0x88: {  	[tilespmem:s10+$0xA460] =	vst v1  }
0x89: {  	s8 =	simm.s32 $0xA400;
	[tilespmem:s10+$0xA470] =	vst v0  }
0x8a: {  	[hbm4b:s7+s3] =	stream.linear.scatter [tilespmem:s8], [sflag:$0xB], $0x2000, $0x38;
	[tilespmem:$0x16400] =	vst v63  }
0x8b: {  	s7 =	simm.s32 @!p0 $0xF  }
0x8c: {  	s10 =	sor.u32 $0x6, s16;
	_ =	swait.ge @!p0 [sflag:s7], $0x2000  }
0x8d: {  	s9 =	sshll.u32 s10, $0x7;
	[sflag:s7] =	ssyncset.done @!p0 $0x0  }
0x8e: {  	s8 =	sand.u32 $0x3FFFFF80, s9;
	[sflag:s7] =	ssyncadd.s32 @!p0 $0xFFFFE000  }
0x8f: {  	[tilespmem:s24], [sflag:$0x7] =	stream.indirect.gather [hbm4b:s5+s12], $0x40, s8, s12, $0xb8;
	[tilespmem:$0x16400] =	vst v63  }
0x90: {  	_ =	swait.ge [sflag:s25], $0x2000  }
0x91: {  	[sflag:s25] =	ssyncset.done $0x0  }
0x92: {  	s7 =	simm.s32 $0x0;
	[sflag:s25] =	ssyncadd.s32 $0xFFFFE000  }
0x93: {  	v4 =	vld [tilespmem:s7+$0xC400]  }
0x94: {  	v5 =	vld [tilespmem:s7+$0xC410]  }
0x95: {  	v3 =	vld [tilespmem:s7+$0xC420]  }
0x96: {  	s9 =	rddreg [dreg:$0x6];
	v0 =	vld [tilespmem:s7+$0xC430]  }
0x97: {  	s8 =	sadd.s32 s13, s9;
	v1 =	vld [tilespmem:s7+$0xC440]  }
0x98: {  	s8 =	sshrl.u32 s8, $0x3;
	v2 =	vld [tilespmem:s7+$0xC450];
	v6 =	vmul.f32 $8.000000000e+00, v4  }
0x99: {  	s13 =	sadd.s32 s2, s8;
	s8 =	simm.s32 $0x200;
	v5 =	vmul.f32 $8.000000000e+00, v5;
	v4 =	vld [tilespmem:s7+$0xC460]  }
.LBB2_9:
0x9a: {  	s9 =	sshra.s32 s8, $0x2;
	p1 =	sne.s32 s8, $0x7E00;
	[tilespmem:s7+$0xC400] =	vst v6;
	v3 =	vmul.f32 $8.000000000e+00, v3;
	v6 =	vld [tilespmem:s7+$0xC470]  }
0x9b: {  	v7 =	vld [tilespmem:s9+$0xC400];
	[tilespmem:s7+$0xC410] =	vst v5;
	v0 =	vmul.f32 $8.000000000e+00, v0  }
0x9c: {  	v5 =	vld [tilespmem:s9+$0xC410];
	[tilespmem:s7+$0xC420] =	vst v3;
	v1 =	vmul.f32 $8.000000000e+00, v1  }
.Ltmp5:
0x9d: {  	v3 =	vld [tilespmem:s9+$0xC420];
	[tilespmem:s7+$0xC430] =	vst v0;
	v2 =	vmul.f32 $8.000000000e+00, v2;
	(pc) =	sbr.rel @p1 .LBB2_9-.Ltmp5, $4  }
0x9e: {  	v0 =	vld [tilespmem:s9+$0xC430];
	[tilespmem:s7+$0xC440] =	vst v1;
	v4 =	vmul.f32 $8.000000000e+00, v4  }
0x9f: {  	v1 =	vld [tilespmem:s9+$0xC440];
	[tilespmem:s7+$0xC450] =	vst v2;
	v8 =	vmul.f32 $8.000000000e+00, v6  }
0xa0: {  	v6 =	vmul.f32 $8.000000000e+00, v7;
	v2 =	vld [tilespmem:s9+$0xC450];
	[tilespmem:s7+$0xC460] =	vst v4  }
0xa1: {  	s8 =	sadd.s32 $0x200, s8;
	v5 =	vmul.f32 $8.000000000e+00, v5;
	v4 =	vld [tilespmem:s9+$0xC460];
	[tilespmem:s7+$0xC470] =	vst v8;
	s7 =	smov.u32 s9  }
0xa2: {  	[tilespmem:s7+$0xC400] =	vst v6;
	v3 =	vmul.f32 $8.000000000e+00, v3;
	v6 =	vld [tilespmem:s7+$0xC470]  }
0xa3: {  	[tilespmem:s7+$0xC410] =	vst v5;
	v0 =	vmul.f32 $8.000000000e+00, v0  }
0xa4: {  	[tilespmem:s7+$0xC420] =	vst v3;
	v1 =	vmul.f32 $8.000000000e+00, v1  }
0xa5: {  	[tilespmem:s7+$0xC430] =	vst v0;
	v0 =	vmul.f32 $8.000000000e+00, v2  }
0xa6: {  	[tilespmem:s7+$0xC440] =	vst v1;
	v1 =	vmul.f32 $8.000000000e+00, v4  }
0xa7: {  	[tilespmem:s7+$0xC450] =	vst v0;
	v0 =	vmul.f32 $8.000000000e+00, v6  }
0xa8: {  	[tilespmem:s7+$0xC460] =	vst v1  }
0xa9: {  	[tilespmem:s7+$0xC470] =	vst v0;
	s7 =	simm.s32 @!p0 $0x10  }
0xaa: {  	[hbm4b:s13+s3] =	stream.linear.scatter [tilespmem:s18], [sflag:$0xC], $0x2000, $0x38;
	[tilespmem:$0x16400] =	vst v63  }
0xab: {  	s13 =	sor.u32 $0x7, s16;
	_ =	swait.ge @!p0 [sflag:s7], $0x2000  }
0xac: {  	s8 =	sshll.u32 s13, $0x7;
	[sflag:s7] =	ssyncset.done @!p0 $0x0  }
0xad: {  	s9 =	sand.u32 $0x3FFFFF80, s8;
	[sflag:s7] =	ssyncadd.s32 @!p0 $0xFFFFE000  }
0xae: {  	[tilespmem:s26], [sflag:$0x8] =	stream.indirect.gather [hbm4b:s5+s12], $0x40, s9, s12, $0xb8;
	[tilespmem:$0x16400] =	vst v63  }
0xaf: {  	_ =	swait.ge [sflag:s28], $0x2000  }
0xb0: {  	[sflag:s28] =	ssyncset.done $0x0  }
0xb1: {  	s16 =	simm.s32 $0x0;
	[sflag:s28] =	ssyncadd.s32 $0xFFFFE000  }
0xb2: {  	v4 =	vld [tilespmem:s16+$0xE400]  }
0xb3: {  	v5 =	vld [tilespmem:s16+$0xE410]  }
0xb4: {  	v3 =	vld [tilespmem:s16+$0xE420]  }
0xb5: {  	s14 =	sshll.u32 s14, $0xD;
	v0 =	vld [tilespmem:s16+$0xE430]  }
0xb6: {  	s7 =	sadd.s32 s4, s14;
	v1 =	vld [tilespmem:s16+$0xE440]  }
0xb7: {  	s7 =	sshrl.u32 s7, $0x3;
	v2 =	vld [tilespmem:s16+$0xE450];
	v6 =	vmul.f32 $8.000000000e+00, v4  }
0xb8: {  	s8 =	simm.s32 $0x200;
	s7 =	sadd.s32 s2, s7;
	v5 =	vmul.f32 $8.000000000e+00, v5;
	v4 =	vld [tilespmem:s16+$0xE460]  }
.LBB2_11:
0xb9: {  	s9 =	sshra.s32 s8, $0x2;
	p0 =	sne.s32 s8, $0x7E00;
	[tilespmem:s16+$0xE400] =	vst v6;
	v3 =	vmul.f32 $8.000000000e+00, v3;
	v6 =	vld [tilespmem:s16+$0xE470]  }
0xba: {  	v7 =	vld [tilespmem:s9+$0xE400];
	[tilespmem:s16+$0xE410] =	vst v5;
	v0 =	vmul.f32 $8.000000000e+00, v0  }
0xbb: {  	v5 =	vld [tilespmem:s9+$0xE410];
	[tilespmem:s16+$0xE420] =	vst v3;
	v1 =	vmul.f32 $8.000000000e+00, v1  }
.Ltmp6:
0xbc: {  	v3 =	vld [tilespmem:s9+$0xE420];
	[tilespmem:s16+$0xE430] =	vst v0;
	v2 =	vmul.f32 $8.000000000e+00, v2;
	(pc) =	sbr.rel @p0 .LBB2_11-.Ltmp6, $4  }
0xbd: {  	v0 =	vld [tilespmem:s9+$0xE430];
	[tilespmem:s16+$0xE440] =	vst v1;
	v4 =	vmul.f32 $8.000000000e+00, v4  }
0xbe: {  	v1 =	vld [tilespmem:s9+$0xE440];
	[tilespmem:s16+$0xE450] =	vst v2;
	v8 =	vmul.f32 $8.000000000e+00, v6  }
0xbf: {  	v6 =	vmul.f32 $8.000000000e+00, v7;
	v2 =	vld [tilespmem:s9+$0xE450];
	[tilespmem:s16+$0xE460] =	vst v4  }
0xc0: {  	s8 =	sadd.s32 $0x200, s8;
	v5 =	vmul.f32 $8.000000000e+00, v5;
	v4 =	vld [tilespmem:s9+$0xE460];
	[tilespmem:s16+$0xE470] =	vst v8;
	s16 =	smov.u32 s9  }
0xc1: {  	[tilespmem:s16+$0xE400] =	vst v6;
	v3 =	vmul.f32 $8.000000000e+00, v3;
	v6 =	vld [tilespmem:s16+$0xE470]  }
0xc2: {  	[tilespmem:s16+$0xE410] =	vst v5;
	v0 =	vmul.f32 $8.000000000e+00, v0  }
0xc3: {  	[tilespmem:s16+$0xE420] =	vst v3;
	v1 =	vmul.f32 $8.000000000e+00, v1  }
0xc4: {  	[tilespmem:s16+$0xE430] =	vst v0;
	v0 =	vmul.f32 $8.000000000e+00, v2  }
0xc5: {  	[tilespmem:s16+$0xE440] =	vst v1;
	v1 =	vmul.f32 $8.000000000e+00, v4  }
0xc6: {  	[tilespmem:s16+$0xE450] =	vst v0;
	v0 =	vmul.f32 $8.000000000e+00, v6  }
0xc7: {  	[tilespmem:s16+$0xE460] =	vst v1  }
0xc8: {  	p0 =	seq.s32 s11, $0x18;
	[tilespmem:s16+$0xE470] =	vst v0  }
0xc9: {  	[hbm4b:s7+s3] =	stream.linear.scatter [tilespmem:s20], [sflag:$0xD], $0x2000, $0x38;
	[tilespmem:$0x16400] =	vst v63  }
0xca: {  	s7 =	sshll.u32 @!p0 s11, $0xA;
	_ =	swait.ge [sflag:s29], $0x2000  }
0xcb: {  	s8 =	simm.s32 @!p0 $0x80;
	s14 =	sand.u32 @!p0 $0x3FFFFC00, s7;
	[sflag:s29] =	ssyncset.done $0x0  }
0xcc: {  	s9 =	simm.s32 @!p0 $0x6400;
	s7 =	sadd.s32 @!p0 $0x400, s14;
	[sflag:s29] =	ssyncadd.s32 $0xFFFFE000  }
0xcd: {  	[tilespmem:s9], [sflag:$0x1] =	stream.indirect.gather @!p0 [hbm4b:s5+s8], $0x40, s7, s8, $0xb8;
	[tilespmem:$0x16400] =	vst v63  }
0xce: {  	_ =	swait.ge [sflag:s30], $0x2000  }
0xcf: {  	[sflag:s30] =	ssyncset.done $0x0  }
0xd0: {  	s16 =	simm.s32 $0x0;
	[sflag:s30] =	ssyncadd.s32 $0xFFFFE000  }
0xd1: {  	v4 =	vld [tilespmem:s16+$0x10400]  }
0xd2: {  	v5 =	vld [tilespmem:s16+$0x10410]  }
0xd3: {  	v3 =	vld [tilespmem:s16+$0x10420]  }
0xd4: {  	s6 =	sshll.u32 s6, $0xD;
	v0 =	vld [tilespmem:s16+$0x10430]  }
0xd5: {  	s6 =	sadd.s32 s4, s6;
	v1 =	vld [tilespmem:s16+$0x10440]  }
0xd6: {  	s6 =	sshrl.u32 s6, $0x3;
	v2 =	vld [tilespmem:s16+$0x10450];
	v6 =	vmul.f32 $8.000000000e+00, v4  }
0xd7: {  	s6 =	sadd.s32 s2, s6;
	s7 =	simm.s32 $0x200;
	v5 =	vmul.f32 $8.000000000e+00, v5;
	v4 =	vld [tilespmem:s16+$0x10460]  }
.LBB2_13:
0xd8: {  	s8 =	sshra.s32 s7, $0x2;
	p1 =	sne.s32 s7, $0x7E00;
	[tilespmem:s16+$0x10400] =	vst v6;
	v3 =	vmul.f32 $8.000000000e+00, v3;
	v6 =	vld [tilespmem:s16+$0x10470]  }
0xd9: {  	v7 =	vld [tilespmem:s8+$0x10400];
	[tilespmem:s16+$0x10410] =	vst v5;
	v0 =	vmul.f32 $8.000000000e+00, v0  }
0xda: {  	v5 =	vld [tilespmem:s8+$0x10410];
	[tilespmem:s16+$0x10420] =	vst v3;
	v1 =	vmul.f32 $8.000000000e+00, v1  }
.Ltmp7:
0xdb: {  	v3 =	vld [tilespmem:s8+$0x10420];
	[tilespmem:s16+$0x10430] =	vst v0;
	v2 =	vmul.f32 $8.000000000e+00, v2;
	(pc) =	sbr.rel @p1 .LBB2_13-.Ltmp7, $4  }
0xdc: {  	v0 =	vld [tilespmem:s8+$0x10430];
	[tilespmem:s16+$0x10440] =	vst v1;
	v4 =	vmul.f32 $8.000000000e+00, v4  }
0xdd: {  	v1 =	vld [tilespmem:s8+$0x10440];
	[tilespmem:s16+$0x10450] =	vst v2;
	v8 =	vmul.f32 $8.000000000e+00, v6  }
0xde: {  	v6 =	vmul.f32 $8.000000000e+00, v7;
	v2 =	vld [tilespmem:s8+$0x10450];
	[tilespmem:s16+$0x10460] =	vst v4  }
0xdf: {  	s7 =	sadd.s32 $0x200, s7;
	v5 =	vmul.f32 $8.000000000e+00, v5;
	v4 =	vld [tilespmem:s8+$0x10460];
	[tilespmem:s16+$0x10470] =	vst v8;
	s16 =	smov.u32 s8  }
0xe0: {  	[tilespmem:s16+$0x10400] =	vst v6;
	v3 =	vmul.f32 $8.000000000e+00, v3;
	v6 =	vld [tilespmem:s16+$0x10470]  }
0xe1: {  	[tilespmem:s16+$0x10410] =	vst v5;
	v0 =	vmul.f32 $8.000000000e+00, v0  }
0xe2: {  	[tilespmem:s16+$0x10420] =	vst v3;
	v1 =	vmul.f32 $8.000000000e+00, v1  }
0xe3: {  	[tilespmem:s16+$0x10430] =	vst v0;
	v0 =	vmul.f32 $8.000000000e+00, v2  }
0xe4: {  	[tilespmem:s16+$0x10440] =	vst v1;
	v1 =	vmul.f32 $8.000000000e+00, v4  }
0xe5: {  	[tilespmem:s16+$0x10450] =	vst v0;
	v0 =	vmul.f32 $8.000000000e+00, v6  }
0xe6: {  	[tilespmem:s16+$0x10460] =	vst v1  }
0xe7: {  	[tilespmem:s16+$0x10470] =	vst v0  }
0xe8: {  	[hbm4b:s6+s3] =	stream.linear.scatter [tilespmem:s22], [sflag:$0xE], $0x2000, $0x38;
	[tilespmem:$0x16400] =	vst v63  }
0xe9: {  	_ =	swait.ge [sflag:s31], $0x2000  }
0xea: {  	s7 =	simm.s32 @!p0 $0x80;
	[sflag:s31] =	ssyncset.done $0x0  }
0xeb: {  	s8 =	simm.s32 @!p0 $0x8400;
	s6 =	sadd.s32 @!p0 $0x480, s14;
	[sflag:s31] =	ssyncadd.s32 $0xFFFFE000  }
0xec: {  	[tilespmem:s8], [sflag:$0x2] =	stream.indirect.gather @!p0 [hbm4b:s5+s7], $0x40, s6, s7, $0xb8;
	[tilespmem:$0x16400] =	vst v63  }
0xed: {  	_ =	swait.ge [sflag:s1], $0x2000  }
0xee: {  	[sflag:s1] =	ssyncset.done $0x0  }
0xef: {  	s6 =	simm.s32 $0x0;
	[sflag:s1] =	ssyncadd.s32 $0xFFFFE000  }
0xf0: {  	v4 =	vld [tilespmem:s6+$0x12400]  }
0xf1: {  	v5 =	vld [tilespmem:s6+$0x12410]  }
0xf2: {  	v3 =	vld [tilespmem:s6+$0x12420]  }
0xf3: {  	s16 =	sshll.u32 s10, $0xD;
	v0 =	vld [tilespmem:s6+$0x12430]  }
0xf4: {  	s7 =	sadd.s32 s4, s16;
	v1 =	vld [tilespmem:s6+$0x12440]  }
0xf5: {  	s7 =	sshrl.u32 s7, $0x3;
	v2 =	vld [tilespmem:s6+$0x12450];
	v6 =	vmul.f32 $8.000000000e+00, v4  }
0xf6: {  	s8 =	simm.s32 $0x200;
	s7 =	sadd.s32 s2, s7;
	v5 =	vmul.f32 $8.000000000e+00, v5;
	v4 =	vld [tilespmem:s6+$0x12460]  }
.LBB2_15:
0xf7: {  	s9 =	sshra.s32 s8, $0x2;
	p1 =	sne.s32 s8, $0x7E00;
	[tilespmem:s6+$0x12400] =	vst v6;
	v3 =	vmul.f32 $8.000000000e+00, v3;
	v6 =	vld [tilespmem:s6+$0x12470]  }
0xf8: {  	v7 =	vld [tilespmem:s9+$0x12400];
	[tilespmem:s6+$0x12410] =	vst v5;
	v0 =	vmul.f32 $8.000000000e+00, v0  }
0xf9: {  	v5 =	vld [tilespmem:s9+$0x12410];
	[tilespmem:s6+$0x12420] =	vst v3;
	v1 =	vmul.f32 $8.000000000e+00, v1  }
.Ltmp8:
0xfa: {  	v3 =	vld [tilespmem:s9+$0x12420];
	[tilespmem:s6+$0x12430] =	vst v0;
	v2 =	vmul.f32 $8.000000000e+00, v2;
	(pc) =	sbr.rel @p1 .LBB2_15-.Ltmp8, $4  }
0xfb: {  	v0 =	vld [tilespmem:s9+$0x12430];
	[tilespmem:s6+$0x12440] =	vst v1;
	v4 =	vmul.f32 $8.000000000e+00, v4  }
0xfc: {  	v1 =	vld [tilespmem:s9+$0x12440];
	[tilespmem:s6+$0x12450] =	vst v2;
	v8 =	vmul.f32 $8.000000000e+00, v6  }
0xfd: {  	v6 =	vmul.f32 $8.000000000e+00, v7;
	v2 =	vld [tilespmem:s9+$0x12450];
	[tilespmem:s6+$0x12460] =	vst v4  }
0xfe: {  	s8 =	sadd.s32 $0x200, s8;
	v5 =	vmul.f32 $8.000000000e+00, v5;
	v4 =	vld [tilespmem:s9+$0x12460];
	[tilespmem:s6+$0x12470] =	vst v8;
	s6 =	smov.u32 s9  }
0xff: {  	[tilespmem:s6+$0x12400] =	vst v6;
	v3 =	vmul.f32 $8.000000000e+00, v3;
	v6 =	vld [tilespmem:s6+$0x12470]  }
0x100: {  	[tilespmem:s6+$0x12410] =	vst v5;
	v0 =	vmul.f32 $8.000000000e+00, v0  }
0x101: {  	[tilespmem:s6+$0x12420] =	vst v3;
	v1 =	vmul.f32 $8.000000000e+00, v1  }
0x102: {  	[tilespmem:s6+$0x12430] =	vst v0;
	v0 =	vmul.f32 $8.000000000e+00, v2  }
0x103: {  	[tilespmem:s6+$0x12440] =	vst v1;
	v1 =	vmul.f32 $8.000000000e+00, v4  }
0x104: {  	[tilespmem:s6+$0x12450] =	vst v0;
	v0 =	vmul.f32 $8.000000000e+00, v6  }
0x105: {  	[tilespmem:s6+$0x12460] =	vst v1  }
0x106: {  	[tilespmem:s6+$0x12470] =	vst v0  }
0x107: {  	[hbm4b:s7+s3] =	stream.linear.scatter [tilespmem:s24], [sflag:$0xF], $0x2000, $0x38;
	[tilespmem:$0x16400] =	vst v63  }
0x108: {  	_ =	swait.ge [sflag:s0], $0x2000  }
0x109: {  	s8 =	simm.s32 @!p0 $0xA400;
	[sflag:s0] =	ssyncset.done $0x0  }
0x10a: {  	s6 =	sadd.s32 @!p0 $0x500, s14;
	s7 =	simm.s32 @!p0 $0x80;
	[sflag:s0] =	ssyncadd.s32 $0xFFFFE000  }
0x10b: {  	[tilespmem:s8], [sflag:$0x3] =	stream.indirect.gather @!p0 [hbm4b:s5+s7], $0x40, s6, s7, $0xb8;
	[tilespmem:$0x16400] =	vst v63  }
0x10c: {  	_ =	swait.ge [sflag:s15], $0x2000  }
0x10d: {  	[sflag:s15] =	ssyncset.done $0x0  }
0x10e: {  	s6 =	simm.s32 $0x0;
	[sflag:s15] =	ssyncadd.s32 $0xFFFFE000  }
0x10f: {  	v4 =	vld [tilespmem:s6+$0x14400]  }
0x110: {  	v5 =	vld [tilespmem:s6+$0x14410]  }
0x111: {  	v3 =	vld [tilespmem:s6+$0x14420]  }
0x112: {  	s16 =	sshll.u32 s13, $0xD;
	v0 =	vld [tilespmem:s6+$0x14430]  }
0x113: {  	s7 =	sadd.s32 s4, s16;
	v1 =	vld [tilespmem:s6+$0x14440]  }
0x114: {  	s7 =	sshrl.u32 s7, $0x3;
	v2 =	vld [tilespmem:s6+$0x14450];
	v6 =	vmul.f32 $8.000000000e+00, v4  }
0x115: {  	s8 =	simm.s32 $0x200;
	s7 =	sadd.s32 s2, s7;
	v5 =	vmul.f32 $8.000000000e+00, v5;
	v4 =	vld [tilespmem:s6+$0x14460]  }
.LBB2_17:
0x116: {  	s9 =	sshra.s32 s8, $0x2;
	p1 =	sne.s32 s8, $0x7E00;
	[tilespmem:s6+$0x14400] =	vst v6;
	v3 =	vmul.f32 $8.000000000e+00, v3;
	v6 =	vld [tilespmem:s6+$0x14470]  }
0x117: {  	v7 =	vld [tilespmem:s9+$0x14400];
	[tilespmem:s6+$0x14410] =	vst v5;
	v0 =	vmul.f32 $8.000000000e+00, v0  }
0x118: {  	v5 =	vld [tilespmem:s9+$0x14410];
	[tilespmem:s6+$0x14420] =	vst v3;
	v1 =	vmul.f32 $8.000000000e+00, v1  }
.Ltmp9:
0x119: {  	v3 =	vld [tilespmem:s9+$0x14420];
	[tilespmem:s6+$0x14430] =	vst v0;
	v2 =	vmul.f32 $8.000000000e+00, v2;
	(pc) =	sbr.rel @p1 .LBB2_17-.Ltmp9, $4  }
0x11a: {  	v0 =	vld [tilespmem:s9+$0x14430];
	[tilespmem:s6+$0x14440] =	vst v1;
	v4 =	vmul.f32 $8.000000000e+00, v4  }
0x11b: {  	v1 =	vld [tilespmem:s9+$0x14440];
	[tilespmem:s6+$0x14450] =	vst v2;
	v8 =	vmul.f32 $8.000000000e+00, v6  }
0x11c: {  	v6 =	vmul.f32 $8.000000000e+00, v7;
	v2 =	vld [tilespmem:s9+$0x14450];
	[tilespmem:s6+$0x14460] =	vst v4  }
0x11d: {  	s8 =	sadd.s32 $0x200, s8;
	v5 =	vmul.f32 $8.000000000e+00, v5;
	v4 =	vld [tilespmem:s9+$0x14460];
	[tilespmem:s6+$0x14470] =	vst v8;
	s6 =	smov.u32 s9  }
0x11e: {  	[tilespmem:s6+$0x14400] =	vst v6;
	v3 =	vmul.f32 $8.000000000e+00, v3;
	v60 =	vld [tilespmem:s6+$0x14470]  }
0x11f: {  	[tilespmem:s6+$0x14410] =	vst v5;
	v0 =	vmul.f32 $8.000000000e+00, v0  }
0x120: {  	[tilespmem:s6+$0x14420] =	vst v3;
	v1 =	vmul.f32 $8.000000000e+00, v1  }
0x121: {  	[tilespmem:s6+$0x14430] =	vst v0;
	v61 =	vmul.f32 $8.000000000e+00, v2  }
0x122: {  	[tilespmem:s6+$0x14440] =	vst v1;
	v62 =	vmul.f32 $8.000000000e+00, v4  }
0x123: {  	[tilespmem:s6+$0x14450] =	vst v61;
	v63 =	vmul.f32 $8.000000000e+00, v60  }
0x124: {  	[tilespmem:s6+$0x14460] =	vst v62  }
.Ltmp10:
0x125: {  	[tilespmem:s6+$0x14470] =	vst v63;
	(pc) =	sbr.rel @p0 .LBB2_20-.Ltmp10, $4  }
0x126: {  	[hbm4b:s7+s3] =	stream.linear.scatter [tilespmem:s26], [sflag:$0x10], $0x2000, $0x38;
	[tilespmem:$0x16400] =	vst v63  }
0x127: {  	_ =	swait.ge [sflag:s17], $0x2000  }
0x128: {  	[sflag:s17] =	ssyncset.done $0x0  }
0x129: {  	[sflag:s17] =	ssyncadd.s32 $0xFFFFE000  }
.Ltmp11:
0x12a: {  	(pc) =	sbr.rel .LBB2_2-.Ltmp11, $4  }
0x12b: {  	s6 =	sshll.u32 s11, $0xA  }
0x12c: {  	s6 =	sand.u32 $0x3FFFFC00, s6  }
0x12d: {  	s11 =	sadd.s32 $0x1, s11;
	s6 =	sadd.s32 $0x580, s6  }
0x12e: {  	[tilespmem:s18], [sflag:$0x4] =	stream.indirect.gather [hbm4b:s5+s12], $0x40, s6, s12, $0xb8;
	[tilespmem:$0x16400] =	vst v63  }
.LBB2_21:
0x12f: {  	_ =	sfence.sel $0x180000  }
0x130: {  	[bflag:$0x0] =	sbarrier.arrive $0xFFFF  }
0x131: {  	_ =	strace $0x90000047  }
0x132: {  	s0 =	stileid.u32;
	[bflag:$0x2] =	sbarrier.arrive $0xFFFF  }
0x133: {  	p0 =	sne.s32 s0, $0x0;
	s0 =	rddreg [dreg:$0x2]  }
0x134: {  	s0 =	sadd.s32 @!p0 $0x100000, s0  }
0x135: {  	[sflag:s0] =	ssyncadd.tile.s32 @!p0 $0x1;
	_ =	shalt  }
.Lfunc_end2:
_tile_overlayer_lowered:
.L_overlay_start_2:
0x136: {  	(tag) =	ssettag $0x2  }
0x137: {  	s0 =	rddreg [dreg:$0x0];
	s2 =	stileid.u32  }
0x138: {  	s1 =	rddreg [dreg:$0x1];
	p0 =	sne.s32 s2, $0x0  }
0x139: {  	s3 =	rddreg [dreg:$0x2];
	[bflag:$0x3] =	sbarrier.arrive $0xFFFF;
	s2 =	simm.s32 @!p0 $0x1C11  }
0x13a: {  	[timem:s3], [sflag:s2] =	dma.local @!p0 [hbm:s0], s1  }
0x13b: {  	s0 =	simm.s32 @!p0 $0x11  }
0x13c: {  	_ =	swait.ge @!p0 [sflag:s0], s1  }
0x13d: {  	s1 =	ssub.s32 @!p0 $0x0, s1;
	[sflag:s0] =	ssyncset.done @!p0 $0x0  }
0x13e: {  	[sflag:s0] =	ssyncadd.s32 @!p0 s1  }
0x13f: {  	[bflag:$0x3] =	sbarrier.arrive $0xFFFF  }
0x140: {  	_ =	shalt  }

// kernel: sparse-core-data-format-call.cloned.1.call-start
scs
called_computation_lowered:
.L_overlay_start_0:
0x0: {  	s2 =	sld [smem:$0x3FD9]  }
0x1: {  	s3 =	sld [smem:$0x3FFE];
	_ =	sdelay $0x1  }
0x2: {  	s1 =	srdreg.scid  }
0x3: {  	s0 =	sand.u32 $0x1, s1  }
0x4: {  	s18 =	sshll.u32 s0, $0xA;
	s2 =	sadd.s32 s3, s2  }
0x5: {  	s2 =	sadd.s32 s2, s18  }
0x6: {  	[smem:$0x3FC6] =	sst s2  }
0x7: {  	_ = 	snop  }
0x8: {  	s2 =	sld [smem:$0x3FD0];
	(tm) =	ssettm $0x1  }
0x9: {  	s19 =	sld [smem:$0x3FFB];
	_ =	sdelay $0x3  }
0xa: {  	_ =	strace s19  }
0xb: {  	s3 =	sld [smem:$0x3FFC];
	_ =	sdelay $0x3  }
0xc: {  	_ =	strace s3  }
0xd: {  	s3 =	sld [smem:$0x3FFD];
	_ =	sdelay $0x3  }
0xe: {  	_ =	strace s3  }
0xf: {  	_ =	strace $0x8FFFFFFF  }
0x10: {  	s20 =	sld [smem:$0x3FDB];
	_ =	sdelay $0x1  }
0x11: {  	s4 =	simm.s32 $_scs_section_size  }
0x12: {  	s5 =	simm.s32 $_size__tile_overlayer_lowered;
	s6 =	simm.s32 $_tile_overlayer_lowered  }
0x13: {  	s23 =	simm.s32 $0x1BFF;
	s22 =	sshll.u32 s6, $0x1;
	s3 =	sadd.s32 s4, s20  }
0x14: {  	s7 =	simm.s32 $0x0;
	s21 =	sshll.u32 s5, $0x1;
	s5 =	sadd.s32 s22, s3  }
0x15: {  	[timem:s7], [sflag:s23] =	dma.local [hbm:s5], s21  }
0x16: {  	_ =	swait.ge [sflag:s23], s21  }
0x17: {  	s4 =	ssub.s32 $0x0, s21;
	[sflag:s23] =	ssyncset.done $0x0  }
0x18: {  	[sflag:s23] =	ssyncadd.s32 s4;
	_ =	sdelay $0x1  }
0x19: {  	s24 =	simm.s32 $0x1B8B  }
0x1a: {  	_ =	swait.ge [sflag:s24], $0x1  }
0x1b: {  	[sflag:s24] =	ssyncset.done $0x0  }
0x1c: {  	s26 =	simm.s32 $0x1B8E;
	s25 =	sld [smem:$0x3FFE];
	[sflag:s24] =	ssyncadd.s32 $0xFFFFFFFF  }
0x1d: {  	s27 =	simm.s32 $execute0_lowered;
	[smem:$0x3FD2] =	sst s26  }
0x1e: {  	s5 =	sshll.u32 s27, $0x1;
	_ =	strace $0x80000049;
	[dreg:$0x1] =	wrdreg $0xFFFFFFFF  }
0x1f: {  	s28 =	simm.s32 $_size_execute0_lowered;
	s3 =	sadd.s32 s3, s5;
	[dreg:$0x0] =	wrdreg $0x0  }
0x20: {  	s5 =	sshll.u32 s28, $0x1;
	[dreg:$0x2] =	wrdreg s3  }
0x21: {  	[dreg:$0x3] =	wrdreg s5  }
0x22: {  	[dreg:$0x4] =	wrdreg $0xC0  }
0x23: {  	_ =	task [dreg:s7], $0x5FFFF  }
0x24: {  	[dreg:$0x1] =	wrdreg $0xFFFFFFFF  }
0x25: {  	[dreg:$0x0] =	wrdreg $0x60  }
0x26: {  	[dreg:$0x2] =	wrdreg s25  }
0x27: {  	[dreg:$0x3] =	wrdreg s2  }
0x28: {  	[dreg:$0x4] =	wrdreg $0x9  }
0x29: {  	_ =	task.clear_ibuf [dreg:s7], $0x5FFFF;
	_ =	strace $0x90000049  }
0x2a: {  	s29 =	simm.s32 $0x9;
	_ =	strace $0x8000004B  }
0x2b: {  	_ =	swait.ge [sflag:s29], $0x1  }
0x2c: {  	[sflag:s29] =	ssyncadd.s32 $0xFFFFFFFF  }
0x2d: {  	_ =	strace $0x9000004B  }
0x2e: {  	_ =	sfence  }
0x2f: {  	s30 =	sld [smem:$0x0];
	_ =	sdelay $0x2  }
0x30: {  	s31 =	sshll.u32 s1, $0xD;
	s1 =	sshrl.u32 s1, $0x2  }
0x31: {  	s3 =	sand.u32 $0x4000, s31;
	s1 =	sadd.s32 s1, s30  }
0x32: {  	s0 =	sor.u32 s3, s0;
	s1 =	sshll.u32 s1, $0x11  }
0x33: {  	s0 =	sor.u32 s1, s0  }
0x34: {  	s0 =	sadd.s32 $0x8F2B, s0  }
0x35: {  	[sflag:s0] =	ssyncadd.remote.s32 $0x1  }
0x36: {  	_ =	sfence.sel $0xFFFF  }
0x37: {  	[dreg:$0x0] =	wrdreg $0xFFFFFFFF;
	(pc) =	sbr.abs _section_cstart, $3  }
0x38: {  	[dreg:$0x1] =	wrdreg $0xFFFFFFFF  }
0x39: {  	_ =	task.clear_ibuf [dreg:s7], $0x2FFFF;
	_ =	strace $0x9FFFFFFF  }
0x3a: {  	(tm) =	ssettm $0x7FFFFFFF  }
0x3b: {  	_ =	shalt  }
tec
execute0_lowered:
.L_overlay_start_1:
0x0: {  	(tag) =	ssettag $0x1  }
0x1: {  	s0 =	srdreg.scid  }
0x2: {  	s1 =	sshll.u32 s0, $0x4  }
0x3: {  	s0 =	stileid.u32;
	s1 =	sand.u32 $0x10, s1  }
0x4: {  	s1 =	sor.u32 s0, s1  }
0x5: {  	s6 =	rddreg [dreg:$0x0];
	s4 =	simm.s32 $0x1;
	s2 =	sshll.u32 s1, $0x7  }
0x6: {  	s7 =	simm.s32 $0x2;
	s12 =	simm.s32 $0x0;
	s1 =	ssub.s32 $0x1000, s2  }
0x7: {  	s8 =	simm.s32 $0x8000;
	s13 =	simm.s32 $0x0;
	s3 =	sand.u32 $0xF80, s1  }
0x8: {  	s9 =	simm.s32 $0x0;
	s5 =	sshrl.u32 s1, $0xC;
	p0 =	sne.s32 s3, $0x0  }
.Ltmp0:
0x9: {  	s1 =	rddreg [dreg:$0x2];
	s4 =	simm.s32 @!p0 $0x0;
	(pc) =	sbr.rel .LBB1_1-.Ltmp0, $4  }
0xa: {  	s11 =	simm.s32 $0x0;
	s3 =	rddreg [dreg:$0x1];
	s5 =	sadd.s32 s4, s5  }
0xb: {  	_ =	strace $0x8000004A;
	s4 =	simm.s32 $0x1;
	s5 =	smul.u32 $0xC8, s5  }
0xc: {  	s6 =	sadd.s32 $0xA00, s6;
	s10 =	smov.u32 s2;
	[sflag:s4] =	ssyncpa.u1 $0x0  }
0xd: {  	p0 =	por $0x0, $0x0;
	[sflag:s7] =	ssyncpa.u1 $0x0;
	s7 =	sor.u32 $0x1, s5  }
.LBB1_4:
0xe: {  	s16 =	sshll.u32 s13, $0x3;
	s17 =	sand.u32 $0x78, s13  }
0xf: {  	s30 =	sand.u32 $0x7E00, s13;
	s12 =	sshll.u32 s12, $0xF;
	s16 =	sand.u32 $0xC00, s16  }
0x10: {  	[tilespmem:s15+$0x810 ss:$0x81] =	vst.msk $0xffff, v2;
	s31 =	sand.u32 $0x7, s13;
	s16 =	sor.u32 s17, s16;
	s17 =	sadd.s32 s3, s30  }
0x11: {  	[tilespmem:s15+$0x1020 ss:$0x81] =	vst.msk $0xffff, v0;
	s13 =	sshll.u32 s31, $0x12;
	s12 =	sadd.s32 s12, s17;
	s16 =	sshrl.u32 s16, $0x3  }
0x12: {  	[tilespmem:s15+$0x0 ss:$0x81] =	vst.msk $0xffff, v1;
	s13 =	sor.u32 $0x400, s13;
	s12 =	sadd.s32 s16, s12  }
0x13: {  	[hbm4b:s12+s13] =	stream.strided.scatter [tilespmem:s14], [sflag:$0x2], $0x2000, s8, s13, $0x20;
	[tilespmem:$0x8080] =	vst v63  }
.LBB1_5:
0x14: {  	s14 =	sadd.s32 $0x1, s9  }
0x15: {  	s12 =	sadd.s32 $0x1000, s10;
	s16 =	smov.u32 s10;
	p2 =	sgt.s32 s14, $0xC7  }
0x16: {  	s16 =	smov.u32 @p2 s12  }
0x17: {  	s14 =	simm.s32 @p2 $0x0;
	p2 =	sgt.s32 s16, $0xFFF  }
0x18: {  	s16 =	smov.u32 @p2 s2;
	p2 =	sne.s32 s11, s7  }
.Ltmp1:
0x19: {  	p1 =	slt.u32 s11, $0x2;
	(pc) =	sbr.rel @!p2 .LBB1_6-.Ltmp1, $4  }
0x1a: {  	s15 =	simm.s32 @!p1 $0x2  }
0x1b: {  	s13 =	smov.u32 s10;
	p0 =	por !p0, !p0;
	_ =	swait.ge @!p1 [sflag:s15], $0x2000  }
0x1c: {  	s12 =	smov.u32 s9;
	[sflag:s15] =	ssyncset.done @!p1 $0x0;
	s9 =	smov.u32 s14  }
0x1d: {  	s11 =	sadd.s32 $0x1, s11;
	[sflag:s15] =	ssyncadd.s32 @!p1 $0xFFFFE000;
	s10 =	smov.u32 s16  }
.LBB1_1:
0x1e: {  	p1 =	sge.u32 s11, s5  }
0x1f: {  	s14 =	sand.u32 @!p1 $0x1FFFFFF, s9  }
0x20: {  	s15 =	smulhi.u32 @!p1 $0x147AE15, s14;
	_ =	sdelay $0x1  }
0x21: {  	s15 =	smul.u32 @!p1 $0xC8, s15  }
0x22: {  	s16 =	sxor.u32 @!p1 $0xFFFFFFFF, s11;
	s17 =	smul.u32 @!p1 $0xC80, s10  }
0x23: {  	s31 =	sadd.s32 $0xFFFFFFFF, s11;
	s16 =	sshll.u32 @!p1 s16, $0xD;
	s14 =	ssub.s32 @!p1 s14, s15  }
0x24: {  	s15 =	sand.u32 @!p1 $0x2000, s16;
	s16 =	sadd.s32 @!p1 s6, s17;
	s14 =	sshll.u32 @!p1 s14, $0x4  }
0x25: {  	s17 =	simm.s32 @!p1 $0x6400;
	s14 =	sadd.s32 @!p1 s14, s16;
	s16 =	simm.s32 @!p1 $0x40  }
0x26: {  	[tilespmem:s15], [sflag:$0x1] =	stream.strided.gather @!p1 [hbm4b:s14+s16], $0x2000, s17, s16, $0x38;
	[tilespmem:$0x8080] =	vst v63  }
0x27: {  	p1 =	sge.u32 s31, s5  }
.Ltmp2:
0x28: {  	_ = 	snop;
	(pc) =	sbr.rel @p1 .LBB1_5-.Ltmp2, $1  }
0x29: {  	_ =	sdelay $0x3  }
0x2a: {  	s14 =	simm.s32 $0x1  }
0x2b: {  	_ =	swait.ge [sflag:s4], $0x2000;
	s14 =	simm.s32 @!p0 $0x0  }
0x2c: {  	[sflag:s4] =	ssyncset.done $0x0;
	s15 =	sshll.u32 s14, $0xD  }
0x2d: {  	[sflag:s4] =	ssyncadd.s32 $0xFFFFE000;
	s18 =	sor.u32 $0x20, s15  }
0x2e: {  	s14 =	smul.u32 $0x8100, s14;
	v3 =	vld [tilespmem:s18+$0x10]  }
0x2f: {  	s30 =	sand.u32 $0x1, s11;
	v2 =	vld [tilespmem:s18+$0xFFFFFFF0]  }
0x30: {  	s15 =	smul.u32 $0x8100, s30;
	s14 =	sshrl.u32 s14, $0x2;
	v0 =	vld [tilespmem:s18+$0x0]  }
0x31: {  	v1 =	vld [tilespmem:s18+$0xFFFFFFE0];
	s16 =	sor.u32 $0x4000, s14  }
0x32: {  	s31 =	sshrl.u32 s15, $0x2;
	s15 =	sadd.s32 $0x0, s16  }
0x33: {  	s17 =	simm.s32 $0x4;
	s18 =	sadd.s32 $0x40, s18;
	s14 =	sor.u32 $0x4000, s31;
	[tilespmem:s15+$0x1830 ss:$0x81] =	vst.msk $0xffff, v3  }
.LBB1_3:
0x34: {  	v3 =	vld [tilespmem:s18+$0x10];
	p1 =	sne.s32 s17, $0x1FC;
	[tilespmem:s15+$0x810 ss:$0x81] =	vst.msk $0xffff, v2;
	s19 =	smov.u32 s17;
	s17 =	sadd.s32 $0x4, s17  }
.Ltmp3:
0x35: {  	v2 =	vld [tilespmem:s18+$0xFFFFFFF0];
	[tilespmem:s15+$0x1020 ss:$0x81] =	vst.msk $0xffff, v0;
	(pc) =	sbr.rel @p1 .LBB1_3-.Ltmp3, $4  }
0x36: {  	v0 =	vld [tilespmem:s18+$0x0];
	[tilespmem:s15+$0x0 ss:$0x81] =	vst.msk $0xffff, v1  }
0x37: {  	s15 =	sshra.s32 s19, $0x2;
	v1 =	vld [tilespmem:s18+$0xFFFFFFE0]  }
0x38: {  	s15 =	sadd.s32 s15, s16  }
0x39: {  	s18 =	sadd.s32 $0x40, s18;
	[tilespmem:s15+$0x1830 ss:$0x81] =	vst.msk $0xffff, v3  }
.Ltmp4:
0x3a: {  	_ = 	snop;
	(pc) =	sbr.rel .LBB1_4-.Ltmp4, $1  }
0x3b: {  	_ =	sdelay $0x3  }
.LBB1_6:
0x3c: {  	_ =	sfence.sel $0x180000  }
0x3d: {  	s2 =	simm.s32 $0x1;
	[bflag:$0x0] =	sbarrier.arrive $0xFFFF  }
0x3e: {  	s31 =	simm.s32 $0x2;
	[sflag:s2] =	ssyncpa.u1 $0x1  }
0x3f: {  	[sflag:s31] =	ssyncpa.u1 $0x1  }
0x40: {  	p0 =	sne.s32 s0, $0x0;
	_ =	strace $0x9000004A  }
0x41: {  	s0 =	sadd.s32 @!p0 $0x100000, s1;
	[bflag:$0x2] =	sbarrier.arrive $0xFFFF  }
0x42: {  	[sflag:s0] =	ssyncadd.tile.s32 @!p0 $0x1;
	_ =	shalt  }
.Lfunc_end1:
_tile_overlayer_lowered:
.L_overlay_start_2:
0x43: {  	(tag) =	ssettag $0x2  }
0x44: {  	s0 =	rddreg [dreg:$0x0];
	s2 =	stileid.u32  }
0x45: {  	s1 =	rddreg [dreg:$0x1];
	p0 =	sne.s32 s2, $0x0  }
0x46: {  	s3 =	rddreg [dreg:$0x2];
	[bflag:$0x3] =	sbarrier.arrive $0xFFFF;
	s2 =	simm.s32 @!p0 $0x1C01  }
0x47: {  	[timem:s3], [sflag:s2] =	dma.local @!p0 [hbm:s0], s1  }
0x48: {  	s0 =	simm.s32 @!p0 $0x1  }
0x49: {  	_ =	swait.ge @!p0 [sflag:s0], s1  }
0x4a: {  	s1 =	ssub.s32 @!p0 $0x0, s1;
	[sflag:s0] =	ssyncset.done @!p0 $0x0  }
0x4b: {  	[sflag:s0] =	ssyncadd.s32 @!p0 s1  }
0x4c: {  	[bflag:$0x3] =	sbarrier.arrive $0xFFFF  }
0x4d: {  	_ =	shalt  }

</sc_bundles>
